<compile_context>
chip_gen: v7x
topology: tpu7x:2x2x1
jax: 0.10.2.dev20260603
libtpu: 0.0.44.dev20260713+nightly
codegen_flags: <defaults>
</compile_context>

<pallas_src>
import functools

import jax
import jax.numpy as jnp
from jax import lax
from jax.experimental import pallas as pl
from jax.experimental.pallas import tpu as pltpu
from jax.experimental.pallas import tpu_sc as plsc

N_U = 10000
D = 128
E_REL = 320000
CHUNK = 80
NS = 16
NC = 2
CH_PER_CORE = E_REL // CHUNK
CH_MAIN = CH_PER_CORE // NS
NROW = 4
NIDX = 8
R_MAIN = 624
R_TAIL = N_U - R_MAIN * NS


def _sc_aggregate(x_stack, src_all, dst_all):
    mesh = plsc.VectorSubcoreMesh(core_axis_name="c", subcore_axis_name="s")

    @functools.partial(
        pl.kernel,
        out_type=(
            jax.ShapeDtypeStruct((NC * N_U, D), jnp.float32),
            jax.ShapeDtypeStruct((NC * N_U,), jnp.float32),
        ),
        mesh=mesh,
        scratch_types=[
            [pltpu.VMEM((CHUNK,), jnp.int32) for _ in range(NIDX)],
            [pltpu.VMEM((CHUNK,), jnp.int32) for _ in range(NIDX)],
            [pltpu.VMEM((CHUNK, D), jnp.float32) for _ in range(NROW)],
            pltpu.VMEM((CHUNK,), jnp.float32),
            pltpu.VMEM((R_MAIN,), jnp.float32),
            pltpu.VMEM_SHARED((N_U, D), jnp.float32),
            pltpu.VMEM_SHARED((N_U,), jnp.float32),
            [pltpu.SemaphoreType.DMA for _ in range(NIDX)],
            [pltpu.SemaphoreType.DMA for _ in range(NROW)],
            [pltpu.SemaphoreType.DMA for _ in range(NROW)],
        ],
    )
    def k(x_hbm, src_hbm, dst_hbm, agg_hbm, deg_hbm,
          src_v, dst_v, rows_v, ones_v, zdeg_v, acc_sh, deg_sh,
          si, sg, ss):
        c = lax.axis_index("c")
        s = lax.axis_index("s")

        def init_ones(i, carry):
            ones_v[pl.ds(i * 16, 16)] = jnp.full((16,), 1.0, jnp.float32)
            return carry
        lax.fori_loop(0, CHUNK // 16, init_ones, 0)

        def init_zdeg(i, carry):
            zdeg_v[pl.ds(i * 16, 16)] = jnp.zeros((16,), jnp.float32)
            return carry
        lax.fori_loop(0, R_MAIN // 16, init_zdeg, 0)

        def init_rows(i, carry):
            rows_v[0][i // 8, pl.ds((i % 8) * 16, 16)] = jnp.zeros((16,), jnp.float32)
            return carry
        lax.fori_loop(0, CHUNK * 8, init_rows, 0)

        row0 = s * R_MAIN
        for kk in range(R_MAIN // CHUNK):
            pltpu.sync_copy(rows_v[0], acc_sh.at[pl.ds(row0 + kk * CHUNK, CHUNK)])
        rem = R_MAIN % CHUNK
        pltpu.sync_copy(rows_v[0].at[pl.ds(0, rem)],
                        acc_sh.at[pl.ds(row0 + R_MAIN - rem, rem)])
        pltpu.sync_copy(zdeg_v, deg_sh.at[pl.ds(row0, R_MAIN)])

        @pl.when(s == NS - 1)
        def _():
            pltpu.sync_copy(rows_v[0].at[pl.ds(0, R_TAIL)],
                            acc_sh.at[pl.ds(N_U - R_TAIL, R_TAIL)])
            pltpu.sync_copy(zdeg_v.at[pl.ds(0, R_TAIL)],
                            deg_sh.at[pl.ds(N_U - R_TAIL, R_TAIL)])

        plsc.subcore_barrier()

        base_ch = c * CH_PER_CORE + s * CH_MAIN

        def ebase(g):
            return (base_ch + g) * CHUNK

        def issue_idx(g, r):
            pltpu.async_copy(src_hbm.at[pl.ds(ebase(g), CHUNK)], src_v[r], si[r])
            pltpu.async_copy(dst_hbm.at[pl.ds(ebase(g), CHUNK)], dst_v[r], si[r])

        def wait_idx(g, r):
            pltpu.make_async_copy(src_hbm.at[pl.ds(ebase(g), CHUNK)],
                                  src_v[r], si[r]).wait()
            pltpu.make_async_copy(dst_hbm.at[pl.ds(ebase(g), CHUNK)],
                                  dst_v[r], si[r]).wait()

        def issue_gather(r, p):
            pltpu.async_copy(x_hbm.at[src_v[r]], rows_v[p], sg[p])

        def wait_gather(r, p):
            pltpu.make_async_copy(x_hbm.at[src_v[r]], rows_v[p], sg[p]).wait()

        def issue_scatter(r, p):
            pltpu.async_copy(rows_v[p], acc_sh.at[dst_v[r]], ss[p], add=True)
            pltpu.async_copy(ones_v, deg_sh.at[dst_v[r]], ss[p], add=True)

        def wait_scatter(r, p):
            pltpu.make_async_copy(rows_v[p], acc_sh.at[dst_v[r]], ss[p]).wait()
            pltpu.make_async_copy(ones_v, deg_sh.at[dst_v[r]], ss[p]).wait()

        def step(g, gm4, gm8, drain_sc=True, pf_idx=True, issue_g=True):
            p, r = gm4, gm8
            p2 = (gm4 + 2) % NROW
            r2f = (gm8 + 6) % NIDX
            r2 = (gm8 + 2) % NIDX
            r5 = (gm8 + 5) % NIDX
            wait_gather(r, p)
            issue_scatter(r, p)
            if drain_sc:
                wait_scatter(r2f, p2)
            if issue_g:
                wait_idx(g + 2, r2)
                issue_gather(r2, p2)
            if pf_idx:
                issue_idx(g + 5, r5)

        for g in range(5):
            issue_idx(g, g)
        wait_idx(0, 0)
        issue_gather(0, 0)
        wait_idx(1, 1)
        issue_gather(1, 1)
        step(0, 0, 0, drain_sc=False)
        step(1, 1, 1, drain_sc=False)

        def body(i, carry):
            g0 = 2 + i * 8
            for j in range(8):
                step(g0 + j, (2 + j) % NROW, (2 + j) % NIDX)
            return carry
        lax.fori_loop(0, (CH_MAIN - 10) // 8, body, 0)

        for g in range(CH_MAIN - 8, CH_MAIN):
            step(g, g % NROW, g % NIDX,
                 pf_idx=(g + 5 < CH_MAIN), issue_g=(g + 2 < CH_MAIN))
        wait_scatter((CH_MAIN - 2) % NIDX, (CH_MAIN - 2) % NROW)
        wait_scatter((CH_MAIN - 1) % NIDX, (CH_MAIN - 1) % NROW)

        plsc.subcore_barrier()

        out0 = c * N_U + row0
        pltpu.sync_copy(acc_sh.at[pl.ds(row0, R_MAIN)],
                        agg_hbm.at[pl.ds(out0, R_MAIN)])
        pltpu.sync_copy(deg_sh.at[pl.ds(row0, R_MAIN)], zdeg_v)
        pltpu.sync_copy(zdeg_v, deg_hbm.at[pl.ds(out0, R_MAIN)])

        @pl.when(s == NS - 1)
        def _():
            pltpu.sync_copy(acc_sh.at[pl.ds(N_U - R_TAIL, R_TAIL)],
                            agg_hbm.at[pl.ds(c * N_U + N_U - R_TAIL, R_TAIL)])
            pltpu.sync_copy(deg_sh.at[pl.ds(N_U - R_TAIL, R_TAIL)],
                            ones_v.at[pl.ds(0, R_TAIL)])
            pltpu.sync_copy(ones_v.at[pl.ds(0, R_TAIL)],
                            deg_hbm.at[pl.ds(c * N_U + N_U - R_TAIL, R_TAIL)])

    return k(x_stack, src_all, dst_all)


def _tc_finish(aggs, degs, w_f, w_b):
    BR = 2000
    nblk = N_U // BR
    degs2 = degs.reshape(NC * N_U, 1)

    def body(a0_ref, a1_ref, d0_ref, d1_ref, w0_ref, w1_ref, o_ref):
        d0 = jnp.maximum(d0_ref[...], 1.0)
        d1 = jnp.maximum(d1_ref[...], 1.0)
        a0 = a0_ref[...] / d0
        a1 = a1_ref[...] / d1
        o_ref[...] = (
            jnp.dot(a0, w0_ref[...], preferred_element_type=jnp.float32)
            + jnp.dot(a1, w1_ref[...], preferred_element_type=jnp.float32)
        )

    return pl.pallas_call(
        body,
        grid=(nblk,),
        in_specs=[
            pl.BlockSpec((BR, D), lambda i: (i, 0)),
            pl.BlockSpec((BR, D), lambda i: (i + nblk, 0)),
            pl.BlockSpec((BR, 1), lambda i: (i, 0)),
            pl.BlockSpec((BR, 1), lambda i: (i + nblk, 0)),
            pl.BlockSpec((D, D), lambda i: (0, 0)),
            pl.BlockSpec((D, D), lambda i: (0, 0)),
        ],
        out_specs=pl.BlockSpec((BR, D), lambda i: (i, 0)),
        out_shape=jax.ShapeDtypeStruct((N_U, D), jnp.float32),
    )(aggs, aggs, degs2, degs2, w_f, w_b)


def kernel(x_user, x_item, edge_index_follows, edge_index_bought,
           W_follows, W_bought):
    src_f = edge_index_follows[0].astype(jnp.int32)
    dst_f = edge_index_follows[1].astype(jnp.int32)
    src_b = edge_index_bought[0].astype(jnp.int32) + N_U
    dst_b = edge_index_bought[1].astype(jnp.int32)
    x_stack = jnp.concatenate([x_user, x_item], axis=0)
    src_all = jnp.concatenate([src_f, src_b])
    dst_all = jnp.concatenate([dst_f, dst_b])
    aggs, degs = _sc_aggregate(x_stack, src_all, dst_all)
    return _tc_finish(aggs, degs, W_follows, W_bought)

# --- scband reference (transcript-rebuilt; emitter-appended) ---
"""Pipeline reference for scband-hetero-graph-conv-10934986735753 (READ-ONLY COPY).

The authoritative reference and input builder live on the scoring server;
editing this copy changes nothing except your own understanding.
"""

import jax, jax.numpy as jnp
import numpy as np

N_USER = 10000
N_ITEM = 10000
E = 320000
D = 128


def setup_inputs(seed: int = 0) -> dict:
    key = jax.random.key(seed)
    k1, k2, k3, k4, k5, k6 = jax.random.split(key, 6)
    return {
        "x_user": jax.random.normal(k1, (N_USER, D), dtype=jnp.float32),
        "x_item": jax.random.normal(k2, (N_ITEM, D), dtype=jnp.float32),
        "edge_index_follows": jax.random.randint(k3, (2, E), 0, N_USER),
        "edge_index_bought": jax.random.randint(k4, (2, E), 0, N_USER),
        "W_follows": jax.random.normal(k5, (D, D), dtype=jnp.float32) / np.sqrt(D),
        "W_bought": jax.random.normal(k6, (D, D), dtype=jnp.float32) / np.sqrt(D),
    }


def _rel_graph_conv(x_src, src, dst, W, num_dst):
    # GraphConv-style sub-module for one relation: gather -> scatter-add ->
    # in-degree (mean) normalization -> linear projection.
    msg = jnp.take(x_src, src, axis=0)                       # gather  [E, D]
    agg = jax.ops.segment_sum(msg, dst, num_segments=num_dst)  # scatter-add [N_dst, D]
    deg = jax.ops.segment_sum(jnp.ones_like(dst, dtype=x_src.dtype), dst, num_segments=num_dst)
    agg = agg / jnp.maximum(deg, 1.0)[:, None]
    return agg @ W


def reference(x_user, x_item, edge_index_follows, edge_index_bought, W_follows, W_bought):
    # Heterograph with canonical etypes:
    #   ('user', 'follows', 'user') and ('item', 'bought_by', 'user')
    # Both write to dst type 'user'; outputs aggregated with agg='sum'
    # (stack along new dim 0 then sum, per _agg_func/_sum_reduce_func).
    src1, dst1 = edge_index_follows[0], edge_index_follows[1]
    h1 = _rel_graph_conv(x_user, src1, dst1, W_follows, N_USER)
    src2, dst2 = edge_index_bought[0], edge_index_bought[1]
    h2 = _rel_graph_conv(x_item, src2, dst2, W_bought, N_USER)
    stacked = jnp.stack([h1, h2], axis=0)
    out_user = jnp.sum(stacked, axis=0)
    return out_user

if __name__ == "__main__":
    import jax
    _d = setup_inputs()
    print(jax.jit(kernel)(*tuple(_d.values())))

</pallas_src>

<mosaic_0001>
#map = affine_map<(d0, d1) -> (0, 0)>
#map1 = affine_map<(d0, d1) -> (0)>
module attributes {stable_mosaic.version = 14 : i64} {
  func.func @k(%arg0: i32, %arg1: i32, %arg2: memref<20000x128xf32, #tpu.memory_space<hbm>>, %arg3: memref<640000xi32, #tpu.memory_space<hbm>>, %arg4: memref<640000xi32, #tpu.memory_space<hbm>>, %arg5: memref<20000x128xf32, #tpu.memory_space<hbm>>, %arg6: memref<20000xf32, #tpu.memory_space<hbm>>, %arg7: memref<80xi32, #tpu.memory_space<vmem>>, %arg8: memref<80xi32, #tpu.memory_space<vmem>>, %arg9: memref<80xi32, #tpu.memory_space<vmem>>, %arg10: memref<80xi32, #tpu.memory_space<vmem>>, %arg11: memref<80xi32, #tpu.memory_space<vmem>>, %arg12: memref<80xi32, #tpu.memory_space<vmem>>, %arg13: memref<80xi32, #tpu.memory_space<vmem>>, %arg14: memref<80xi32, #tpu.memory_space<vmem>>, %arg15: memref<80xi32, #tpu.memory_space<vmem>>, %arg16: memref<80xi32, #tpu.memory_space<vmem>>, %arg17: memref<80xi32, #tpu.memory_space<vmem>>, %arg18: memref<80xi32, #tpu.memory_space<vmem>>, %arg19: memref<80xi32, #tpu.memory_space<vmem>>, %arg20: memref<80xi32, #tpu.memory_space<vmem>>, %arg21: memref<80xi32, #tpu.memory_space<vmem>>, %arg22: memref<80xi32, #tpu.memory_space<vmem>>, %arg23: memref<80x128xf32, #tpu.memory_space<vmem>>, %arg24: memref<80x128xf32, #tpu.memory_space<vmem>>, %arg25: memref<80x128xf32, #tpu.memory_space<vmem>>, %arg26: memref<80x128xf32, #tpu.memory_space<vmem>>, %arg27: memref<80xf32, #tpu.memory_space<vmem>>, %arg28: memref<624xf32, #tpu.memory_space<vmem>>, %arg29: memref<10000x128xf32, #tpu.memory_space<vmem_shared>>, %arg30: memref<10000xf32, #tpu.memory_space<vmem_shared>>, %arg31: memref<!tpu.dma_semaphore, #tpu.memory_space<semaphore_mem>>, %arg32: memref<!tpu.dma_semaphore, #tpu.memory_space<semaphore_mem>>, %arg33: memref<!tpu.dma_semaphore, #tpu.memory_space<semaphore_mem>>, %arg34: memref<!tpu.dma_semaphore, #tpu.memory_space<semaphore_mem>>, %arg35: memref<!tpu.dma_semaphore, #tpu.memory_space<semaphore_mem>>, %arg36: memref<!tpu.dma_semaphore, #tpu.memory_space<semaphore_mem>>, %arg37: memref<!tpu.dma_semaphore, #tpu.memory_space<semaphore_mem>>, %arg38: memref<!tpu.dma_semaphore, #tpu.memory_space<semaphore_mem>>, %arg39: memref<!tpu.dma_semaphore, #tpu.memory_space<semaphore_mem>>, %arg40: memref<!tpu.dma_semaphore, #tpu.memory_space<semaphore_mem>>, %arg41: memref<!tpu.dma_semaphore, #tpu.memory_space<semaphore_mem>>, %arg42: memref<!tpu.dma_semaphore, #tpu.memory_space<semaphore_mem>>, %arg43: memref<!tpu.dma_semaphore, #tpu.memory_space<semaphore_mem>>, %arg44: memref<!tpu.dma_semaphore, #tpu.memory_space<semaphore_mem>>, %arg45: memref<!tpu.dma_semaphore, #tpu.memory_space<semaphore_mem>>, %arg46: memref<!tpu.dma_semaphore, #tpu.memory_space<semaphore_mem>>) attributes {dimension_semantics = [#tpu.dimension_semantics<core_parallel>, #tpu.dimension_semantics<subcore_parallel>], iteration_bounds = array<i64: 2, 16>, scalar_prefetch = 0 : i64, scratch_operands = 40 : i64, tpu.core_type = #tpu.core_type<sc_vector_subcore>, window_params = [{transform_indices = #map}, {transform_indices = #map1}, {transform_indices = #map1}, {transform_indices = #map}, {transform_indices = #map1}]} {
    %scan3A = arith.constant 0 : i32
    %scan3A_0 = arith.constant 0 : i32
    %scan3A_1 = arith.constant 5 : i32
    %scan3A_2 = arith.addi %scan3A_0, %scan3A_1 : i32
    %scan3A_3 = arith.constant 1 : i32
    scf.for %scan3A_454 = %scan3A_0 to %scan3A_2 step %scan3A_3  : i32 {
      %broadcast_in_dim3A = arith.constant 1.000000e+00 : f32
      %broadcast_in_dim3A_455 = vector.broadcast %broadcast_in_dim3A : f32 to vector<16xf32>
      %mul3A_456 = arith.constant 16 : i32
      %mul3A_457 = arith.muli %scan3A_454, %mul3A_456 : i32
      %swap3A = arith.index_cast %mul3A_457 : i32 to index
      %swap3A_458 = tpu.vector_load %arg27[%swap3A] {strides = array<i32>} : memref<80xf32, #tpu.memory_space<vmem>>, vector<16xf32>,
      %swap3A_459 = vector.shape_cast %swap3A_458 : vector<16xf32> to vector<16xf32>
      %swap3A_460 = vector.shape_cast %broadcast_in_dim3A_455 : vector<16xf32> to vector<16xf32>
      tpu.vector_store %arg27[%swap3A], %swap3A_460 {strides = array<i32>} : memref<80xf32, #tpu.memory_space<vmem>>, vector<16xf32>,
    }
    %scan3A_4 = arith.constant 5 : i32
    %scan3A_5 = arith.constant 0 : i32
    %scan3A_6 = arith.constant 0 : i32
    %scan3A_7 = arith.constant 39 : i32
    %scan3A_8 = arith.addi %scan3A_6, %scan3A_7 : i32
    %scan3A_9 = arith.constant 1 : i32
    scf.for %scan3A_454 = %scan3A_6 to %scan3A_8 step %scan3A_9  : i32 {
      %broadcast_in_dim3A = arith.constant 0.000000e+00 : f32
      %broadcast_in_dim3A_455 = vector.broadcast %broadcast_in_dim3A : f32 to vector<16xf32>
      %mul3A_456 = arith.constant 16 : i32
      %mul3A_457 = arith.muli %scan3A_454, %mul3A_456 : i32
      %swap3A = arith.index_cast %mul3A_457 : i32 to index
      %swap3A_458 = tpu.vector_load %arg28[%swap3A] {strides = array<i32>} : memref<624xf32, #tpu.memory_space<vmem>>, vector<16xf32>,
      %swap3A_459 = vector.shape_cast %swap3A_458 : vector<16xf32> to vector<16xf32>
      %swap3A_460 = vector.shape_cast %broadcast_in_dim3A_455 : vector<16xf32> to vector<16xf32>
      tpu.vector_store %arg28[%swap3A], %swap3A_460 {strides = array<i32>} : memref<624xf32, #tpu.memory_space<vmem>>, vector<16xf32>,
    }
    %scan3A_10 = arith.constant 39 : i32
    %scan3A_11 = arith.constant 0 : i32
    %scan3A_12 = arith.constant 0 : i32
    %scan3A_13 = arith.constant 640 : i32
    %scan3A_14 = arith.addi %scan3A_12, %scan3A_13 : i32
    %scan3A_15 = arith.constant 1 : i32
    scf.for %scan3A_454 = %scan3A_12 to %scan3A_14 step %scan3A_15  : i32 {
      %broadcast_in_dim3A = arith.constant 0.000000e+00 : f32
      %broadcast_in_dim3A_455 = vector.broadcast %broadcast_in_dim3A : f32 to vector<16xf32>
      %jit3A = arith.constant 8 : i32
      %div3A = arith.divsi %scan3A_454, %jit3A : i32
      %sign3A = arith.constant 0 : i32
      %sign3A_456 = arith.cmpi sgt, %scan3A_454, %sign3A : i32
      %sign3A_457 = arith.extui %sign3A_456 : i1 to i32
      %sign3A_458 = arith.constant 0 : i32
      %sign3A_459 = arith.cmpi slt, %scan3A_454, %sign3A_458 : i32
      %sign3A_460 = arith.extui %sign3A_459 : i1 to i32
      %sign3A_461 = arith.subi %sign3A_457, %sign3A_460 : i32
      %sign3A_462 = arith.constant 0 : i32
      %sign3A_463 = arith.cmpi sgt, %jit3A, %sign3A_462 : i32
      %sign3A_464 = arith.extui %sign3A_463 : i1 to i32
      %sign3A_465 = arith.constant 0 : i32
      %sign3A_466 = arith.cmpi slt, %jit3A, %sign3A_465 : i32
      %sign3A_467 = arith.extui %sign3A_466 : i1 to i32
      %sign3A_468 = arith.subi %sign3A_464, %sign3A_467 : i32
      %ne3A = arith.cmpi ne, %sign3A_461, %sign3A_468 : i32
      %rem3A = arith.remsi %scan3A_454, %jit3A : i32
      %ne3A_469 = arith.constant 0 : i32
      %ne3A_470 = arith.cmpi ne, %rem3A, %ne3A_469 : i32
      %and3A = arith.andi %ne3A, %ne3A_470 : i1
      %sub3A_471 = arith.constant 1 : i32
      %sub3A_472 = arith.subi %div3A, %sub3A_471 : i32
      %select_n3A = arith.select %and3A, %sub3A_472, %div3A : i32
      %jit3A_473 = arith.constant 8 : i32
      %eq3A_474 = arith.constant 0 : i32
      %eq3A_475 = arith.cmpi eq, %jit3A_473, %eq3A_474 : i32
      %jit3A_476 = arith.constant 1 : i32
      %select_n3A_477 = arith.select %eq3A_475, %jit3A_476, %jit3A_473 : i32
      %rem3A_478 = arith.remsi %scan3A_454, %select_n3A_477 : i32
      %ne3A_479 = arith.constant 0 : i32
      %ne3A_480 = arith.cmpi ne, %rem3A_478, %ne3A_479 : i32
      %lt3A = arith.constant 0 : i32
      %lt3A_481 = arith.cmpi slt, %rem3A_478, %lt3A : i32
      %lt3A_482 = arith.constant 0 : i32
      %lt3A_483 = arith.cmpi slt, %select_n3A_477, %lt3A_482 : i32
      %ne3A_484 = arith.xori %lt3A_481, %lt3A_483 : i1
      %and3A_485 = arith.andi %ne3A_484, %ne3A_480 : i1
      %add3A_486 = arith.addi %rem3A_478, %select_n3A_477 : i32
      %select_n3A_487 = arith.select %and3A_485, %add3A_486, %rem3A_478 : i32
      %mul3A_488 = arith.constant 16 : i32
      %mul3A_489 = arith.muli %select_n3A_487, %mul3A_488 : i32
      %swap3A = arith.index_cast %select_n3A : i32 to index
      %swap3A_490 = arith.index_cast %mul3A_489 : i32 to index
      %swap3A_491 = tpu.vector_load %arg23[%swap3A, %swap3A_490] {strides = array<i32>} : memref<80x128xf32, #tpu.memory_space<vmem>>, vector<1x16xf32>,
      %swap3A_492 = vector.shape_cast %swap3A_491 : vector<1x16xf32> to vector<16xf32>
      %swap3A_493 = vector.shape_cast %broadcast_in_dim3A_455 : vector<16xf32> to vector<1x16xf32>
      tpu.vector_store %arg23[%swap3A, %swap3A_490], %swap3A_493 {strides = array<i32>} : memref<80x128xf32, #tpu.memory_space<vmem>>, vector<1x16xf32>,
    }
    %scan3A_16 = arith.constant 640 : i32
    %mul3A = arith.constant 624 : i32
    %mul3A_17 = arith.muli %arg1, %mul3A : i32
    %add3A = arith.constant 0 : i32
    %add3A_18 = arith.addi %mul3A_17, %add3A : i32
    "tpu.region"() ({
      %run_scoped3A = tpu.sem_alloc : memref<!tpu.dma_semaphore, #tpu.memory_space<semaphore_mem>>
      %dma_start3A_454 = arith.constant 0 : i32
      %dma_start3A_455 = tpu.memref_slice %arg29[%add3A_18, %dma_start3A_454] : memref<10000x128xf32, #tpu.memory_space<vmem_shared>> -> memref<80x128xf32, #tpu.memory_space<vmem_shared>>
      %dma_start3A_456 = arith.constant 0 : i32
      %dma_start3A_457 = tpu.memref_slice %arg29[%add3A_18, %dma_start3A_456] : memref<10000x128xf32, #tpu.memory_space<vmem_shared>> -> memref<80x128xf32, #tpu.memory_space<vmem_shared>>
      tpu.enqueue_dma source(%arg23 : memref<80x128xf32, #tpu.memory_space<vmem>>) target(%dma_start3A_457 : memref<80x128xf32, #tpu.memory_space<vmem_shared>>) target_semaphore(%run_scoped3A : memref<!tpu.dma_semaphore, #tpu.memory_space<semaphore_mem>>)
      %dma_wait3A_458 = arith.constant 0 : i32
      %dma_wait3A_459 = tpu.memref_slice %arg29[%add3A_18, %dma_wait3A_458] : memref<10000x128xf32, #tpu.memory_space<vmem_shared>> -> memref<80x128xf32, #tpu.memory_space<vmem_shared>>
      %dma_wait3A_460 = arith.constant 0 : i32
      %dma_wait3A_461 = tpu.memref_slice %arg29[%add3A_18, %dma_wait3A_460] : memref<10000x128xf32, #tpu.memory_space<vmem_shared>> -> memref<80x128xf32, #tpu.memory_space<vmem_shared>>
      tpu.wait_dma2 semaphore(%run_scoped3A : memref<!tpu.dma_semaphore, #tpu.memory_space<semaphore_mem>>) src(%arg23 : memref<80x128xf32, #tpu.memory_space<vmem>>) dst(%dma_wait3A_461 : memref<80x128xf32, #tpu.memory_space<vmem_shared>>)
      tpu.yield
    }) : () -> ()
    %add3A_19 = arith.constant 80 : i32
    %add3A_20 = arith.addi %mul3A_17, %add3A_19 : i32
    "tpu.region"() ({
      %run_scoped3A = tpu.sem_alloc : memref<!tpu.dma_semaphore, #tpu.memory_space<semaphore_mem>>
      %dma_start3A_454 = arith.constant 0 : i32
      %dma_start3A_455 = tpu.memref_slice %arg29[%add3A_20, %dma_start3A_454] : memref<10000x128xf32, #tpu.memory_space<vmem_shared>> -> memref<80x128xf32, #tpu.memory_space<vmem_shared>>
      %dma_start3A_456 = arith.constant 0 : i32
      %dma_start3A_457 = tpu.memref_slice %arg29[%add3A_20, %dma_start3A_456] : memref<10000x128xf32, #tpu.memory_space<vmem_shared>> -> memref<80x128xf32, #tpu.memory_space<vmem_shared>>
      tpu.enqueue_dma source(%arg23 : memref<80x128xf32, #tpu.memory_space<vmem>>) target(%dma_start3A_457 : memref<80x128xf32, #tpu.memory_space<vmem_shared>>) target_semaphore(%run_scoped3A : memref<!tpu.dma_semaphore, #tpu.memory_space<semaphore_mem>>)
      %dma_wait3A_458 = arith.constant 0 : i32
      %dma_wait3A_459 = tpu.memref_slice %arg29[%add3A_20, %dma_wait3A_458] : memref<10000x128xf32, #tpu.memory_space<vmem_shared>> -> memref<80x128xf32, #tpu.memory_space<vmem_shared>>
      %dma_wait3A_460 = arith.constant 0 : i32
      %dma_wait3A_461 = tpu.memref_slice %arg29[%add3A_20, %dma_wait3A_460] : memref<10000x128xf32, #tpu.memory_space<vmem_shared>> -> memref<80x128xf32, #tpu.memory_space<vmem_shared>>
      tpu.wait_dma2 semaphore(%run_scoped3A : memref<!tpu.dma_semaphore, #tpu.memory_space<semaphore_mem>>) src(%arg23 : memref<80x128xf32, #tpu.memory_space<vmem>>) dst(%dma_wait3A_461 : memref<80x128xf32, #tpu.memory_space<vmem_shared>>)
      tpu.yield
    }) : () -> ()
    %add3A_21 = arith.constant 160 : i32
    %add3A_22 = arith.addi %mul3A_17, %add3A_21 : i32
    "tpu.region"() ({
      %run_scoped3A = tpu.sem_alloc : memref<!tpu.dma_semaphore, #tpu.memory_space<semaphore_mem>>
      %dma_start3A_454 = arith.constant 0 : i32
      %dma_start3A_455 = tpu.memref_slice %arg29[%add3A_22, %dma_start3A_454] : memref<10000x128xf32, #tpu.memory_space<vmem_shared>> -> memref<80x128xf32, #tpu.memory_space<vmem_shared>>
      %dma_start3A_456 = arith.constant 0 : i32
      %dma_start3A_457 = tpu.memref_slice %arg29[%add3A_22, %dma_start3A_456] : memref<10000x128xf32, #tpu.memory_space<vmem_shared>> -> memref<80x128xf32, #tpu.memory_space<vmem_shared>>
      tpu.enqueue_dma source(%arg23 : memref<80x128xf32, #tpu.memory_space<vmem>>) target(%dma_start3A_457 : memref<80x128xf32, #tpu.memory_space<vmem_shared>>) target_semaphore(%run_scoped3A : memref<!tpu.dma_semaphore, #tpu.memory_space<semaphore_mem>>)
      %dma_wait3A_458 = arith.constant 0 : i32
      %dma_wait3A_459 = tpu.memref_slice %arg29[%add3A_22, %dma_wait3A_458] : memref<10000x128xf32, #tpu.memory_space<vmem_shared>> -> memref<80x128xf32, #tpu.memory_space<vmem_shared>>
      %dma_wait3A_460 = arith.constant 0 : i32
      %dma_wait3A_461 = tpu.memref_slice %arg29[%add3A_22, %dma_wait3A_460] : memref<10000x128xf32, #tpu.memory_space<vmem_shared>> -> memref<80x128xf32, #tpu.memory_space<vmem_shared>>
      tpu.wait_dma2 semaphore(%run_scoped3A : memref<!tpu.dma_semaphore, #tpu.memory_space<semaphore_mem>>) src(%arg23 : memref<80x128xf32, #tpu.memory_space<vmem>>) dst(%dma_wait3A_461 : memref<80x128xf32, #tpu.memory_space<vmem_shared>>)
      tpu.yield
    }) : () -> ()
    %add3A_23 = arith.constant 240 : i32
    %add3A_24 = arith.addi %mul3A_17, %add3A_23 : i32
    "tpu.region"() ({
      %run_scoped3A = tpu.sem_alloc : memref<!tpu.dma_semaphore, #tpu.memory_space<semaphore_mem>>
      %dma_start3A_454 = arith.constant 0 : i32
      %dma_start3A_455 = tpu.memref_slice %arg29[%add3A_24, %dma_start3A_454] : memref<10000x128xf32, #tpu.memory_space<vmem_shared>> -> memref<80x128xf32, #tpu.memory_space<vmem_shared>>
      %dma_start3A_456 = arith.constant 0 : i32
      %dma_start3A_457 = tpu.memref_slice %arg29[%add3A_24, %dma_start3A_456] : memref<10000x128xf32, #tpu.memory_space<vmem_shared>> -> memref<80x128xf32, #tpu.memory_space<vmem_shared>>
      tpu.enqueue_dma source(%arg23 : memref<80x128xf32, #tpu.memory_space<vmem>>) target(%dma_start3A_457 : memref<80x128xf32, #tpu.memory_space<vmem_shared>>) target_semaphore(%run_scoped3A : memref<!tpu.dma_semaphore, #tpu.memory_space<semaphore_mem>>)
      %dma_wait3A_458 = arith.constant 0 : i32
      %dma_wait3A_459 = tpu.memref_slice %arg29[%add3A_24, %dma_wait3A_458] : memref<10000x128xf32, #tpu.memory_space<vmem_shared>> -> memref<80x128xf32, #tpu.memory_space<vmem_shared>>
      %dma_wait3A_460 = arith.constant 0 : i32
      %dma_wait3A_461 = tpu.memref_slice %arg29[%add3A_24, %dma_wait3A_460] : memref<10000x128xf32, #tpu.memory_space<vmem_shared>> -> memref<80x128xf32, #tpu.memory_space<vmem_shared>>
      tpu.wait_dma2 semaphore(%run_scoped3A : memref<!tpu.dma_semaphore, #tpu.memory_space<semaphore_mem>>) src(%arg23 : memref<80x128xf32, #tpu.memory_space<vmem>>) dst(%dma_wait3A_461 : memref<80x128xf32, #tpu.memory_space<vmem_shared>>)
      tpu.yield
    }) : () -> ()
    %add3A_25 = arith.constant 320 : i32
    %add3A_26 = arith.addi %mul3A_17, %add3A_25 : i32
    "tpu.region"() ({
      %run_scoped3A = tpu.sem_alloc : memref<!tpu.dma_semaphore, #tpu.memory_space<semaphore_mem>>
      %dma_start3A_454 = arith.constant 0 : i32
      %dma_start3A_455 = tpu.memref_slice %arg29[%add3A_26, %dma_start3A_454] : memref<10000x128xf32, #tpu.memory_space<vmem_shared>> -> memref<80x128xf32, #tpu.memory_space<vmem_shared>>
      %dma_start3A_456 = arith.constant 0 : i32
      %dma_start3A_457 = tpu.memref_slice %arg29[%add3A_26, %dma_start3A_456] : memref<10000x128xf32, #tpu.memory_space<vmem_shared>> -> memref<80x128xf32, #tpu.memory_space<vmem_shared>>
      tpu.enqueue_dma source(%arg23 : memref<80x128xf32, #tpu.memory_space<vmem>>) target(%dma_start3A_457 : memref<80x128xf32, #tpu.memory_space<vmem_shared>>) target_semaphore(%run_scoped3A : memref<!tpu.dma_semaphore, #tpu.memory_space<semaphore_mem>>)
      %dma_wait3A_458 = arith.constant 0 : i32
      %dma_wait3A_459 = tpu.memref_slice %arg29[%add3A_26, %dma_wait3A_458] : memref<10000x128xf32, #tpu.memory_space<vmem_shared>> -> memref<80x128xf32, #tpu.memory_space<vmem_shared>>
      %dma_wait3A_460 = arith.constant 0 : i32
      %dma_wait3A_461 = tpu.memref_slice %arg29[%add3A_26, %dma_wait3A_460] : memref<10000x128xf32, #tpu.memory_space<vmem_shared>> -> memref<80x128xf32, #tpu.memory_space<vmem_shared>>
      tpu.wait_dma2 semaphore(%run_scoped3A : memref<!tpu.dma_semaphore, #tpu.memory_space<semaphore_mem>>) src(%arg23 : memref<80x128xf32, #tpu.memory_space<vmem>>) dst(%dma_wait3A_461 : memref<80x128xf32, #tpu.memory_space<vmem_shared>>)
      tpu.yield
    }) : () -> ()
    %add3A_27 = arith.constant 400 : i32
    %add3A_28 = arith.addi %mul3A_17, %add3A_27 : i32
    "tpu.region"() ({
      %run_scoped3A = tpu.sem_alloc : memref<!tpu.dma_semaphore, #tpu.memory_space<semaphore_mem>>
      %dma_start3A_454 = arith.constant 0 : i32
      %dma_start3A_455 = tpu.memref_slice %arg29[%add3A_28, %dma_start3A_454] : memref<10000x128xf32, #tpu.memory_space<vmem_shared>> -> memref<80x128xf32, #tpu.memory_space<vmem_shared>>
      %dma_start3A_456 = arith.constant 0 : i32
      %dma_start3A_457 = tpu.memref_slice %arg29[%add3A_28, %dma_start3A_456] : memref<10000x128xf32, #tpu.memory_space<vmem_shared>> -> memref<80x128xf32, #tpu.memory_space<vmem_shared>>
      tpu.enqueue_dma source(%arg23 : memref<80x128xf32, #tpu.memory_space<vmem>>) target(%dma_start3A_457 : memref<80x128xf32, #tpu.memory_space<vmem_shared>>) target_semaphore(%run_scoped3A : memref<!tpu.dma_semaphore, #tpu.memory_space<semaphore_mem>>)
      %dma_wait3A_458 = arith.constant 0 : i32
      %dma_wait3A_459 = tpu.memref_slice %arg29[%add3A_28, %dma_wait3A_458] : memref<10000x128xf32, #tpu.memory_space<vmem_shared>> -> memref<80x128xf32, #tpu.memory_space<vmem_shared>>
      %dma_wait3A_460 = arith.constant 0 : i32
      %dma_wait3A_461 = tpu.memref_slice %arg29[%add3A_28, %dma_wait3A_460] : memref<10000x128xf32, #tpu.memory_space<vmem_shared>> -> memref<80x128xf32, #tpu.memory_space<vmem_shared>>
      tpu.wait_dma2 semaphore(%run_scoped3A : memref<!tpu.dma_semaphore, #tpu.memory_space<semaphore_mem>>) src(%arg23 : memref<80x128xf32, #tpu.memory_space<vmem>>) dst(%dma_wait3A_461 : memref<80x128xf32, #tpu.memory_space<vmem_shared>>)
      tpu.yield
    }) : () -> ()
    %add3A_29 = arith.constant 480 : i32
    %add3A_30 = arith.addi %mul3A_17, %add3A_29 : i32
    "tpu.region"() ({
      %run_scoped3A = tpu.sem_alloc : memref<!tpu.dma_semaphore, #tpu.memory_space<semaphore_mem>>
      %dma_start3A_454 = arith.constant 0 : i32
      %dma_start3A_455 = tpu.memref_slice %arg29[%add3A_30, %dma_start3A_454] : memref<10000x128xf32, #tpu.memory_space<vmem_shared>> -> memref<80x128xf32, #tpu.memory_space<vmem_shared>>
      %dma_start3A_456 = arith.constant 0 : i32
      %dma_start3A_457 = tpu.memref_slice %arg29[%add3A_30, %dma_start3A_456] : memref<10000x128xf32, #tpu.memory_space<vmem_shared>> -> memref<80x128xf32, #tpu.memory_space<vmem_shared>>
      tpu.enqueue_dma source(%arg23 : memref<80x128xf32, #tpu.memory_space<vmem>>) target(%dma_start3A_457 : memref<80x128xf32, #tpu.memory_space<vmem_shared>>) target_semaphore(%run_scoped3A : memref<!tpu.dma_semaphore, #tpu.memory_space<semaphore_mem>>)
      %dma_wait3A_458 = arith.constant 0 : i32
      %dma_wait3A_459 = tpu.memref_slice %arg29[%add3A_30, %dma_wait3A_458] : memref<10000x128xf32, #tpu.memory_space<vmem_shared>> -> memref<80x128xf32, #tpu.memory_space<vmem_shared>>
      %dma_wait3A_460 = arith.constant 0 : i32
      %dma_wait3A_461 = tpu.memref_slice %arg29[%add3A_30, %dma_wait3A_460] : memref<10000x128xf32, #tpu.memory_space<vmem_shared>> -> memref<80x128xf32, #tpu.memory_space<vmem_shared>>
      tpu.wait_dma2 semaphore(%run_scoped3A : memref<!tpu.dma_semaphore, #tpu.memory_space<semaphore_mem>>) src(%arg23 : memref<80x128xf32, #tpu.memory_space<vmem>>) dst(%dma_wait3A_461 : memref<80x128xf32, #tpu.memory_space<vmem_shared>>)
      tpu.yield
    }) : () -> ()
    %add3A_31 = arith.constant 624 : i32
    %add3A_32 = arith.addi %mul3A_17, %add3A_31 : i32
    %sub3A = arith.constant 64 : i32
    %sub3A_33 = arith.subi %add3A_32, %sub3A : i32
    "tpu.region"() ({
      %run_scoped3A = tpu.sem_alloc : memref<!tpu.dma_semaphore, #tpu.memory_space<semaphore_mem>>
      %dma_start3A_454 = arith.constant 0 : i32
      %dma_start3A_455 = arith.constant 0 : i32
      %dma_start3A_456 = tpu.memref_slice %arg23[%dma_start3A_454, %dma_start3A_455] : memref<80x128xf32, #tpu.memory_space<vmem>> -> memref<64x128xf32, #tpu.memory_space<vmem>>
      %dma_start3A_457 = arith.constant 0 : i32
      %dma_start3A_458 = tpu.memref_slice %arg29[%sub3A_33, %dma_start3A_457] : memref<10000x128xf32, #tpu.memory_space<vmem_shared>> -> memref<64x128xf32, #tpu.memory_space<vmem_shared>>
      %dma_start3A_459 = arith.constant 0 : i32
      %dma_start3A_460 = tpu.memref_slice %arg29[%sub3A_33, %dma_start3A_459] : memref<10000x128xf32, #tpu.memory_space<vmem_shared>> -> memref<64x128xf32, #tpu.memory_space<vmem_shared>>
      %dma_start3A_461 = arith.constant 0 : i32
      %dma_start3A_462 = arith.constant 0 : i32
      %dma_start3A_463 = tpu.memref_slice %arg23[%dma_start3A_461, %dma_start3A_462] : memref<80x128xf32, #tpu.memory_space<vmem>> -> memref<64x128xf32, #tpu.memory_space<vmem>>
      tpu.enqueue_dma source(%dma_start3A_463 : memref<64x128xf32, #tpu.memory_space<vmem>>) target(%dma_start3A_460 : memref<64x128xf32, #tpu.memory_space<vmem_shared>>) target_semaphore(%run_scoped3A : memref<!tpu.dma_semaphore, #tpu.memory_space<semaphore_mem>>)
      %dma_wait3A_464 = arith.constant 0 : i32
      %dma_wait3A_465 = arith.constant 0 : i32
      %dma_wait3A_466 = tpu.memref_slice %arg23[%dma_wait3A_464, %dma_wait3A_465] : memref<80x128xf32, #tpu.memory_space<vmem>> -> memref<64x128xf32, #tpu.memory_space<vmem>>
      %dma_wait3A_467 = arith.constant 0 : i32
      %dma_wait3A_468 = tpu.memref_slice %arg29[%sub3A_33, %dma_wait3A_467] : memref<10000x128xf32, #tpu.memory_space<vmem_shared>> -> memref<64x128xf32, #tpu.memory_space<vmem_shared>>
      %dma_wait3A_469 = arith.constant 0 : i32
      %dma_wait3A_470 = tpu.memref_slice %arg29[%sub3A_33, %dma_wait3A_469] : memref<10000x128xf32, #tpu.memory_space<vmem_shared>> -> memref<64x128xf32, #tpu.memory_space<vmem_shared>>
      %dma_wait3A_471 = arith.constant 0 : i32
      %dma_wait3A_472 = arith.constant 0 : i32
      %dma_wait3A_473 = tpu.memref_slice %arg23[%dma_wait3A_471, %dma_wait3A_472] : memref<80x128xf32, #tpu.memory_space<vmem>> -> memref<64x128xf32, #tpu.memory_space<vmem>>
      tpu.wait_dma2 semaphore(%run_scoped3A : memref<!tpu.dma_semaphore, #tpu.memory_space<semaphore_mem>>) src(%dma_wait3A_473 : memref<64x128xf32, #tpu.memory_space<vmem>>) dst(%dma_wait3A_470 : memref<64x128xf32, #tpu.memory_space<vmem_shared>>)
      tpu.yield
    }) : () -> ()
    "tpu.region"() ({
      %run_scoped3A = tpu.sem_alloc : memref<!tpu.dma_semaphore, #tpu.memory_space<semaphore_mem>>
      %dma_start3A_454 = tpu.memref_slice %arg30[%mul3A_17] : memref<10000xf32, #tpu.memory_space<vmem_shared>> -> memref<624xf32, #tpu.memory_space<vmem_shared>>
      %dma_start3A_455 = tpu.memref_slice %arg30[%mul3A_17] : memref<10000xf32, #tpu.memory_space<vmem_shared>> -> memref<624xf32, #tpu.memory_space<vmem_shared>>
      tpu.enqueue_dma source(%arg28 : memref<624xf32, #tpu.memory_space<vmem>>) target(%dma_start3A_455 : memref<624xf32, #tpu.memory_space<vmem_shared>>) target_semaphore(%run_scoped3A : memref<!tpu.dma_semaphore, #tpu.memory_space<semaphore_mem>>)
      %dma_wait3A_456 = tpu.memref_slice %arg30[%mul3A_17] : memref<10000xf32, #tpu.memory_space<vmem_shared>> -> memref<624xf32, #tpu.memory_space<vmem_shared>>
      %dma_wait3A_457 = tpu.memref_slice %arg30[%mul3A_17] : memref<10000xf32, #tpu.memory_space<vmem_shared>> -> memref<624xf32, #tpu.memory_space<vmem_shared>>
      tpu.wait_dma2 semaphore(%run_scoped3A : memref<!tpu.dma_semaphore, #tpu.memory_space<semaphore_mem>>) src(%arg28 : memref<624xf32, #tpu.memory_space<vmem>>) dst(%dma_wait3A_457 : memref<624xf32, #tpu.memory_space<vmem_shared>>)
      tpu.yield
    }) : () -> ()
    %eq3A = arith.constant 15 : i32
    %eq3A_34 = arith.cmpi eq, %arg1, %eq3A : i32
    %convert_element_type3A = arith.extui %eq3A_34 : i1 to i32
    %cond3A = arith.constant 0 : i32
    %cond3A_35 = arith.cmpi ne, %convert_element_type3A, %cond3A : i32
    scf.if %cond3A_35 {
      "tpu.region"() ({
        %run_scoped3A = tpu.sem_alloc : memref<!tpu.dma_semaphore, #tpu.memory_space<semaphore_mem>>
        %dma_start3A_454 = arith.constant 0 : i32
        %dma_start3A_455 = arith.constant 0 : i32
        %dma_start3A_456 = tpu.memref_slice %arg23[%dma_start3A_454, %dma_start3A_455] : memref<80x128xf32, #tpu.memory_space<vmem>> -> memref<16x128xf32, #tpu.memory_space<vmem>>
        %dma_start3A_457 = arith.constant 9984 : i32
        %dma_start3A_458 = arith.constant 0 : i32
        %dma_start3A_459 = tpu.memref_slice %arg29[%dma_start3A_457, %dma_start3A_458] : memref<10000x128xf32, #tpu.memory_space<vmem_shared>> -> memref<16x128xf32, #tpu.memory_space<vmem_shared>>
        %dma_start3A_460 = arith.constant 9984 : i32
        %dma_start3A_461 = arith.constant 0 : i32
        %dma_start3A_462 = tpu.memref_slice %arg29[%dma_start3A_460, %dma_start3A_461] : memref<10000x128xf32, #tpu.memory_space<vmem_shared>> -> memref<16x128xf32, #tpu.memory_space<vmem_shared>>
        %dma_start3A_463 = arith.constant 0 : i32
        %dma_start3A_464 = arith.constant 0 : i32
        %dma_start3A_465 = tpu.memref_slice %arg23[%dma_start3A_463, %dma_start3A_464] : memref<80x128xf32, #tpu.memory_space<vmem>> -> memref<16x128xf32, #tpu.memory_space<vmem>>
        tpu.enqueue_dma source(%dma_start3A_465 : memref<16x128xf32, #tpu.memory_space<vmem>>) target(%dma_start3A_462 : memref<16x128xf32, #tpu.memory_space<vmem_shared>>) target_semaphore(%run_scoped3A : memref<!tpu.dma_semaphore, #tpu.memory_space<semaphore_mem>>)
        %dma_wait3A_466 = arith.constant 0 : i32
        %dma_wait3A_467 = arith.constant 0 : i32
        %dma_wait3A_468 = tpu.memref_slice %arg23[%dma_wait3A_466, %dma_wait3A_467] : memref<80x128xf32, #tpu.memory_space<vmem>> -> memref<16x128xf32, #tpu.memory_space<vmem>>
        %dma_wait3A_469 = arith.constant 9984 : i32
        %dma_wait3A_470 = arith.constant 0 : i32
        %dma_wait3A_471 = tpu.memref_slice %arg29[%dma_wait3A_469, %dma_wait3A_470] : memref<10000x128xf32, #tpu.memory_space<vmem_shared>> -> memref<16x128xf32, #tpu.memory_space<vmem_shared>>
        %dma_wait3A_472 = arith.constant 9984 : i32
        %dma_wait3A_473 = arith.constant 0 : i32
        %dma_wait3A_474 = tpu.memref_slice %arg29[%dma_wait3A_472, %dma_wait3A_473] : memref<10000x128xf32, #tpu.memory_space<vmem_shared>> -> memref<16x128xf32, #tpu.memory_space<vmem_shared>>
        %dma_wait3A_475 = arith.constant 0 : i32
        %dma_wait3A_476 = arith.constant 0 : i32
        %dma_wait3A_477 = tpu.memref_slice %arg23[%dma_wait3A_475, %dma_wait3A_476] : memref<80x128xf32, #tpu.memory_space<vmem>> -> memref<16x128xf32, #tpu.memory_space<vmem>>
        tpu.wait_dma2 semaphore(%run_scoped3A : memref<!tpu.dma_semaphore, #tpu.memory_space<semaphore_mem>>) src(%dma_wait3A_477 : memref<16x128xf32, #tpu.memory_space<vmem>>) dst(%dma_wait3A_474 : memref<16x128xf32, #tpu.memory_space<vmem_shared>>)
        tpu.yield
      }) : () -> ()
      "tpu.region"() ({
        %run_scoped3A = tpu.sem_alloc : memref<!tpu.dma_semaphore, #tpu.memory_space<semaphore_mem>>
        %dma_start3A_454 = arith.constant 0 : i32
        %dma_start3A_455 = tpu.memref_slice %arg28[%dma_start3A_454] : memref<624xf32, #tpu.memory_space<vmem>> -> memref<16xf32, #tpu.memory_space<vmem>>
        %dma_start3A_456 = arith.constant 9984 : i32
        %dma_start3A_457 = tpu.memref_slice %arg30[%dma_start3A_456] : memref<10000xf32, #tpu.memory_space<vmem_shared>> -> memref<16xf32, #tpu.memory_space<vmem_shared>>
        %dma_start3A_458 = arith.constant 9984 : i32
        %dma_start3A_459 = tpu.memref_slice %arg30[%dma_start3A_458] : memref<10000xf32, #tpu.memory_space<vmem_shared>> -> memref<16xf32, #tpu.memory_space<vmem_shared>>
        %dma_start3A_460 = arith.constant 0 : i32
        %dma_start3A_461 = tpu.memref_slice %arg28[%dma_start3A_460] : memref<624xf32, #tpu.memory_space<vmem>> -> memref<16xf32, #tpu.memory_space<vmem>>
        tpu.enqueue_dma source(%dma_start3A_461 : memref<16xf32, #tpu.memory_space<vmem>>) target(%dma_start3A_459 : memref<16xf32, #tpu.memory_space<vmem_shared>>) target_semaphore(%run_scoped3A : memref<!tpu.dma_semaphore, #tpu.memory_space<semaphore_mem>>)
        %dma_wait3A_462 = arith.constant 0 : i32
        %dma_wait3A_463 = tpu.memref_slice %arg28[%dma_wait3A_462] : memref<624xf32, #tpu.memory_space<vmem>> -> memref<16xf32, #tpu.memory_space<vmem>>
        %dma_wait3A_464 = arith.constant 9984 : i32
        %dma_wait3A_465 = tpu.memref_slice %arg30[%dma_wait3A_464] : memref<10000xf32, #tpu.memory_space<vmem_shared>> -> memref<16xf32, #tpu.memory_space<vmem_shared>>
        %dma_wait3A_466 = arith.constant 9984 : i32
        %dma_wait3A_467 = tpu.memref_slice %arg30[%dma_wait3A_466] : memref<10000xf32, #tpu.memory_space<vmem_shared>> -> memref<16xf32, #tpu.memory_space<vmem_shared>>
        %dma_wait3A_468 = arith.constant 0 : i32
        %dma_wait3A_469 = tpu.memref_slice %arg28[%dma_wait3A_468] : memref<624xf32, #tpu.memory_space<vmem>> -> memref<16xf32, #tpu.memory_space<vmem>>
        tpu.wait_dma2 semaphore(%run_scoped3A : memref<!tpu.dma_semaphore, #tpu.memory_space<semaphore_mem>>) src(%dma_wait3A_469 : memref<16xf32, #tpu.memory_space<vmem>>) dst(%dma_wait3A_467 : memref<16xf32, #tpu.memory_space<vmem_shared>>)
        tpu.yield
      }) : () -> ()
    } else {
    }
    %barrier3A = arith.constant 0 : index
    tpu.barrier barrier_id(%barrier3A)
    %mul3A_36 = arith.constant 4000 : i32
    %mul3A_37 = arith.muli %arg0, %mul3A_36 : i32
    %mul3A_38 = arith.constant 250 : i32
    %mul3A_39 = arith.muli %arg1, %mul3A_38 : i32
    %add3A_40 = arith.addi %mul3A_37, %mul3A_39 : i32
    %add3A_41 = arith.constant 0 : i32
    %add3A_42 = arith.addi %add3A_40, %add3A_41 : i32
    %mul3A_43 = arith.constant 80 : i32
    %mul3A_44 = arith.muli %add3A_42, %mul3A_43 : i32
    %dma_start3A = tpu.memref_slice %arg3[%mul3A_44] : memref<640000xi32, #tpu.memory_space<hbm>> -> memref<80xi32, #tpu.memory_space<hbm>>
    %dma_start3A_45 = tpu.memref_slice %arg3[%mul3A_44] : memref<640000xi32, #tpu.memory_space<hbm>> -> memref<80xi32, #tpu.memory_space<hbm>>
    tpu.enqueue_dma source(%dma_start3A_45 : memref<80xi32, #tpu.memory_space<hbm>>) target(%arg7 : memref<80xi32, #tpu.memory_space<vmem>>) target_semaphore(%arg31 : memref<!tpu.dma_semaphore, #tpu.memory_space<semaphore_mem>>)
    %add3A_46 = arith.constant 0 : i32
    %add3A_47 = arith.addi %add3A_40, %add3A_46 : i32
    %mul3A_48 = arith.constant 80 : i32
    %mul3A_49 = arith.muli %add3A_47, %mul3A_48 : i32
    %dma_start3A_50 = tpu.memref_slice %arg4[%mul3A_49] : memref<640000xi32, #tpu.memory_space<hbm>> -> memref<80xi32, #tpu.memory_space<hbm>>
    %dma_start3A_51 = tpu.memref_slice %arg4[%mul3A_49] : memref<640000xi32, #tpu.memory_space<hbm>> -> memref<80xi32, #tpu.memory_space<hbm>>
    tpu.enqueue_dma source(%dma_start3A_51 : memref<80xi32, #tpu.memory_space<hbm>>) target(%arg15 : memref<80xi32, #tpu.memory_space<vmem>>) target_semaphore(%arg31 : memref<!tpu.dma_semaphore, #tpu.memory_space<semaphore_mem>>)
    %add3A_52 = arith.constant 1 : i32
    %add3A_53 = arith.addi %add3A_40, %add3A_52 : i32
    %mul3A_54 = arith.constant 80 : i32
    %mul3A_55 = arith.muli %add3A_53, %mul3A_54 : i32
    %dma_start3A_56 = tpu.memref_slice %arg3[%mul3A_55] : memref<640000xi32, #tpu.memory_space<hbm>> -> memref<80xi32, #tpu.memory_space<hbm>>
    %dma_start3A_57 = tpu.memref_slice %arg3[%mul3A_55] : memref<640000xi32, #tpu.memory_space<hbm>> -> memref<80xi32, #tpu.memory_space<hbm>>
    tpu.enqueue_dma source(%dma_start3A_57 : memref<80xi32, #tpu.memory_space<hbm>>) target(%arg8 : memref<80xi32, #tpu.memory_space<vmem>>) target_semaphore(%arg32 : memref<!tpu.dma_semaphore, #tpu.memory_space<semaphore_mem>>)
    %add3A_58 = arith.constant 1 : i32
    %add3A_59 = arith.addi %add3A_40, %add3A_58 : i32
    %mul3A_60 = arith.constant 80 : i32
    %mul3A_61 = arith.muli %add3A_59, %mul3A_60 : i32
    %dma_start3A_62 = tpu.memref_slice %arg4[%mul3A_61] : memref<640000xi32, #tpu.memory_space<hbm>> -> memref<80xi32, #tpu.memory_space<hbm>>
    %dma_start3A_63 = tpu.memref_slice %arg4[%mul3A_61] : memref<640000xi32, #tpu.memory_space<hbm>> -> memref<80xi32, #tpu.memory_space<hbm>>
    tpu.enqueue_dma source(%dma_start3A_63 : memref<80xi32, #tpu.memory_space<hbm>>) target(%arg16 : memref<80xi32, #tpu.memory_space<vmem>>) target_semaphore(%arg32 : memref<!tpu.dma_semaphore, #tpu.memory_space<semaphore_mem>>)
    %add3A_64 = arith.constant 2 : i32
    %add3A_65 = arith.addi %add3A_40, %add3A_64 : i32
    %mul3A_66 = arith.constant 80 : i32
    %mul3A_67 = arith.muli %add3A_65, %mul3A_66 : i32
    %dma_start3A_68 = tpu.memref_slice %arg3[%mul3A_67] : memref<640000xi32, #tpu.memory_space<hbm>> -> memref<80xi32, #tpu.memory_space<hbm>>
    %dma_start3A_69 = tpu.memref_slice %arg3[%mul3A_67] : memref<640000xi32, #tpu.memory_space<hbm>> -> memref<80xi32, #tpu.memory_space<hbm>>
    tpu.enqueue_dma source(%dma_start3A_69 : memref<80xi32, #tpu.memory_space<hbm>>) target(%arg9 : memref<80xi32, #tpu.memory_space<vmem>>) target_semaphore(%arg33 : memref<!tpu.dma_semaphore, #tpu.memory_space<semaphore_mem>>)
    %add3A_70 = arith.constant 2 : i32
    %add3A_71 = arith.addi %add3A_40, %add3A_70 : i32
    %mul3A_72 = arith.constant 80 : i32
    %mul3A_73 = arith.muli %add3A_71, %mul3A_72 : i32
    %dma_start3A_74 = tpu.memref_slice %arg4[%mul3A_73] : memref<640000xi32, #tpu.memory_space<hbm>> -> memref<80xi32, #tpu.memory_space<hbm>>
    %dma_start3A_75 = tpu.memref_slice %arg4[%mul3A_73] : memref<640000xi32, #tpu.memory_space<hbm>> -> memref<80xi32, #tpu.memory_space<hbm>>
    tpu.enqueue_dma source(%dma_start3A_75 : memref<80xi32, #tpu.memory_space<hbm>>) target(%arg17 : memref<80xi32, #tpu.memory_space<vmem>>) target_semaphore(%arg33 : memref<!tpu.dma_semaphore, #tpu.memory_space<semaphore_mem>>)
    %add3A_76 = arith.constant 3 : i32
    %add3A_77 = arith.addi %add3A_40, %add3A_76 : i32
    %mul3A_78 = arith.constant 80 : i32
    %mul3A_79 = arith.muli %add3A_77, %mul3A_78 : i32
    %dma_start3A_80 = tpu.memref_slice %arg3[%mul3A_79] : memref<640000xi32, #tpu.memory_space<hbm>> -> memref<80xi32, #tpu.memory_space<hbm>>
    %dma_start3A_81 = tpu.memref_slice %arg3[%mul3A_79] : memref<640000xi32, #tpu.memory_space<hbm>> -> memref<80xi32, #tpu.memory_space<hbm>>
    tpu.enqueue_dma source(%dma_start3A_81 : memref<80xi32, #tpu.memory_space<hbm>>) target(%arg10 : memref<80xi32, #tpu.memory_space<vmem>>) target_semaphore(%arg34 : memref<!tpu.dma_semaphore, #tpu.memory_space<semaphore_mem>>)
    %add3A_82 = arith.constant 3 : i32
    %add3A_83 = arith.addi %add3A_40, %add3A_82 : i32
    %mul3A_84 = arith.constant 80 : i32
    %mul3A_85 = arith.muli %add3A_83, %mul3A_84 : i32
    %dma_start3A_86 = tpu.memref_slice %arg4[%mul3A_85] : memref<640000xi32, #tpu.memory_space<hbm>> -> memref<80xi32, #tpu.memory_space<hbm>>
    %dma_start3A_87 = tpu.memref_slice %arg4[%mul3A_85] : memref<640000xi32, #tpu.memory_space<hbm>> -> memref<80xi32, #tpu.memory_space<hbm>>
    tpu.enqueue_dma source(%dma_start3A_87 : memref<80xi32, #tpu.memory_space<hbm>>) target(%arg18 : memref<80xi32, #tpu.memory_space<vmem>>) target_semaphore(%arg34 : memref<!tpu.dma_semaphore, #tpu.memory_space<semaphore_mem>>)
    %add3A_88 = arith.constant 4 : i32
    %add3A_89 = arith.addi %add3A_40, %add3A_88 : i32
    %mul3A_90 = arith.constant 80 : i32
    %mul3A_91 = arith.muli %add3A_89, %mul3A_90 : i32
    %dma_start3A_92 = tpu.memref_slice %arg3[%mul3A_91] : memref<640000xi32, #tpu.memory_space<hbm>> -> memref<80xi32, #tpu.memory_space<hbm>>
    %dma_start3A_93 = tpu.memref_slice %arg3[%mul3A_91] : memref<640000xi32, #tpu.memory_space<hbm>> -> memref<80xi32, #tpu.memory_space<hbm>>
    tpu.enqueue_dma source(%dma_start3A_93 : memref<80xi32, #tpu.memory_space<hbm>>) target(%arg11 : memref<80xi32, #tpu.memory_space<vmem>>) target_semaphore(%arg35 : memref<!tpu.dma_semaphore, #tpu.memory_space<semaphore_mem>>)
    %add3A_94 = arith.constant 4 : i32
    %add3A_95 = arith.addi %add3A_40, %add3A_94 : i32
    %mul3A_96 = arith.constant 80 : i32
    %mul3A_97 = arith.muli %add3A_95, %mul3A_96 : i32
    %dma_start3A_98 = tpu.memref_slice %arg4[%mul3A_97] : memref<640000xi32, #tpu.memory_space<hbm>> -> memref<80xi32, #tpu.memory_space<hbm>>
    %dma_start3A_99 = tpu.memref_slice %arg4[%mul3A_97] : memref<640000xi32, #tpu.memory_space<hbm>> -> memref<80xi32, #tpu.memory_space<hbm>>
    tpu.enqueue_dma source(%dma_start3A_99 : memref<80xi32, #tpu.memory_space<hbm>>) target(%arg19 : memref<80xi32, #tpu.memory_space<vmem>>) target_semaphore(%arg35 : memref<!tpu.dma_semaphore, #tpu.memory_space<semaphore_mem>>)
    %add3A_100 = arith.constant 0 : i32
    %add3A_101 = arith.addi %add3A_40, %add3A_100 : i32
    %mul3A_102 = arith.constant 80 : i32
    %mul3A_103 = arith.muli %add3A_101, %mul3A_102 : i32
    %dma_wait3A = tpu.memref_slice %arg3[%mul3A_103] : memref<640000xi32, #tpu.memory_space<hbm>> -> memref<80xi32, #tpu.memory_space<hbm>>
    %dma_wait3A_104 = tpu.memref_slice %arg3[%mul3A_103] : memref<640000xi32, #tpu.memory_space<hbm>> -> memref<80xi32, #tpu.memory_space<hbm>>
    tpu.wait_dma2 semaphore(%arg31 : memref<!tpu.dma_semaphore, #tpu.memory_space<semaphore_mem>>) src(%dma_wait3A_104 : memref<80xi32, #tpu.memory_space<hbm>>) dst(%arg7 : memref<80xi32, #tpu.memory_space<vmem>>)
    %add3A_105 = arith.constant 0 : i32
    %add3A_106 = arith.addi %add3A_40, %add3A_105 : i32
    %mul3A_107 = arith.constant 80 : i32
    %mul3A_108 = arith.muli %add3A_106, %mul3A_107 : i32
    %dma_wait3A_109 = tpu.memref_slice %arg4[%mul3A_108] : memref<640000xi32, #tpu.memory_space<hbm>> -> memref<80xi32, #tpu.memory_space<hbm>>
    %dma_wait3A_110 = tpu.memref_slice %arg4[%mul3A_108] : memref<640000xi32, #tpu.memory_space<hbm>> -> memref<80xi32, #tpu.memory_space<hbm>>
    tpu.wait_dma2 semaphore(%arg31 : memref<!tpu.dma_semaphore, #tpu.memory_space<semaphore_mem>>) src(%dma_wait3A_110 : memref<80xi32, #tpu.memory_space<hbm>>) dst(%arg15 : memref<80xi32, #tpu.memory_space<vmem>>)
    %dma_start3A_111 = arith.constant 0 : i32
    %dma_start3A_112 = arith.constant 0 : i32
    %dma_start3A_113 = tpu.memref_slice %arg2[%dma_start3A_111, %dma_start3A_112] : memref<20000x128xf32, #tpu.memory_space<hbm>> -> memref<20000x128xf32, #tpu.memory_space<hbm>>
    tpu.enqueue_indirect_dma source(%dma_start3A_113 : memref<20000x128xf32, #tpu.memory_space<hbm>>) target(%arg23 : memref<80x128xf32, #tpu.memory_space<vmem>>) offsets(%arg7 : memref<80xi32, #tpu.memory_space<vmem>>) semaphore(%arg39 : memref<!tpu.dma_semaphore, #tpu.memory_space<semaphore_mem>>)
    %add3A_114 = arith.constant 1 : i32
    %add3A_115 = arith.addi %add3A_40, %add3A_114 : i32
    %mul3A_116 = arith.constant 80 : i32
    %mul3A_117 = arith.muli %add3A_115, %mul3A_116 : i32
    %dma_wait3A_118 = tpu.memref_slice %arg3[%mul3A_117] : memref<640000xi32, #tpu.memory_space<hbm>> -> memref<80xi32, #tpu.memory_space<hbm>>
    %dma_wait3A_119 = tpu.memref_slice %arg3[%mul3A_117] : memref<640000xi32, #tpu.memory_space<hbm>> -> memref<80xi32, #tpu.memory_space<hbm>>
    tpu.wait_dma2 semaphore(%arg32 : memref<!tpu.dma_semaphore, #tpu.memory_space<semaphore_mem>>) src(%dma_wait3A_119 : memref<80xi32, #tpu.memory_space<hbm>>) dst(%arg8 : memref<80xi32, #tpu.memory_space<vmem>>)
    %add3A_120 = arith.constant 1 : i32
    %add3A_121 = arith.addi %add3A_40, %add3A_120 : i32
    %mul3A_122 = arith.constant 80 : i32
    %mul3A_123 = arith.muli %add3A_121, %mul3A_122 : i32
    %dma_wait3A_124 = tpu.memref_slice %arg4[%mul3A_123] : memref<640000xi32, #tpu.memory_space<hbm>> -> memref<80xi32, #tpu.memory_space<hbm>>
    %dma_wait3A_125 = tpu.memref_slice %arg4[%mul3A_123] : memref<640000xi32, #tpu.memory_space<hbm>> -> memref<80xi32, #tpu.memory_space<hbm>>
    tpu.wait_dma2 semaphore(%arg32 : memref<!tpu.dma_semaphore, #tpu.memory_space<semaphore_mem>>) src(%dma_wait3A_125 : memref<80xi32, #tpu.memory_space<hbm>>) dst(%arg16 : memref<80xi32, #tpu.memory_space<vmem>>)
    %dma_start3A_126 = arith.constant 0 : i32
    %dma_start3A_127 = arith.constant 0 : i32
    %dma_start3A_128 = tpu.memref_slice %arg2[%dma_start3A_126, %dma_start3A_127] : memref<20000x128xf32, #tpu.memory_space<hbm>> -> memref<20000x128xf32, #tpu.memory_space<hbm>>
    tpu.enqueue_indirect_dma source(%dma_start3A_128 : memref<20000x128xf32, #tpu.memory_space<hbm>>) target(%arg24 : memref<80x128xf32, #tpu.memory_space<vmem>>) offsets(%arg8 : memref<80xi32, #tpu.memory_space<vmem>>) semaphore(%arg40 : memref<!tpu.dma_semaphore, #tpu.memory_space<semaphore_mem>>)
    %dma_wait3A_129 = arith.constant 0 : i32
    %dma_wait3A_130 = arith.constant 0 : i32
    %dma_wait3A_131 = tpu.memref_slice %arg2[%dma_wait3A_129, %dma_wait3A_130] : memref<20000x128xf32, #tpu.memory_space<hbm>> -> memref<20000x128xf32, #tpu.memory_space<hbm>>
    tpu.wait_indirect_dma semaphore(%arg39 : memref<!tpu.dma_semaphore, #tpu.memory_space<semaphore_mem>>) src(%dma_wait3A_131 : memref<20000x128xf32, #tpu.memory_space<hbm>>) dst(%arg23 : memref<80x128xf32, #tpu.memory_space<vmem>>)
    %dma_start3A_132 = arith.constant 0 : i32
    %dma_start3A_133 = arith.constant 0 : i32
    %dma_start3A_134 = tpu.memref_slice %arg29[%dma_start3A_132, %dma_start3A_133] : memref<10000x128xf32, #tpu.memory_space<vmem_shared>> -> memref<10000x128xf32, #tpu.memory_space<vmem_shared>>
    tpu.enqueue_indirect_dma source(%arg23 : memref<80x128xf32, #tpu.memory_space<vmem>>) target(%dma_start3A_134 : memref<10000x128xf32, #tpu.memory_space<vmem_shared>>) offsets(%arg15 : memref<80xi32, #tpu.memory_space<vmem>>) semaphore(%arg43 : memref<!tpu.dma_semaphore, #tpu.memory_space<semaphore_mem>>) {add = true}
    %dma_start3A_135 = arith.constant 0 : i32
    %dma_start3A_136 = tpu.memref_slice %arg30[%dma_start3A_135] : memref<10000xf32, #tpu.memory_space<vmem_shared>> -> memref<10000xf32, #tpu.memory_space<vmem_shared>>
    tpu.enqueue_indirect_dma source(%arg27 : memref<80xf32, #tpu.memory_space<vmem>>) target(%dma_start3A_136 : memref<10000xf32, #tpu.memory_space<vmem_shared>>) offsets(%arg15 : memref<80xi32, #tpu.memory_space<vmem>>) semaphore(%arg43 : memref<!tpu.dma_semaphore, #tpu.memory_space<semaphore_mem>>) {add = true}
    %add3A_137 = arith.constant 2 : i32
    %add3A_138 = arith.addi %add3A_40, %add3A_137 : i32
    %mul3A_139 = arith.constant 80 : i32
    %mul3A_140 = arith.muli %add3A_138, %mul3A_139 : i32
    %dma_wait3A_141 = tpu.memref_slice %arg3[%mul3A_140] : memref<640000xi32, #tpu.memory_space<hbm>> -> memref<80xi32, #tpu.memory_space<hbm>>
    %dma_wait3A_142 = tpu.memref_slice %arg3[%mul3A_140] : memref<640000xi32, #tpu.memory_space<hbm>> -> memref<80xi32, #tpu.memory_space<hbm>>
    tpu.wait_dma2 semaphore(%arg33 : memref<!tpu.dma_semaphore, #tpu.memory_space<semaphore_mem>>) src(%dma_wait3A_142 : memref<80xi32, #tpu.memory_space<hbm>>) dst(%arg9 : memref<80xi32, #tpu.memory_space<vmem>>)
    %add3A_143 = arith.constant 2 : i32
    %add3A_144 = arith.addi %add3A_40, %add3A_143 : i32
    %mul3A_145 = arith.constant 80 : i32
    %mul3A_146 = arith.muli %add3A_144, %mul3A_145 : i32
    %dma_wait3A_147 = tpu.memref_slice %arg4[%mul3A_146] : memref<640000xi32, #tpu.memory_space<hbm>> -> memref<80xi32, #tpu.memory_space<hbm>>
    %dma_wait3A_148 = tpu.memref_slice %arg4[%mul3A_146] : memref<640000xi32, #tpu.memory_space<hbm>> -> memref<80xi32, #tpu.memory_space<hbm>>
    tpu.wait_dma2 semaphore(%arg33 : memref<!tpu.dma_semaphore, #tpu.memory_space<semaphore_mem>>) src(%dma_wait3A_148 : memref<80xi32, #tpu.memory_space<hbm>>) dst(%arg17 : memref<80xi32, #tpu.memory_space<vmem>>)
    %dma_start3A_149 = arith.constant 0 : i32
    %dma_start3A_150 = arith.constant 0 : i32
    %dma_start3A_151 = tpu.memref_slice %arg2[%dma_start3A_149, %dma_start3A_150] : memref<20000x128xf32, #tpu.memory_space<hbm>> -> memref<20000x128xf32, #tpu.memory_space<hbm>>
    tpu.enqueue_indirect_dma source(%dma_start3A_151 : memref<20000x128xf32, #tpu.memory_space<hbm>>) target(%arg25 : memref<80x128xf32, #tpu.memory_space<vmem>>) offsets(%arg9 : memref<80xi32, #tpu.memory_space<vmem>>) semaphore(%arg41 : memref<!tpu.dma_semaphore, #tpu.memory_space<semaphore_mem>>)
    %add3A_152 = arith.constant 5 : i32
    %add3A_153 = arith.addi %add3A_40, %add3A_152 : i32
    %mul3A_154 = arith.constant 80 : i32
    %mul3A_155 = arith.muli %add3A_153, %mul3A_154 : i32
    %dma_start3A_156 = tpu.memref_slice %arg3[%mul3A_155] : memref<640000xi32, #tpu.memory_space<hbm>> -> memref<80xi32, #tpu.memory_space<hbm>>
    %dma_start3A_157 = tpu.memref_slice %arg3[%mul3A_155] : memref<640000xi32, #tpu.memory_space<hbm>> -> memref<80xi32, #tpu.memory_space<hbm>>
    tpu.enqueue_dma source(%dma_start3A_157 : memref<80xi32, #tpu.memory_space<hbm>>) target(%arg12 : memref<80xi32, #tpu.memory_space<vmem>>) target_semaphore(%arg36 : memref<!tpu.dma_semaphore, #tpu.memory_space<semaphore_mem>>)
    %add3A_158 = arith.constant 5 : i32
    %add3A_159 = arith.addi %add3A_40, %add3A_158 : i32
    %mul3A_160 = arith.constant 80 : i32
    %mul3A_161 = arith.muli %add3A_159, %mul3A_160 : i32
    %dma_start3A_162 = tpu.memref_slice %arg4[%mul3A_161] : memref<640000xi32, #tpu.memory_space<hbm>> -> memref<80xi32, #tpu.memory_space<hbm>>
    %dma_start3A_163 = tpu.memref_slice %arg4[%mul3A_161] : memref<640000xi32, #tpu.memory_space<hbm>> -> memref<80xi32, #tpu.memory_space<hbm>>
    tpu.enqueue_dma source(%dma_start3A_163 : memref<80xi32, #tpu.memory_space<hbm>>) target(%arg20 : memref<80xi32, #tpu.memory_space<vmem>>) target_semaphore(%arg36 : memref<!tpu.dma_semaphore, #tpu.memory_space<semaphore_mem>>)
    %dma_wait3A_164 = arith.constant 0 : i32
    %dma_wait3A_165 = arith.constant 0 : i32
    %dma_wait3A_166 = tpu.memref_slice %arg2[%dma_wait3A_164, %dma_wait3A_165] : memref<20000x128xf32, #tpu.memory_space<hbm>> -> memref<20000x128xf32, #tpu.memory_space<hbm>>
    tpu.wait_indirect_dma semaphore(%arg40 : memref<!tpu.dma_semaphore, #tpu.memory_space<semaphore_mem>>) src(%dma_wait3A_166 : memref<20000x128xf32, #tpu.memory_space<hbm>>) dst(%arg24 : memref<80x128xf32, #tpu.memory_space<vmem>>)
    %dma_start3A_167 = arith.constant 0 : i32
    %dma_start3A_168 = arith.constant 0 : i32
    %dma_start3A_169 = tpu.memref_slice %arg29[%dma_start3A_167, %dma_start3A_168] : memref<10000x128xf32, #tpu.memory_space<vmem_shared>> -> memref<10000x128xf32, #tpu.memory_space<vmem_shared>>
    tpu.enqueue_indirect_dma source(%arg24 : memref<80x128xf32, #tpu.memory_space<vmem>>) target(%dma_start3A_169 : memref<10000x128xf32, #tpu.memory_space<vmem_shared>>) offsets(%arg16 : memref<80xi32, #tpu.memory_space<vmem>>) semaphore(%arg44 : memref<!tpu.dma_semaphore, #tpu.memory_space<semaphore_mem>>) {add = true}
    %dma_start3A_170 = arith.constant 0 : i32
    %dma_start3A_171 = tpu.memref_slice %arg30[%dma_start3A_170] : memref<10000xf32, #tpu.memory_space<vmem_shared>> -> memref<10000xf32, #tpu.memory_space<vmem_shared>>
    tpu.enqueue_indirect_dma source(%arg27 : memref<80xf32, #tpu.memory_space<vmem>>) target(%dma_start3A_171 : memref<10000xf32, #tpu.memory_space<vmem_shared>>) offsets(%arg16 : memref<80xi32, #tpu.memory_space<vmem>>) semaphore(%arg44 : memref<!tpu.dma_semaphore, #tpu.memory_space<semaphore_mem>>) {add = true}
    %add3A_172 = arith.constant 3 : i32
    %add3A_173 = arith.addi %add3A_40, %add3A_172 : i32
    %mul3A_174 = arith.constant 80 : i32
    %mul3A_175 = arith.muli %add3A_173, %mul3A_174 : i32
    %dma_wait3A_176 = tpu.memref_slice %arg3[%mul3A_175] : memref<640000xi32, #tpu.memory_space<hbm>> -> memref<80xi32, #tpu.memory_space<hbm>>
    %dma_wait3A_177 = tpu.memref_slice %arg3[%mul3A_175] : memref<640000xi32, #tpu.memory_space<hbm>> -> memref<80xi32, #tpu.memory_space<hbm>>
    tpu.wait_dma2 semaphore(%arg34 : memref<!tpu.dma_semaphore, #tpu.memory_space<semaphore_mem>>) src(%dma_wait3A_177 : memref<80xi32, #tpu.memory_space<hbm>>) dst(%arg10 : memref<80xi32, #tpu.memory_space<vmem>>)
    %add3A_178 = arith.constant 3 : i32
    %add3A_179 = arith.addi %add3A_40, %add3A_178 : i32
    %mul3A_180 = arith.constant 80 : i32
    %mul3A_181 = arith.muli %add3A_179, %mul3A_180 : i32
    %dma_wait3A_182 = tpu.memref_slice %arg4[%mul3A_181] : memref<640000xi32, #tpu.memory_space<hbm>> -> memref<80xi32, #tpu.memory_space<hbm>>
    %dma_wait3A_183 = tpu.memref_slice %arg4[%mul3A_181] : memref<640000xi32, #tpu.memory_space<hbm>> -> memref<80xi32, #tpu.memory_space<hbm>>
    tpu.wait_dma2 semaphore(%arg34 : memref<!tpu.dma_semaphore, #tpu.memory_space<semaphore_mem>>) src(%dma_wait3A_183 : memref<80xi32, #tpu.memory_space<hbm>>) dst(%arg18 : memref<80xi32, #tpu.memory_space<vmem>>)
    %dma_start3A_184 = arith.constant 0 : i32
    %dma_start3A_185 = arith.constant 0 : i32
    %dma_start3A_186 = tpu.memref_slice %arg2[%dma_start3A_184, %dma_start3A_185] : memref<20000x128xf32, #tpu.memory_space<hbm>> -> memref<20000x128xf32, #tpu.memory_space<hbm>>
    tpu.enqueue_indirect_dma source(%dma_start3A_186 : memref<20000x128xf32, #tpu.memory_space<hbm>>) target(%arg26 : memref<80x128xf32, #tpu.memory_space<vmem>>) offsets(%arg10 : memref<80xi32, #tpu.memory_space<vmem>>) semaphore(%arg42 : memref<!tpu.dma_semaphore, #tpu.memory_space<semaphore_mem>>)
    %add3A_187 = arith.constant 6 : i32
    %add3A_188 = arith.addi %add3A_40, %add3A_187 : i32
    %mul3A_189 = arith.constant 80 : i32
    %mul3A_190 = arith.muli %add3A_188, %mul3A_189 : i32
    %dma_start3A_191 = tpu.memref_slice %arg3[%mul3A_190] : memref<640000xi32, #tpu.memory_space<hbm>> -> memref<80xi32, #tpu.memory_space<hbm>>
    %dma_start3A_192 = tpu.memref_slice %arg3[%mul3A_190] : memref<640000xi32, #tpu.memory_space<hbm>> -> memref<80xi32, #tpu.memory_space<hbm>>
    tpu.enqueue_dma source(%dma_start3A_192 : memref<80xi32, #tpu.memory_space<hbm>>) target(%arg13 : memref<80xi32, #tpu.memory_space<vmem>>) target_semaphore(%arg37 : memref<!tpu.dma_semaphore, #tpu.memory_space<semaphore_mem>>)
    %add3A_193 = arith.constant 6 : i32
    %add3A_194 = arith.addi %add3A_40, %add3A_193 : i32
    %mul3A_195 = arith.constant 80 : i32
    %mul3A_196 = arith.muli %add3A_194, %mul3A_195 : i32
    %dma_start3A_197 = tpu.memref_slice %arg4[%mul3A_196] : memref<640000xi32, #tpu.memory_space<hbm>> -> memref<80xi32, #tpu.memory_space<hbm>>
    %dma_start3A_198 = tpu.memref_slice %arg4[%mul3A_196] : memref<640000xi32, #tpu.memory_space<hbm>> -> memref<80xi32, #tpu.memory_space<hbm>>
    tpu.enqueue_dma source(%dma_start3A_198 : memref<80xi32, #tpu.memory_space<hbm>>) target(%arg21 : memref<80xi32, #tpu.memory_space<vmem>>) target_semaphore(%arg37 : memref<!tpu.dma_semaphore, #tpu.memory_space<semaphore_mem>>)
    %scan3A_199 = arith.constant 0 : i32
    %scan3A_200 = arith.constant 0 : i32
    %scan3A_201 = arith.constant 30 : i32
    %scan3A_202 = arith.addi %scan3A_200, %scan3A_201 : i32
    %scan3A_203 = arith.constant 1 : i32
    scf.for %scan3A_454 = %scan3A_200 to %scan3A_202 step %scan3A_203  : i32 {
      %mul3A_455 = arith.constant 8 : i32
      %mul3A_456 = arith.muli %scan3A_454, %mul3A_455 : i32
      %add3A_457 = arith.constant 2 : i32
      %add3A_458 = arith.addi %add3A_457, %mul3A_456 : i32
      %add3A_459 = arith.constant 0 : i32
      %add3A_460 = arith.addi %add3A_458, %add3A_459 : i32
      %dma_wait3A_461 = arith.constant 0 : i32
      %dma_wait3A_462 = arith.constant 0 : i32
      %dma_wait3A_463 = tpu.memref_slice %arg2[%dma_wait3A_461, %dma_wait3A_462] : memref<20000x128xf32, #tpu.memory_space<hbm>> -> memref<20000x128xf32, #tpu.memory_space<hbm>>
      tpu.wait_indirect_dma semaphore(%arg41 : memref<!tpu.dma_semaphore, #tpu.memory_space<semaphore_mem>>) src(%dma_wait3A_463 : memref<20000x128xf32, #tpu.memory_space<hbm>>) dst(%arg25 : memref<80x128xf32, #tpu.memory_space<vmem>>)
      %dma_start3A_464 = arith.constant 0 : i32
      %dma_start3A_465 = arith.constant 0 : i32
      %dma_start3A_466 = tpu.memref_slice %arg29[%dma_start3A_464, %dma_start3A_465] : memref<10000x128xf32, #tpu.memory_space<vmem_shared>> -> memref<10000x128xf32, #tpu.memory_space<vmem_shared>>
      tpu.enqueue_indirect_dma source(%arg25 : memref<80x128xf32, #tpu.memory_space<vmem>>) target(%dma_start3A_466 : memref<10000x128xf32, #tpu.memory_space<vmem_shared>>) offsets(%arg17 : memref<80xi32, #tpu.memory_space<vmem>>) semaphore(%arg45 : memref<!tpu.dma_semaphore, #tpu.memory_space<semaphore_mem>>) {add = true}
      %dma_start3A_467 = arith.constant 0 : i32
      %dma_start3A_468 = tpu.memref_slice %arg30[%dma_start3A_467] : memref<10000xf32, #tpu.memory_space<vmem_shared>> -> memref<10000xf32, #tpu.memory_space<vmem_shared>>
      tpu.enqueue_indirect_dma source(%arg27 : memref<80xf32, #tpu.memory_space<vmem>>) target(%dma_start3A_468 : memref<10000xf32, #tpu.memory_space<vmem_shared>>) offsets(%arg17 : memref<80xi32, #tpu.memory_space<vmem>>) semaphore(%arg45 : memref<!tpu.dma_semaphore, #tpu.memory_space<semaphore_mem>>) {add = true}
      %dma_wait3A_469 = arith.constant 0 : i32
      %dma_wait3A_470 = arith.constant 0 : i32
      %dma_wait3A_471 = tpu.memref_slice %arg29[%dma_wait3A_469, %dma_wait3A_470] : memref<10000x128xf32, #tpu.memory_space<vmem_shared>> -> memref<10000x128xf32, #tpu.memory_space<vmem_shared>>
      tpu.wait_indirect_dma semaphore(%arg43 : memref<!tpu.dma_semaphore, #tpu.memory_space<semaphore_mem>>) src(%arg23 : memref<80x128xf32, #tpu.memory_space<vmem>>) dst(%dma_wait3A_471 : memref<10000x128xf32, #tpu.memory_space<vmem_shared>>)
      %dma_wait3A_472 = arith.constant 0 : i32
      %dma_wait3A_473 = tpu.memref_slice %arg30[%dma_wait3A_472] : memref<10000xf32, #tpu.memory_space<vmem_shared>> -> memref<10000xf32, #tpu.memory_space<vmem_shared>>
      tpu.wait_indirect_dma semaphore(%arg43 : memref<!tpu.dma_semaphore, #tpu.memory_space<semaphore_mem>>) src(%arg27 : memref<80xf32, #tpu.memory_space<vmem>>) dst(%dma_wait3A_473 : memref<10000xf32, #tpu.memory_space<vmem_shared>>)
      %add3A_474 = arith.constant 2 : i32
      %add3A_475 = arith.addi %add3A_460, %add3A_474 : i32
      %add3A_476 = arith.addi %add3A_40, %add3A_475 : i32
      %mul3A_477 = arith.constant 80 : i32
      %mul3A_478 = arith.muli %add3A_476, %mul3A_477 : i32
      %dma_wait3A_479 = tpu.memref_slice %arg3[%mul3A_478] : memref<640000xi32, #tpu.memory_space<hbm>> -> memref<80xi32, #tpu.memory_space<hbm>>
      %dma_wait3A_480 = tpu.memref_slice %arg3[%mul3A_478] : memref<640000xi32, #tpu.memory_space<hbm>> -> memref<80xi32, #tpu.memory_space<hbm>>
      tpu.wait_dma2 semaphore(%arg35 : memref<!tpu.dma_semaphore, #tpu.memory_space<semaphore_mem>>) src(%dma_wait3A_480 : memref<80xi32, #tpu.memory_space<hbm>>) dst(%arg11 : memref<80xi32, #tpu.memory_space<vmem>>)
      %add3A_481 = arith.addi %add3A_40, %add3A_475 : i32
      %mul3A_482 = arith.constant 80 : i32
      %mul3A_483 = arith.muli %add3A_481, %mul3A_482 : i32
      %dma_wait3A_484 = tpu.memref_slice %arg4[%mul3A_483] : memref<640000xi32, #tpu.memory_space<hbm>> -> memref<80xi32, #tpu.memory_space<hbm>>
      %dma_wait3A_485 = tpu.memref_slice %arg4[%mul3A_483] : memref<640000xi32, #tpu.memory_space<hbm>> -> memref<80xi32, #tpu.memory_space<hbm>>
      tpu.wait_dma2 semaphore(%arg35 : memref<!tpu.dma_semaphore, #tpu.memory_space<semaphore_mem>>) src(%dma_wait3A_485 : memref<80xi32, #tpu.memory_space<hbm>>) dst(%arg19 : memref<80xi32, #tpu.memory_space<vmem>>)
      %dma_start3A_486 = arith.constant 0 : i32
      %dma_start3A_487 = arith.constant 0 : i32
      %dma_start3A_488 = tpu.memref_slice %arg2[%dma_start3A_486, %dma_start3A_487] : memref<20000x128xf32, #tpu.memory_space<hbm>> -> memref<20000x128xf32, #tpu.memory_space<hbm>>
      tpu.enqueue_indirect_dma source(%dma_start3A_488 : memref<20000x128xf32, #tpu.memory_space<hbm>>) target(%arg23 : memref<80x128xf32, #tpu.memory_space<vmem>>) offsets(%arg11 : memref<80xi32, #tpu.memory_space<vmem>>) semaphore(%arg39 : memref<!tpu.dma_semaphore, #tpu.memory_space<semaphore_mem>>)
      %add3A_489 = arith.constant 5 : i32
      %add3A_490 = arith.addi %add3A_460, %add3A_489 : i32
      %add3A_491 = arith.addi %add3A_40, %add3A_490 : i32
      %mul3A_492 = arith.constant 80 : i32
      %mul3A_493 = arith.muli %add3A_491, %mul3A_492 : i32
      %dma_start3A_494 = tpu.memref_slice %arg3[%mul3A_493] : memref<640000xi32, #tpu.memory_space<hbm>> -> memref<80xi32, #tpu.memory_space<hbm>>
      %dma_start3A_495 = tpu.memref_slice %arg3[%mul3A_493] : memref<640000xi32, #tpu.memory_space<hbm>> -> memref<80xi32, #tpu.memory_space<hbm>>
      tpu.enqueue_dma source(%dma_start3A_495 : memref<80xi32, #tpu.memory_space<hbm>>) target(%arg14 : memref<80xi32, #tpu.memory_space<vmem>>) target_semaphore(%arg38 : memref<!tpu.dma_semaphore, #tpu.memory_space<semaphore_mem>>)
      %add3A_496 = arith.addi %add3A_40, %add3A_490 : i32
      %mul3A_497 = arith.constant 80 : i32
      %mul3A_498 = arith.muli %add3A_496, %mul3A_497 : i32
      %dma_start3A_499 = tpu.memref_slice %arg4[%mul3A_498] : memref<640000xi32, #tpu.memory_space<hbm>> -> memref<80xi32, #tpu.memory_space<hbm>>
      %dma_start3A_500 = tpu.memref_slice %arg4[%mul3A_498] : memref<640000xi32, #tpu.memory_space<hbm>> -> memref<80xi32, #tpu.memory_space<hbm>>
      tpu.enqueue_dma source(%dma_start3A_500 : memref<80xi32, #tpu.memory_space<hbm>>) target(%arg22 : memref<80xi32, #tpu.memory_space<vmem>>) target_semaphore(%arg38 : memref<!tpu.dma_semaphore, #tpu.memory_space<semaphore_mem>>)
      %add3A_501 = arith.constant 1 : i32
      %add3A_502 = arith.addi %add3A_458, %add3A_501 : i32
      %dma_wait3A_503 = arith.constant 0 : i32
      %dma_wait3A_504 = arith.constant 0 : i32
      %dma_wait3A_505 = tpu.memref_slice %arg2[%dma_wait3A_503, %dma_wait3A_504] : memref<20000x128xf32, #tpu.memory_space<hbm>> -> memref<20000x128xf32, #tpu.memory_space<hbm>>
      tpu.wait_indirect_dma semaphore(%arg42 : memref<!tpu.dma_semaphore, #tpu.memory_space<semaphore_mem>>) src(%dma_wait3A_505 : memref<20000x128xf32, #tpu.memory_space<hbm>>) dst(%arg26 : memref<80x128xf32, #tpu.memory_space<vmem>>)
      %dma_start3A_506 = arith.constant 0 : i32
      %dma_start3A_507 = arith.constant 0 : i32
      %dma_start3A_508 = tpu.memref_slice %arg29[%dma_start3A_506, %dma_start3A_507] : memref<10000x128xf32, #tpu.memory_space<vmem_shared>> -> memref<10000x128xf32, #tpu.memory_space<vmem_shared>>
      tpu.enqueue_indirect_dma source(%arg26 : memref<80x128xf32, #tpu.memory_space<vmem>>) target(%dma_start3A_508 : memref<10000x128xf32, #tpu.memory_space<vmem_shared>>) offsets(%arg18 : memref<80xi32, #tpu.memory_space<vmem>>) semaphore(%arg46 : memref<!tpu.dma_semaphore, #tpu.memory_space<semaphore_mem>>) {add = true}
      %dma_start3A_509 = arith.constant 0 : i32
      %dma_start3A_510 = tpu.memref_slice %arg30[%dma_start3A_509] : memref<10000xf32, #tpu.memory_space<vmem_shared>> -> memref<10000xf32, #tpu.memory_space<vmem_shared>>
      tpu.enqueue_indirect_dma source(%arg27 : memref<80xf32, #tpu.memory_space<vmem>>) target(%dma_start3A_510 : memref<10000xf32, #tpu.memory_space<vmem_shared>>) offsets(%arg18 : memref<80xi32, #tpu.memory_space<vmem>>) semaphore(%arg46 : memref<!tpu.dma_semaphore, #tpu.memory_space<semaphore_mem>>) {add = true}
      %dma_wait3A_511 = arith.constant 0 : i32
      %dma_wait3A_512 = arith.constant 0 : i32
      %dma_wait3A_513 = tpu.memref_slice %arg29[%dma_wait3A_511, %dma_wait3A_512] : memref<10000x128xf32, #tpu.memory_space<vmem_shared>> -> memref<10000x128xf32, #tpu.memory_space<vmem_shared>>
      tpu.wait_indirect_dma semaphore(%arg44 : memref<!tpu.dma_semaphore, #tpu.memory_space<semaphore_mem>>) src(%arg24 : memref<80x128xf32, #tpu.memory_space<vmem>>) dst(%dma_wait3A_513 : memref<10000x128xf32, #tpu.memory_space<vmem_shared>>)
      %dma_wait3A_514 = arith.constant 0 : i32
      %dma_wait3A_515 = tpu.memref_slice %arg30[%dma_wait3A_514] : memref<10000xf32, #tpu.memory_space<vmem_shared>> -> memref<10000xf32, #tpu.memory_space<vmem_shared>>
      tpu.wait_indirect_dma semaphore(%arg44 : memref<!tpu.dma_semaphore, #tpu.memory_space<semaphore_mem>>) src(%arg27 : memref<80xf32, #tpu.memory_space<vmem>>) dst(%dma_wait3A_515 : memref<10000xf32, #tpu.memory_space<vmem_shared>>)
      %add3A_516 = arith.constant 2 : i32
      %add3A_517 = arith.addi %add3A_502, %add3A_516 : i32
      %add3A_518 = arith.addi %add3A_40, %add3A_517 : i32
      %mul3A_519 = arith.constant 80 : i32
      %mul3A_520 = arith.muli %add3A_518, %mul3A_519 : i32
      %dma_wait3A_521 = tpu.memref_slice %arg3[%mul3A_520] : memref<640000xi32, #tpu.memory_space<hbm>> -> memref<80xi32, #tpu.memory_space<hbm>>
      %dma_wait3A_522 = tpu.memref_slice %arg3[%mul3A_520] : memref<640000xi32, #tpu.memory_space<hbm>> -> memref<80xi32, #tpu.memory_space<hbm>>
      tpu.wait_dma2 semaphore(%arg36 : memref<!tpu.dma_semaphore, #tpu.memory_space<semaphore_mem>>) src(%dma_wait3A_522 : memref<80xi32, #tpu.memory_space<hbm>>) dst(%arg12 : memref<80xi32, #tpu.memory_space<vmem>>)
      %add3A_523 = arith.addi %add3A_40, %add3A_517 : i32
      %mul3A_524 = arith.constant 80 : i32
      %mul3A_525 = arith.muli %add3A_523, %mul3A_524 : i32
      %dma_wait3A_526 = tpu.memref_slice %arg4[%mul3A_525] : memref<640000xi32, #tpu.memory_space<hbm>> -> memref<80xi32, #tpu.memory_space<hbm>>
      %dma_wait3A_527 = tpu.memref_slice %arg4[%mul3A_525] : memref<640000xi32, #tpu.memory_space<hbm>> -> memref<80xi32, #tpu.memory_space<hbm>>
      tpu.wait_dma2 semaphore(%arg36 : memref<!tpu.dma_semaphore, #tpu.memory_space<semaphore_mem>>) src(%dma_wait3A_527 : memref<80xi32, #tpu.memory_space<hbm>>) dst(%arg20 : memref<80xi32, #tpu.memory_space<vmem>>)
      %dma_start3A_528 = arith.constant 0 : i32
      %dma_start3A_529 = arith.constant 0 : i32
      %dma_start3A_530 = tpu.memref_slice %arg2[%dma_start3A_528, %dma_start3A_529] : memref<20000x128xf32, #tpu.memory_space<hbm>> -> memref<20000x128xf32, #tpu.memory_space<hbm>>
      tpu.enqueue_indirect_dma source(%dma_start3A_530 : memref<20000x128xf32, #tpu.memory_space<hbm>>) target(%arg24 : memref<80x128xf32, #tpu.memory_space<vmem>>) offsets(%arg12 : memref<80xi32, #tpu.memory_space<vmem>>) semaphore(%arg40 : memref<!tpu.dma_semaphore, #tpu.memory_space<semaphore_mem>>)
      %add3A_531 = arith.constant 5 : i32
      %add3A_532 = arith.addi %add3A_502, %add3A_531 : i32
      %add3A_533 = arith.addi %add3A_40, %add3A_532 : i32
      %mul3A_534 = arith.constant 80 : i32
      %mul3A_535 = arith.muli %add3A_533, %mul3A_534 : i32
      %dma_start3A_536 = tpu.memref_slice %arg3[%mul3A_535] : memref<640000xi32, #tpu.memory_space<hbm>> -> memref<80xi32, #tpu.memory_space<hbm>>
      %dma_start3A_537 = tpu.memref_slice %arg3[%mul3A_535] : memref<640000xi32, #tpu.memory_space<hbm>> -> memref<80xi32, #tpu.memory_space<hbm>>
      tpu.enqueue_dma source(%dma_start3A_537 : memref<80xi32, #tpu.memory_space<hbm>>) target(%arg7 : memref<80xi32, #tpu.memory_space<vmem>>) target_semaphore(%arg31 : memref<!tpu.dma_semaphore, #tpu.memory_space<semaphore_mem>>)
      %add3A_538 = arith.addi %add3A_40, %add3A_532 : i32
      %mul3A_539 = arith.constant 80 : i32
      %mul3A_540 = arith.muli %add3A_538, %mul3A_539 : i32
      %dma_start3A_541 = tpu.memref_slice %arg4[%mul3A_540] : memref<640000xi32, #tpu.memory_space<hbm>> -> memref<80xi32, #tpu.memory_space<hbm>>
      %dma_start3A_542 = tpu.memref_slice %arg4[%mul3A_540] : memref<640000xi32, #tpu.memory_space<hbm>> -> memref<80xi32, #tpu.memory_space<hbm>>
      tpu.enqueue_dma source(%dma_start3A_542 : memref<80xi32, #tpu.memory_space<hbm>>) target(%arg15 : memref<80xi32, #tpu.memory_space<vmem>>) target_semaphore(%arg31 : memref<!tpu.dma_semaphore, #tpu.memory_space<semaphore_mem>>)
      %add3A_543 = arith.constant 2 : i32
      %add3A_544 = arith.addi %add3A_458, %add3A_543 : i32
      %dma_wait3A_545 = arith.constant 0 : i32
      %dma_wait3A_546 = arith.constant 0 : i32
      %dma_wait3A_547 = tpu.memref_slice %arg2[%dma_wait3A_545, %dma_wait3A_546] : memref<20000x128xf32, #tpu.memory_space<hbm>> -> memref<20000x128xf32, #tpu.memory_space<hbm>>
      tpu.wait_indirect_dma semaphore(%arg39 : memref<!tpu.dma_semaphore, #tpu.memory_space<semaphore_mem>>) src(%dma_wait3A_547 : memref<20000x128xf32, #tpu.memory_space<hbm>>) dst(%arg23 : memref<80x128xf32, #tpu.memory_space<vmem>>)
      %dma_start3A_548 = arith.constant 0 : i32
      %dma_start3A_549 = arith.constant 0 : i32
      %dma_start3A_550 = tpu.memref_slice %arg29[%dma_start3A_548, %dma_start3A_549] : memref<10000x128xf32, #tpu.memory_space<vmem_shared>> -> memref<10000x128xf32, #tpu.memory_space<vmem_shared>>
      tpu.enqueue_indirect_dma source(%arg23 : memref<80x128xf32, #tpu.memory_space<vmem>>) target(%dma_start3A_550 : memref<10000x128xf32, #tpu.memory_space<vmem_shared>>) offsets(%arg19 : memref<80xi32, #tpu.memory_space<vmem>>) semaphore(%arg43 : memref<!tpu.dma_semaphore, #tpu.memory_space<semaphore_mem>>) {add = true}
      %dma_start3A_551 = arith.constant 0 : i32
      %dma_start3A_552 = tpu.memref_slice %arg30[%dma_start3A_551] : memref<10000xf32, #tpu.memory_space<vmem_shared>> -> memref<10000xf32, #tpu.memory_space<vmem_shared>>
      tpu.enqueue_indirect_dma source(%arg27 : memref<80xf32, #tpu.memory_space<vmem>>) target(%dma_start3A_552 : memref<10000xf32, #tpu.memory_space<vmem_shared>>) offsets(%arg19 : memref<80xi32, #tpu.memory_space<vmem>>) semaphore(%arg43 : memref<!tpu.dma_semaphore, #tpu.memory_space<semaphore_mem>>) {add = true}
      %dma_wait3A_553 = arith.constant 0 : i32
      %dma_wait3A_554 = arith.constant 0 : i32
      %dma_wait3A_555 = tpu.memref_slice %arg29[%dma_wait3A_553, %dma_wait3A_554] : memref<10000x128xf32, #tpu.memory_space<vmem_shared>> -> memref<10000x128xf32, #tpu.memory_space<vmem_shared>>
      tpu.wait_indirect_dma semaphore(%arg45 : memref<!tpu.dma_semaphore, #tpu.memory_space<semaphore_mem>>) src(%arg25 : memref<80x128xf32, #tpu.memory_space<vmem>>) dst(%dma_wait3A_555 : memref<10000x128xf32, #tpu.memory_space<vmem_shared>>)
      %dma_wait3A_556 = arith.constant 0 : i32
      %dma_wait3A_557 = tpu.memref_slice %arg30[%dma_wait3A_556] : memref<10000xf32, #tpu.memory_space<vmem_shared>> -> memref<10000xf32, #tpu.memory_space<vmem_shared>>
      tpu.wait_indirect_dma semaphore(%arg45 : memref<!tpu.dma_semaphore, #tpu.memory_space<semaphore_mem>>) src(%arg27 : memref<80xf32, #tpu.memory_space<vmem>>) dst(%dma_wait3A_557 : memref<10000xf32, #tpu.memory_space<vmem_shared>>)
      %add3A_558 = arith.constant 2 : i32
      %add3A_559 = arith.addi %add3A_544, %add3A_558 : i32
      %add3A_560 = arith.addi %add3A_40, %add3A_559 : i32
      %mul3A_561 = arith.constant 80 : i32
      %mul3A_562 = arith.muli %add3A_560, %mul3A_561 : i32
      %dma_wait3A_563 = tpu.memref_slice %arg3[%mul3A_562] : memref<640000xi32, #tpu.memory_space<hbm>> -> memref<80xi32, #tpu.memory_space<hbm>>
      %dma_wait3A_564 = tpu.memref_slice %arg3[%mul3A_562] : memref<640000xi32, #tpu.memory_space<hbm>> -> memref<80xi32, #tpu.memory_space<hbm>>
      tpu.wait_dma2 semaphore(%arg37 : memref<!tpu.dma_semaphore, #tpu.memory_space<semaphore_mem>>) src(%dma_wait3A_564 : memref<80xi32, #tpu.memory_space<hbm>>) dst(%arg13 : memref<80xi32, #tpu.memory_space<vmem>>)
      %add3A_565 = arith.addi %add3A_40, %add3A_559 : i32
      %mul3A_566 = arith.constant 80 : i32
      %mul3A_567 = arith.muli %add3A_565, %mul3A_566 : i32
      %dma_wait3A_568 = tpu.memref_slice %arg4[%mul3A_567] : memref<640000xi32, #tpu.memory_space<hbm>> -> memref<80xi32, #tpu.memory_space<hbm>>
      %dma_wait3A_569 = tpu.memref_slice %arg4[%mul3A_567] : memref<640000xi32, #tpu.memory_space<hbm>> -> memref<80xi32, #tpu.memory_space<hbm>>
      tpu.wait_dma2 semaphore(%arg37 : memref<!tpu.dma_semaphore, #tpu.memory_space<semaphore_mem>>) src(%dma_wait3A_569 : memref<80xi32, #tpu.memory_space<hbm>>) dst(%arg21 : memref<80xi32, #tpu.memory_space<vmem>>)
      %dma_start3A_570 = arith.constant 0 : i32
      %dma_start3A_571 = arith.constant 0 : i32
      %dma_start3A_572 = tpu.memref_slice %arg2[%dma_start3A_570, %dma_start3A_571] : memref<20000x128xf32, #tpu.memory_space<hbm>> -> memref<20000x128xf32, #tpu.memory_space<hbm>>
      tpu.enqueue_indirect_dma source(%dma_start3A_572 : memref<20000x128xf32, #tpu.memory_space<hbm>>) target(%arg25 : memref<80x128xf32, #tpu.memory_space<vmem>>) offsets(%arg13 : memref<80xi32, #tpu.memory_space<vmem>>) semaphore(%arg41 : memref<!tpu.dma_semaphore, #tpu.memory_space<semaphore_mem>>)
      %add3A_573 = arith.constant 5 : i32
      %add3A_574 = arith.addi %add3A_544, %add3A_573 : i32
      %add3A_575 = arith.addi %add3A_40, %add3A_574 : i32
      %mul3A_576 = arith.constant 80 : i32
      %mul3A_577 = arith.muli %add3A_575, %mul3A_576 : i32
      %dma_start3A_578 = tpu.memref_slice %arg3[%mul3A_577] : memref<640000xi32, #tpu.memory_space<hbm>> -> memref<80xi32, #tpu.memory_space<hbm>>
      %dma_start3A_579 = tpu.memref_slice %arg3[%mul3A_577] : memref<640000xi32, #tpu.memory_space<hbm>> -> memref<80xi32, #tpu.memory_space<hbm>>
      tpu.enqueue_dma source(%dma_start3A_579 : memref<80xi32, #tpu.memory_space<hbm>>) target(%arg8 : memref<80xi32, #tpu.memory_space<vmem>>) target_semaphore(%arg32 : memref<!tpu.dma_semaphore, #tpu.memory_space<semaphore_mem>>)
      %add3A_580 = arith.addi %add3A_40, %add3A_574 : i32
      %mul3A_581 = arith.constant 80 : i32
      %mul3A_582 = arith.muli %add3A_580, %mul3A_581 : i32
      %dma_start3A_583 = tpu.memref_slice %arg4[%mul3A_582] : memref<640000xi32, #tpu.memory_space<hbm>> -> memref<80xi32, #tpu.memory_space<hbm>>
      %dma_start3A_584 = tpu.memref_slice %arg4[%mul3A_582] : memref<640000xi32, #tpu.memory_space<hbm>> -> memref<80xi32, #tpu.memory_space<hbm>>
      tpu.enqueue_dma source(%dma_start3A_584 : memref<80xi32, #tpu.memory_space<hbm>>) target(%arg16 : memref<80xi32, #tpu.memory_space<vmem>>) target_semaphore(%arg32 : memref<!tpu.dma_semaphore, #tpu.memory_space<semaphore_mem>>)
      %add3A_585 = arith.constant 3 : i32
      %add3A_586 = arith.addi %add3A_458, %add3A_585 : i32
      %dma_wait3A_587 = arith.constant 0 : i32
      %dma_wait3A_588 = arith.constant 0 : i32
      %dma_wait3A_589 = tpu.memref_slice %arg2[%dma_wait3A_587, %dma_wait3A_588] : memref<20000x128xf32, #tpu.memory_space<hbm>> -> memref<20000x128xf32, #tpu.memory_space<hbm>>
      tpu.wait_indirect_dma semaphore(%arg40 : memref<!tpu.dma_semaphore, #tpu.memory_space<semaphore_mem>>) src(%dma_wait3A_589 : memref<20000x128xf32, #tpu.memory_space<hbm>>) dst(%arg24 : memref<80x128xf32, #tpu.memory_space<vmem>>)
      %dma_start3A_590 = arith.constant 0 : i32
      %dma_start3A_591 = arith.constant 0 : i32
      %dma_start3A_592 = tpu.memref_slice %arg29[%dma_start3A_590, %dma_start3A_591] : memref<10000x128xf32, #tpu.memory_space<vmem_shared>> -> memref<10000x128xf32, #tpu.memory_space<vmem_shared>>
      tpu.enqueue_indirect_dma source(%arg24 : memref<80x128xf32, #tpu.memory_space<vmem>>) target(%dma_start3A_592 : memref<10000x128xf32, #tpu.memory_space<vmem_shared>>) offsets(%arg20 : memref<80xi32, #tpu.memory_space<vmem>>) semaphore(%arg44 : memref<!tpu.dma_semaphore, #tpu.memory_space<semaphore_mem>>) {add = true}
      %dma_start3A_593 = arith.constant 0 : i32
      %dma_start3A_594 = tpu.memref_slice %arg30[%dma_start3A_593] : memref<10000xf32, #tpu.memory_space<vmem_shared>> -> memref<10000xf32, #tpu.memory_space<vmem_shared>>
      tpu.enqueue_indirect_dma source(%arg27 : memref<80xf32, #tpu.memory_space<vmem>>) target(%dma_start3A_594 : memref<10000xf32, #tpu.memory_space<vmem_shared>>) offsets(%arg20 : memref<80xi32, #tpu.memory_space<vmem>>) semaphore(%arg44 : memref<!tpu.dma_semaphore, #tpu.memory_space<semaphore_mem>>) {add = true}
      %dma_wait3A_595 = arith.constant 0 : i32
      %dma_wait3A_596 = arith.constant 0 : i32
      %dma_wait3A_597 = tpu.memref_slice %arg29[%dma_wait3A_595, %dma_wait3A_596] : memref<10000x128xf32, #tpu.memory_space<vmem_shared>> -> memref<10000x128xf32, #tpu.memory_space<vmem_shared>>
      tpu.wait_indirect_dma semaphore(%arg46 : memref<!tpu.dma_semaphore, #tpu.memory_space<semaphore_mem>>) src(%arg26 : memref<80x128xf32, #tpu.memory_space<vmem>>) dst(%dma_wait3A_597 : memref<10000x128xf32, #tpu.memory_space<vmem_shared>>)
      %dma_wait3A_598 = arith.constant 0 : i32
      %dma_wait3A_599 = tpu.memref_slice %arg30[%dma_wait3A_598] : memref<10000xf32, #tpu.memory_space<vmem_shared>> -> memref<10000xf32, #tpu.memory_space<vmem_shared>>
      tpu.wait_indirect_dma semaphore(%arg46 : memref<!tpu.dma_semaphore, #tpu.memory_space<semaphore_mem>>) src(%arg27 : memref<80xf32, #tpu.memory_space<vmem>>) dst(%dma_wait3A_599 : memref<10000xf32, #tpu.memory_space<vmem_shared>>)
      %add3A_600 = arith.constant 2 : i32
      %add3A_601 = arith.addi %add3A_586, %add3A_600 : i32
      %add3A_602 = arith.addi %add3A_40, %add3A_601 : i32
      %mul3A_603 = arith.constant 80 : i32
      %mul3A_604 = arith.muli %add3A_602, %mul3A_603 : i32
      %dma_wait3A_605 = tpu.memref_slice %arg3[%mul3A_604] : memref<640000xi32, #tpu.memory_space<hbm>> -> memref<80xi32, #tpu.memory_space<hbm>>
      %dma_wait3A_606 = tpu.memref_slice %arg3[%mul3A_604] : memref<640000xi32, #tpu.memory_space<hbm>> -> memref<80xi32, #tpu.memory_space<hbm>>
      tpu.wait_dma2 semaphore(%arg38 : memref<!tpu.dma_semaphore, #tpu.memory_space<semaphore_mem>>) src(%dma_wait3A_606 : memref<80xi32, #tpu.memory_space<hbm>>) dst(%arg14 : memref<80xi32, #tpu.memory_space<vmem>>)
      %add3A_607 = arith.addi %add3A_40, %add3A_601 : i32
      %mul3A_608 = arith.constant 80 : i32
      %mul3A_609 = arith.muli %add3A_607, %mul3A_608 : i32
      %dma_wait3A_610 = tpu.memref_slice %arg4[%mul3A_609] : memref<640000xi32, #tpu.memory_space<hbm>> -> memref<80xi32, #tpu.memory_space<hbm>>
      %dma_wait3A_611 = tpu.memref_slice %arg4[%mul3A_609] : memref<640000xi32, #tpu.memory_space<hbm>> -> memref<80xi32, #tpu.memory_space<hbm>>
      tpu.wait_dma2 semaphore(%arg38 : memref<!tpu.dma_semaphore, #tpu.memory_space<semaphore_mem>>) src(%dma_wait3A_611 : memref<80xi32, #tpu.memory_space<hbm>>) dst(%arg22 : memref<80xi32, #tpu.memory_space<vmem>>)
      %dma_start3A_612 = arith.constant 0 : i32
      %dma_start3A_613 = arith.constant 0 : i32
      %dma_start3A_614 = tpu.memref_slice %arg2[%dma_start3A_612, %dma_start3A_613] : memref<20000x128xf32, #tpu.memory_space<hbm>> -> memref<20000x128xf32, #tpu.memory_space<hbm>>
      tpu.enqueue_indirect_dma source(%dma_start3A_614 : memref<20000x128xf32, #tpu.memory_space<hbm>>) target(%arg26 : memref<80x128xf32, #tpu.memory_space<vmem>>) offsets(%arg14 : memref<80xi32, #tpu.memory_space<vmem>>) semaphore(%arg42 : memref<!tpu.dma_semaphore, #tpu.memory_space<semaphore_mem>>)
      %add3A_615 = arith.constant 5 : i32
      %add3A_616 = arith.addi %add3A_586, %add3A_615 : i32
      %add3A_617 = arith.addi %add3A_40, %add3A_616 : i32
      %mul3A_618 = arith.constant 80 : i32
      %mul3A_619 = arith.muli %add3A_617, %mul3A_618 : i32
      %dma_start3A_620 = tpu.memref_slice %arg3[%mul3A_619] : memref<640000xi32, #tpu.memory_space<hbm>> -> memref<80xi32, #tpu.memory_space<hbm>>
      %dma_start3A_621 = tpu.memref_slice %arg3[%mul3A_619] : memref<640000xi32, #tpu.memory_space<hbm>> -> memref<80xi32, #tpu.memory_space<hbm>>
      tpu.enqueue_dma source(%dma_start3A_621 : memref<80xi32, #tpu.memory_space<hbm>>) target(%arg9 : memref<80xi32, #tpu.memory_space<vmem>>) target_semaphore(%arg33 : memref<!tpu.dma_semaphore, #tpu.memory_space<semaphore_mem>>)
      %add3A_622 = arith.addi %add3A_40, %add3A_616 : i32
      %mul3A_623 = arith.constant 80 : i32
      %mul3A_624 = arith.muli %add3A_622, %mul3A_623 : i32
      %dma_start3A_625 = tpu.memref_slice %arg4[%mul3A_624] : memref<640000xi32, #tpu.memory_space<hbm>> -> memref<80xi32, #tpu.memory_space<hbm>>
      %dma_start3A_626 = tpu.memref_slice %arg4[%mul3A_624] : memref<640000xi32, #tpu.memory_space<hbm>> -> memref<80xi32, #tpu.memory_space<hbm>>
      tpu.enqueue_dma source(%dma_start3A_626 : memref<80xi32, #tpu.memory_space<hbm>>) target(%arg17 : memref<80xi32, #tpu.memory_space<vmem>>) target_semaphore(%arg33 : memref<!tpu.dma_semaphore, #tpu.memory_space<semaphore_mem>>)
      %add3A_627 = arith.constant 4 : i32
      %add3A_628 = arith.addi %add3A_458, %add3A_627 : i32
      %dma_wait3A_629 = arith.constant 0 : i32
      %dma_wait3A_630 = arith.constant 0 : i32
      %dma_wait3A_631 = tpu.memref_slice %arg2[%dma_wait3A_629, %dma_wait3A_630] : memref<20000x128xf32, #tpu.memory_space<hbm>> -> memref<20000x128xf32, #tpu.memory_space<hbm>>
      tpu.wait_indirect_dma semaphore(%arg41 : memref<!tpu.dma_semaphore, #tpu.memory_space<semaphore_mem>>) src(%dma_wait3A_631 : memref<20000x128xf32, #tpu.memory_space<hbm>>) dst(%arg25 : memref<80x128xf32, #tpu.memory_space<vmem>>)
      %dma_start3A_632 = arith.constant 0 : i32
      %dma_start3A_633 = arith.constant 0 : i32
      %dma_start3A_634 = tpu.memref_slice %arg29[%dma_start3A_632, %dma_start3A_633] : memref<10000x128xf32, #tpu.memory_space<vmem_shared>> -> memref<10000x128xf32, #tpu.memory_space<vmem_shared>>
      tpu.enqueue_indirect_dma source(%arg25 : memref<80x128xf32, #tpu.memory_space<vmem>>) target(%dma_start3A_634 : memref<10000x128xf32, #tpu.memory_space<vmem_shared>>) offsets(%arg21 : memref<80xi32, #tpu.memory_space<vmem>>) semaphore(%arg45 : memref<!tpu.dma_semaphore, #tpu.memory_space<semaphore_mem>>) {add = true}
      %dma_start3A_635 = arith.constant 0 : i32
      %dma_start3A_636 = tpu.memref_slice %arg30[%dma_start3A_635] : memref<10000xf32, #tpu.memory_space<vmem_shared>> -> memref<10000xf32, #tpu.memory_space<vmem_shared>>
      tpu.enqueue_indirect_dma source(%arg27 : memref<80xf32, #tpu.memory_space<vmem>>) target(%dma_start3A_636 : memref<10000xf32, #tpu.memory_space<vmem_shared>>) offsets(%arg21 : memref<80xi32, #tpu.memory_space<vmem>>) semaphore(%arg45 : memref<!tpu.dma_semaphore, #tpu.memory_space<semaphore_mem>>) {add = true}
      %dma_wait3A_637 = arith.constant 0 : i32
      %dma_wait3A_638 = arith.constant 0 : i32
      %dma_wait3A_639 = tpu.memref_slice %arg29[%dma_wait3A_637, %dma_wait3A_638] : memref<10000x128xf32, #tpu.memory_space<vmem_shared>> -> memref<10000x128xf32, #tpu.memory_space<vmem_shared>>
      tpu.wait_indirect_dma semaphore(%arg43 : memref<!tpu.dma_semaphore, #tpu.memory_space<semaphore_mem>>) src(%arg23 : memref<80x128xf32, #tpu.memory_space<vmem>>) dst(%dma_wait3A_639 : memref<10000x128xf32, #tpu.memory_space<vmem_shared>>)
      %dma_wait3A_640 = arith.constant 0 : i32
      %dma_wait3A_641 = tpu.memref_slice %arg30[%dma_wait3A_640] : memref<10000xf32, #tpu.memory_space<vmem_shared>> -> memref<10000xf32, #tpu.memory_space<vmem_shared>>
      tpu.wait_indirect_dma semaphore(%arg43 : memref<!tpu.dma_semaphore, #tpu.memory_space<semaphore_mem>>) src(%arg27 : memref<80xf32, #tpu.memory_space<vmem>>) dst(%dma_wait3A_641 : memref<10000xf32, #tpu.memory_space<vmem_shared>>)
      %add3A_642 = arith.constant 2 : i32
      %add3A_643 = arith.addi %add3A_628, %add3A_642 : i32
      %add3A_644 = arith.addi %add3A_40, %add3A_643 : i32
      %mul3A_645 = arith.constant 80 : i32
      %mul3A_646 = arith.muli %add3A_644, %mul3A_645 : i32
      %dma_wait3A_647 = tpu.memref_slice %arg3[%mul3A_646] : memref<640000xi32, #tpu.memory_space<hbm>> -> memref<80xi32, #tpu.memory_space<hbm>>
      %dma_wait3A_648 = tpu.memref_slice %arg3[%mul3A_646] : memref<640000xi32, #tpu.memory_space<hbm>> -> memref<80xi32, #tpu.memory_space<hbm>>
      tpu.wait_dma2 semaphore(%arg31 : memref<!tpu.dma_semaphore, #tpu.memory_space<semaphore_mem>>) src(%dma_wait3A_648 : memref<80xi32, #tpu.memory_space<hbm>>) dst(%arg7 : memref<80xi32, #tpu.memory_space<vmem>>)
      %add3A_649 = arith.addi %add3A_40, %add3A_643 : i32
      %mul3A_650 = arith.constant 80 : i32
      %mul3A_651 = arith.muli %add3A_649, %mul3A_650 : i32
      %dma_wait3A_652 = tpu.memref_slice %arg4[%mul3A_651] : memref<640000xi32, #tpu.memory_space<hbm>> -> memref<80xi32, #tpu.memory_space<hbm>>
      %dma_wait3A_653 = tpu.memref_slice %arg4[%mul3A_651] : memref<640000xi32, #tpu.memory_space<hbm>> -> memref<80xi32, #tpu.memory_space<hbm>>
      tpu.wait_dma2 semaphore(%arg31 : memref<!tpu.dma_semaphore, #tpu.memory_space<semaphore_mem>>) src(%dma_wait3A_653 : memref<80xi32, #tpu.memory_space<hbm>>) dst(%arg15 : memref<80xi32, #tpu.memory_space<vmem>>)
      %dma_start3A_654 = arith.constant 0 : i32
      %dma_start3A_655 = arith.constant 0 : i32
      %dma_start3A_656 = tpu.memref_slice %arg2[%dma_start3A_654, %dma_start3A_655] : memref<20000x128xf32, #tpu.memory_space<hbm>> -> memref<20000x128xf32, #tpu.memory_space<hbm>>
      tpu.enqueue_indirect_dma source(%dma_start3A_656 : memref<20000x128xf32, #tpu.memory_space<hbm>>) target(%arg23 : memref<80x128xf32, #tpu.memory_space<vmem>>) offsets(%arg7 : memref<80xi32, #tpu.memory_space<vmem>>) semaphore(%arg39 : memref<!tpu.dma_semaphore, #tpu.memory_space<semaphore_mem>>)
      %add3A_657 = arith.constant 5 : i32
      %add3A_658 = arith.addi %add3A_628, %add3A_657 : i32
      %add3A_659 = arith.addi %add3A_40, %add3A_658 : i32
      %mul3A_660 = arith.constant 80 : i32
      %mul3A_661 = arith.muli %add3A_659, %mul3A_660 : i32
      %dma_start3A_662 = tpu.memref_slice %arg3[%mul3A_661] : memref<640000xi32, #tpu.memory_space<hbm>> -> memref<80xi32, #tpu.memory_space<hbm>>
      %dma_start3A_663 = tpu.memref_slice %arg3[%mul3A_661] : memref<640000xi32, #tpu.memory_space<hbm>> -> memref<80xi32, #tpu.memory_space<hbm>>
      tpu.enqueue_dma source(%dma_start3A_663 : memref<80xi32, #tpu.memory_space<hbm>>) target(%arg10 : memref<80xi32, #tpu.memory_space<vmem>>) target_semaphore(%arg34 : memref<!tpu.dma_semaphore, #tpu.memory_space<semaphore_mem>>)
      %add3A_664 = arith.addi %add3A_40, %add3A_658 : i32
      %mul3A_665 = arith.constant 80 : i32
      %mul3A_666 = arith.muli %add3A_664, %mul3A_665 : i32
      %dma_start3A_667 = tpu.memref_slice %arg4[%mul3A_666] : memref<640000xi32, #tpu.memory_space<hbm>> -> memref<80xi32, #tpu.memory_space<hbm>>
      %dma_start3A_668 = tpu.memref_slice %arg4[%mul3A_666] : memref<640000xi32, #tpu.memory_space<hbm>> -> memref<80xi32, #tpu.memory_space<hbm>>
      tpu.enqueue_dma source(%dma_start3A_668 : memref<80xi32, #tpu.memory_space<hbm>>) target(%arg18 : memref<80xi32, #tpu.memory_space<vmem>>) target_semaphore(%arg34 : memref<!tpu.dma_semaphore, #tpu.memory_space<semaphore_mem>>)
      %add3A_669 = arith.constant 5 : i32
      %add3A_670 = arith.addi %add3A_458, %add3A_669 : i32
      %dma_wait3A_671 = arith.constant 0 : i32
      %dma_wait3A_672 = arith.constant 0 : i32
      %dma_wait3A_673 = tpu.memref_slice %arg2[%dma_wait3A_671, %dma_wait3A_672] : memref<20000x128xf32, #tpu.memory_space<hbm>> -> memref<20000x128xf32, #tpu.memory_space<hbm>>
      tpu.wait_indirect_dma semaphore(%arg42 : memref<!tpu.dma_semaphore, #tpu.memory_space<semaphore_mem>>) src(%dma_wait3A_673 : memref<20000x128xf32, #tpu.memory_space<hbm>>) dst(%arg26 : memref<80x128xf32, #tpu.memory_space<vmem>>)
      %dma_start3A_674 = arith.constant 0 : i32
      %dma_start3A_675 = arith.constant 0 : i32
      %dma_start3A_676 = tpu.memref_slice %arg29[%dma_start3A_674, %dma_start3A_675] : memref<10000x128xf32, #tpu.memory_space<vmem_shared>> -> memref<10000x128xf32, #tpu.memory_space<vmem_shared>>
      tpu.enqueue_indirect_dma source(%arg26 : memref<80x128xf32, #tpu.memory_space<vmem>>) target(%dma_start3A_676 : memref<10000x128xf32, #tpu.memory_space<vmem_shared>>) offsets(%arg22 : memref<80xi32, #tpu.memory_space<vmem>>) semaphore(%arg46 : memref<!tpu.dma_semaphore, #tpu.memory_space<semaphore_mem>>) {add = true}
      %dma_start3A_677 = arith.constant 0 : i32
      %dma_start3A_678 = tpu.memref_slice %arg30[%dma_start3A_677] : memref<10000xf32, #tpu.memory_space<vmem_shared>> -> memref<10000xf32, #tpu.memory_space<vmem_shared>>
      tpu.enqueue_indirect_dma source(%arg27 : memref<80xf32, #tpu.memory_space<vmem>>) target(%dma_start3A_678 : memref<10000xf32, #tpu.memory_space<vmem_shared>>) offsets(%arg22 : memref<80xi32, #tpu.memory_space<vmem>>) semaphore(%arg46 : memref<!tpu.dma_semaphore, #tpu.memory_space<semaphore_mem>>) {add = true}
      %dma_wait3A_679 = arith.constant 0 : i32
      %dma_wait3A_680 = arith.constant 0 : i32
      %dma_wait3A_681 = tpu.memref_slice %arg29[%dma_wait3A_679, %dma_wait3A_680] : memref<10000x128xf32, #tpu.memory_space<vmem_shared>> -> memref<10000x128xf32, #tpu.memory_space<vmem_shared>>
      tpu.wait_indirect_dma semaphore(%arg44 : memref<!tpu.dma_semaphore, #tpu.memory_space<semaphore_mem>>) src(%arg24 : memref<80x128xf32, #tpu.memory_space<vmem>>) dst(%dma_wait3A_681 : memref<10000x128xf32, #tpu.memory_space<vmem_shared>>)
      %dma_wait3A_682 = arith.constant 0 : i32
      %dma_wait3A_683 = tpu.memref_slice %arg30[%dma_wait3A_682] : memref<10000xf32, #tpu.memory_space<vmem_shared>> -> memref<10000xf32, #tpu.memory_space<vmem_shared>>
      tpu.wait_indirect_dma semaphore(%arg44 : memref<!tpu.dma_semaphore, #tpu.memory_space<semaphore_mem>>) src(%arg27 : memref<80xf32, #tpu.memory_space<vmem>>) dst(%dma_wait3A_683 : memref<10000xf32, #tpu.memory_space<vmem_shared>>)
      %add3A_684 = arith.constant 2 : i32
      %add3A_685 = arith.addi %add3A_670, %add3A_684 : i32
      %add3A_686 = arith.addi %add3A_40, %add3A_685 : i32
      %mul3A_687 = arith.constant 80 : i32
      %mul3A_688 = arith.muli %add3A_686, %mul3A_687 : i32
      %dma_wait3A_689 = tpu.memref_slice %arg3[%mul3A_688] : memref<640000xi32, #tpu.memory_space<hbm>> -> memref<80xi32, #tpu.memory_space<hbm>>
      %dma_wait3A_690 = tpu.memref_slice %arg3[%mul3A_688] : memref<640000xi32, #tpu.memory_space<hbm>> -> memref<80xi32, #tpu.memory_space<hbm>>
      tpu.wait_dma2 semaphore(%arg32 : memref<!tpu.dma_semaphore, #tpu.memory_space<semaphore_mem>>) src(%dma_wait3A_690 : memref<80xi32, #tpu.memory_space<hbm>>) dst(%arg8 : memref<80xi32, #tpu.memory_space<vmem>>)
      %add3A_691 = arith.addi %add3A_40, %add3A_685 : i32
      %mul3A_692 = arith.constant 80 : i32
      %mul3A_693 = arith.muli %add3A_691, %mul3A_692 : i32
      %dma_wait3A_694 = tpu.memref_slice %arg4[%mul3A_693] : memref<640000xi32, #tpu.memory_space<hbm>> -> memref<80xi32, #tpu.memory_space<hbm>>
      %dma_wait3A_695 = tpu.memref_slice %arg4[%mul3A_693] : memref<640000xi32, #tpu.memory_space<hbm>> -> memref<80xi32, #tpu.memory_space<hbm>>
      tpu.wait_dma2 semaphore(%arg32 : memref<!tpu.dma_semaphore, #tpu.memory_space<semaphore_mem>>) src(%dma_wait3A_695 : memref<80xi32, #tpu.memory_space<hbm>>) dst(%arg16 : memref<80xi32, #tpu.memory_space<vmem>>)
      %dma_start3A_696 = arith.constant 0 : i32
      %dma_start3A_697 = arith.constant 0 : i32
      %dma_start3A_698 = tpu.memref_slice %arg2[%dma_start3A_696, %dma_start3A_697] : memref<20000x128xf32, #tpu.memory_space<hbm>> -> memref<20000x128xf32, #tpu.memory_space<hbm>>
      tpu.enqueue_indirect_dma source(%dma_start3A_698 : memref<20000x128xf32, #tpu.memory_space<hbm>>) target(%arg24 : memref<80x128xf32, #tpu.memory_space<vmem>>) offsets(%arg8 : memref<80xi32, #tpu.memory_space<vmem>>) semaphore(%arg40 : memref<!tpu.dma_semaphore, #tpu.memory_space<semaphore_mem>>)
      %add3A_699 = arith.constant 5 : i32
      %add3A_700 = arith.addi %add3A_670, %add3A_699 : i32
      %add3A_701 = arith.addi %add3A_40, %add3A_700 : i32
      %mul3A_702 = arith.constant 80 : i32
      %mul3A_703 = arith.muli %add3A_701, %mul3A_702 : i32
      %dma_start3A_704 = tpu.memref_slice %arg3[%mul3A_703] : memref<640000xi32, #tpu.memory_space<hbm>> -> memref<80xi32, #tpu.memory_space<hbm>>
      %dma_start3A_705 = tpu.memref_slice %arg3[%mul3A_703] : memref<640000xi32, #tpu.memory_space<hbm>> -> memref<80xi32, #tpu.memory_space<hbm>>
      tpu.enqueue_dma source(%dma_start3A_705 : memref<80xi32, #tpu.memory_space<hbm>>) target(%arg11 : memref<80xi32, #tpu.memory_space<vmem>>) target_semaphore(%arg35 : memref<!tpu.dma_semaphore, #tpu.memory_space<semaphore_mem>>)
      %add3A_706 = arith.addi %add3A_40, %add3A_700 : i32
      %mul3A_707 = arith.constant 80 : i32
      %mul3A_708 = arith.muli %add3A_706, %mul3A_707 : i32
      %dma_start3A_709 = tpu.memref_slice %arg4[%mul3A_708] : memref<640000xi32, #tpu.memory_space<hbm>> -> memref<80xi32, #tpu.memory_space<hbm>>
      %dma_start3A_710 = tpu.memref_slice %arg4[%mul3A_708] : memref<640000xi32, #tpu.memory_space<hbm>> -> memref<80xi32, #tpu.memory_space<hbm>>
      tpu.enqueue_dma source(%dma_start3A_710 : memref<80xi32, #tpu.memory_space<hbm>>) target(%arg19 : memref<80xi32, #tpu.memory_space<vmem>>) target_semaphore(%arg35 : memref<!tpu.dma_semaphore, #tpu.memory_space<semaphore_mem>>)
      %add3A_711 = arith.constant 6 : i32
      %add3A_712 = arith.addi %add3A_458, %add3A_711 : i32
      %dma_wait3A_713 = arith.constant 0 : i32
      %dma_wait3A_714 = arith.constant 0 : i32
      %dma_wait3A_715 = tpu.memref_slice %arg2[%dma_wait3A_713, %dma_wait3A_714] : memref<20000x128xf32, #tpu.memory_space<hbm>> -> memref<20000x128xf32, #tpu.memory_space<hbm>>
      tpu.wait_indirect_dma semaphore(%arg39 : memref<!tpu.dma_semaphore, #tpu.memory_space<semaphore_mem>>) src(%dma_wait3A_715 : memref<20000x128xf32, #tpu.memory_space<hbm>>) dst(%arg23 : memref<80x128xf32, #tpu.memory_space<vmem>>)
      %dma_start3A_716 = arith.constant 0 : i32
      %dma_start3A_717 = arith.constant 0 : i32
      %dma_start3A_718 = tpu.memref_slice %arg29[%dma_start3A_716, %dma_start3A_717] : memref<10000x128xf32, #tpu.memory_space<vmem_shared>> -> memref<10000x128xf32, #tpu.memory_space<vmem_shared>>
      tpu.enqueue_indirect_dma source(%arg23 : memref<80x128xf32, #tpu.memory_space<vmem>>) target(%dma_start3A_718 : memref<10000x128xf32, #tpu.memory_space<vmem_shared>>) offsets(%arg15 : memref<80xi32, #tpu.memory_space<vmem>>) semaphore(%arg43 : memref<!tpu.dma_semaphore, #tpu.memory_space<semaphore_mem>>) {add = true}
      %dma_start3A_719 = arith.constant 0 : i32
      %dma_start3A_720 = tpu.memref_slice %arg30[%dma_start3A_719] : memref<10000xf32, #tpu.memory_space<vmem_shared>> -> memref<10000xf32, #tpu.memory_space<vmem_shared>>
      tpu.enqueue_indirect_dma source(%arg27 : memref<80xf32, #tpu.memory_space<vmem>>) target(%dma_start3A_720 : memref<10000xf32, #tpu.memory_space<vmem_shared>>) offsets(%arg15 : memref<80xi32, #tpu.memory_space<vmem>>) semaphore(%arg43 : memref<!tpu.dma_semaphore, #tpu.memory_space<semaphore_mem>>) {add = true}
      %dma_wait3A_721 = arith.constant 0 : i32
      %dma_wait3A_722 = arith.constant 0 : i32
      %dma_wait3A_723 = tpu.memref_slice %arg29[%dma_wait3A_721, %dma_wait3A_722] : memref<10000x128xf32, #tpu.memory_space<vmem_shared>> -> memref<10000x128xf32, #tpu.memory_space<vmem_shared>>
      tpu.wait_indirect_dma semaphore(%arg45 : memref<!tpu.dma_semaphore, #tpu.memory_space<semaphore_mem>>) src(%arg25 : memref<80x128xf32, #tpu.memory_space<vmem>>) dst(%dma_wait3A_723 : memref<10000x128xf32, #tpu.memory_space<vmem_shared>>)
      %dma_wait3A_724 = arith.constant 0 : i32
      %dma_wait3A_725 = tpu.memref_slice %arg30[%dma_wait3A_724] : memref<10000xf32, #tpu.memory_space<vmem_shared>> -> memref<10000xf32, #tpu.memory_space<vmem_shared>>
      tpu.wait_indirect_dma semaphore(%arg45 : memref<!tpu.dma_semaphore, #tpu.memory_space<semaphore_mem>>) src(%arg27 : memref<80xf32, #tpu.memory_space<vmem>>) dst(%dma_wait3A_725 : memref<10000xf32, #tpu.memory_space<vmem_shared>>)
      %add3A_726 = arith.constant 2 : i32
      %add3A_727 = arith.addi %add3A_712, %add3A_726 : i32
      %add3A_728 = arith.addi %add3A_40, %add3A_727 : i32
      %mul3A_729 = arith.constant 80 : i32
      %mul3A_730 = arith.muli %add3A_728, %mul3A_729 : i32
      %dma_wait3A_731 = tpu.memref_slice %arg3[%mul3A_730] : memref<640000xi32, #tpu.memory_space<hbm>> -> memref<80xi32, #tpu.memory_space<hbm>>
      %dma_wait3A_732 = tpu.memref_slice %arg3[%mul3A_730] : memref<640000xi32, #tpu.memory_space<hbm>> -> memref<80xi32, #tpu.memory_space<hbm>>
      tpu.wait_dma2 semaphore(%arg33 : memref<!tpu.dma_semaphore, #tpu.memory_space<semaphore_mem>>) src(%dma_wait3A_732 : memref<80xi32, #tpu.memory_space<hbm>>) dst(%arg9 : memref<80xi32, #tpu.memory_space<vmem>>)
      %add3A_733 = arith.addi %add3A_40, %add3A_727 : i32
      %mul3A_734 = arith.constant 80 : i32
      %mul3A_735 = arith.muli %add3A_733, %mul3A_734 : i32
      %dma_wait3A_736 = tpu.memref_slice %arg4[%mul3A_735] : memref<640000xi32, #tpu.memory_space<hbm>> -> memref<80xi32, #tpu.memory_space<hbm>>
      %dma_wait3A_737 = tpu.memref_slice %arg4[%mul3A_735] : memref<640000xi32, #tpu.memory_space<hbm>> -> memref<80xi32, #tpu.memory_space<hbm>>
      tpu.wait_dma2 semaphore(%arg33 : memref<!tpu.dma_semaphore, #tpu.memory_space<semaphore_mem>>) src(%dma_wait3A_737 : memref<80xi32, #tpu.memory_space<hbm>>) dst(%arg17 : memref<80xi32, #tpu.memory_space<vmem>>)
      %dma_start3A_738 = arith.constant 0 : i32
      %dma_start3A_739 = arith.constant 0 : i32
      %dma_start3A_740 = tpu.memref_slice %arg2[%dma_start3A_738, %dma_start3A_739] : memref<20000x128xf32, #tpu.memory_space<hbm>> -> memref<20000x128xf32, #tpu.memory_space<hbm>>
      tpu.enqueue_indirect_dma source(%dma_start3A_740 : memref<20000x128xf32, #tpu.memory_space<hbm>>) target(%arg25 : memref<80x128xf32, #tpu.memory_space<vmem>>) offsets(%arg9 : memref<80xi32, #tpu.memory_space<vmem>>) semaphore(%arg41 : memref<!tpu.dma_semaphore, #tpu.memory_space<semaphore_mem>>)
      %add3A_741 = arith.constant 5 : i32
      %add3A_742 = arith.addi %add3A_712, %add3A_741 : i32
      %add3A_743 = arith.addi %add3A_40, %add3A_742 : i32
      %mul3A_744 = arith.constant 80 : i32
      %mul3A_745 = arith.muli %add3A_743, %mul3A_744 : i32
      %dma_start3A_746 = tpu.memref_slice %arg3[%mul3A_745] : memref<640000xi32, #tpu.memory_space<hbm>> -> memref<80xi32, #tpu.memory_space<hbm>>
      %dma_start3A_747 = tpu.memref_slice %arg3[%mul3A_745] : memref<640000xi32, #tpu.memory_space<hbm>> -> memref<80xi32, #tpu.memory_space<hbm>>
      tpu.enqueue_dma source(%dma_start3A_747 : memref<80xi32, #tpu.memory_space<hbm>>) target(%arg12 : memref<80xi32, #tpu.memory_space<vmem>>) target_semaphore(%arg36 : memref<!tpu.dma_semaphore, #tpu.memory_space<semaphore_mem>>)
      %add3A_748 = arith.addi %add3A_40, %add3A_742 : i32
      %mul3A_749 = arith.constant 80 : i32
      %mul3A_750 = arith.muli %add3A_748, %mul3A_749 : i32
      %dma_start3A_751 = tpu.memref_slice %arg4[%mul3A_750] : memref<640000xi32, #tpu.memory_space<hbm>> -> memref<80xi32, #tpu.memory_space<hbm>>
      %dma_start3A_752 = tpu.memref_slice %arg4[%mul3A_750] : memref<640000xi32, #tpu.memory_space<hbm>> -> memref<80xi32, #tpu.memory_space<hbm>>
      tpu.enqueue_dma source(%dma_start3A_752 : memref<80xi32, #tpu.memory_space<hbm>>) target(%arg20 : memref<80xi32, #tpu.memory_space<vmem>>) target_semaphore(%arg36 : memref<!tpu.dma_semaphore, #tpu.memory_space<semaphore_mem>>)
      %add3A_753 = arith.constant 7 : i32
      %add3A_754 = arith.addi %add3A_458, %add3A_753 : i32
      %dma_wait3A_755 = arith.constant 0 : i32
      %dma_wait3A_756 = arith.constant 0 : i32
      %dma_wait3A_757 = tpu.memref_slice %arg2[%dma_wait3A_755, %dma_wait3A_756] : memref<20000x128xf32, #tpu.memory_space<hbm>> -> memref<20000x128xf32, #tpu.memory_space<hbm>>
      tpu.wait_indirect_dma semaphore(%arg40 : memref<!tpu.dma_semaphore, #tpu.memory_space<semaphore_mem>>) src(%dma_wait3A_757 : memref<20000x128xf32, #tpu.memory_space<hbm>>) dst(%arg24 : memref<80x128xf32, #tpu.memory_space<vmem>>)
      %dma_start3A_758 = arith.constant 0 : i32
      %dma_start3A_759 = arith.constant 0 : i32
      %dma_start3A_760 = tpu.memref_slice %arg29[%dma_start3A_758, %dma_start3A_759] : memref<10000x128xf32, #tpu.memory_space<vmem_shared>> -> memref<10000x128xf32, #tpu.memory_space<vmem_shared>>
      tpu.enqueue_indirect_dma source(%arg24 : memref<80x128xf32, #tpu.memory_space<vmem>>) target(%dma_start3A_760 : memref<10000x128xf32, #tpu.memory_space<vmem_shared>>) offsets(%arg16 : memref<80xi32, #tpu.memory_space<vmem>>) semaphore(%arg44 : memref<!tpu.dma_semaphore, #tpu.memory_space<semaphore_mem>>) {add = true}
      %dma_start3A_761 = arith.constant 0 : i32
      %dma_start3A_762 = tpu.memref_slice %arg30[%dma_start3A_761] : memref<10000xf32, #tpu.memory_space<vmem_shared>> -> memref<10000xf32, #tpu.memory_space<vmem_shared>>
      tpu.enqueue_indirect_dma source(%arg27 : memref<80xf32, #tpu.memory_space<vmem>>) target(%dma_start3A_762 : memref<10000xf32, #tpu.memory_space<vmem_shared>>) offsets(%arg16 : memref<80xi32, #tpu.memory_space<vmem>>) semaphore(%arg44 : memref<!tpu.dma_semaphore, #tpu.memory_space<semaphore_mem>>) {add = true}
      %dma_wait3A_763 = arith.constant 0 : i32
      %dma_wait3A_764 = arith.constant 0 : i32
      %dma_wait3A_765 = tpu.memref_slice %arg29[%dma_wait3A_763, %dma_wait3A_764] : memref<10000x128xf32, #tpu.memory_space<vmem_shared>> -> memref<10000x128xf32, #tpu.memory_space<vmem_shared>>
      tpu.wait_indirect_dma semaphore(%arg46 : memref<!tpu.dma_semaphore, #tpu.memory_space<semaphore_mem>>) src(%arg26 : memref<80x128xf32, #tpu.memory_space<vmem>>) dst(%dma_wait3A_765 : memref<10000x128xf32, #tpu.memory_space<vmem_shared>>)
      %dma_wait3A_766 = arith.constant 0 : i32
      %dma_wait3A_767 = tpu.memref_slice %arg30[%dma_wait3A_766] : memref<10000xf32, #tpu.memory_space<vmem_shared>> -> memref<10000xf32, #tpu.memory_space<vmem_shared>>
      tpu.wait_indirect_dma semaphore(%arg46 : memref<!tpu.dma_semaphore, #tpu.memory_space<semaphore_mem>>) src(%arg27 : memref<80xf32, #tpu.memory_space<vmem>>) dst(%dma_wait3A_767 : memref<10000xf32, #tpu.memory_space<vmem_shared>>)
      %add3A_768 = arith.constant 2 : i32
      %add3A_769 = arith.addi %add3A_754, %add3A_768 : i32
      %add3A_770 = arith.addi %add3A_40, %add3A_769 : i32
      %mul3A_771 = arith.constant 80 : i32
      %mul3A_772 = arith.muli %add3A_770, %mul3A_771 : i32
      %dma_wait3A_773 = tpu.memref_slice %arg3[%mul3A_772] : memref<640000xi32, #tpu.memory_space<hbm>> -> memref<80xi32, #tpu.memory_space<hbm>>
      %dma_wait3A_774 = tpu.memref_slice %arg3[%mul3A_772] : memref<640000xi32, #tpu.memory_space<hbm>> -> memref<80xi32, #tpu.memory_space<hbm>>
      tpu.wait_dma2 semaphore(%arg34 : memref<!tpu.dma_semaphore, #tpu.memory_space<semaphore_mem>>) src(%dma_wait3A_774 : memref<80xi32, #tpu.memory_space<hbm>>) dst(%arg10 : memref<80xi32, #tpu.memory_space<vmem>>)
      %add3A_775 = arith.addi %add3A_40, %add3A_769 : i32
      %mul3A_776 = arith.constant 80 : i32
      %mul3A_777 = arith.muli %add3A_775, %mul3A_776 : i32
      %dma_wait3A_778 = tpu.memref_slice %arg4[%mul3A_777] : memref<640000xi32, #tpu.memory_space<hbm>> -> memref<80xi32, #tpu.memory_space<hbm>>
      %dma_wait3A_779 = tpu.memref_slice %arg4[%mul3A_777] : memref<640000xi32, #tpu.memory_space<hbm>> -> memref<80xi32, #tpu.memory_space<hbm>>
      tpu.wait_dma2 semaphore(%arg34 : memref<!tpu.dma_semaphore, #tpu.memory_space<semaphore_mem>>) src(%dma_wait3A_779 : memref<80xi32, #tpu.memory_space<hbm>>) dst(%arg18 : memref<80xi32, #tpu.memory_space<vmem>>)
      %dma_start3A_780 = arith.constant 0 : i32
      %dma_start3A_781 = arith.constant 0 : i32
      %dma_start3A_782 = tpu.memref_slice %arg2[%dma_start3A_780, %dma_start3A_781] : memref<20000x128xf32, #tpu.memory_space<hbm>> -> memref<20000x128xf32, #tpu.memory_space<hbm>>
      tpu.enqueue_indirect_dma source(%dma_start3A_782 : memref<20000x128xf32, #tpu.memory_space<hbm>>) target(%arg26 : memref<80x128xf32, #tpu.memory_space<vmem>>) offsets(%arg10 : memref<80xi32, #tpu.memory_space<vmem>>) semaphore(%arg42 : memref<!tpu.dma_semaphore, #tpu.memory_space<semaphore_mem>>)
      %add3A_783 = arith.constant 5 : i32
      %add3A_784 = arith.addi %add3A_754, %add3A_783 : i32
      %add3A_785 = arith.addi %add3A_40, %add3A_784 : i32
      %mul3A_786 = arith.constant 80 : i32
      %mul3A_787 = arith.muli %add3A_785, %mul3A_786 : i32
      %dma_start3A_788 = tpu.memref_slice %arg3[%mul3A_787] : memref<640000xi32, #tpu.memory_space<hbm>> -> memref<80xi32, #tpu.memory_space<hbm>>
      %dma_start3A_789 = tpu.memref_slice %arg3[%mul3A_787] : memref<640000xi32, #tpu.memory_space<hbm>> -> memref<80xi32, #tpu.memory_space<hbm>>
      tpu.enqueue_dma source(%dma_start3A_789 : memref<80xi32, #tpu.memory_space<hbm>>) target(%arg13 : memref<80xi32, #tpu.memory_space<vmem>>) target_semaphore(%arg37 : memref<!tpu.dma_semaphore, #tpu.memory_space<semaphore_mem>>)
      %add3A_790 = arith.addi %add3A_40, %add3A_784 : i32
      %mul3A_791 = arith.constant 80 : i32
      %mul3A_792 = arith.muli %add3A_790, %mul3A_791 : i32
      %dma_start3A_793 = tpu.memref_slice %arg4[%mul3A_792] : memref<640000xi32, #tpu.memory_space<hbm>> -> memref<80xi32, #tpu.memory_space<hbm>>
      %dma_start3A_794 = tpu.memref_slice %arg4[%mul3A_792] : memref<640000xi32, #tpu.memory_space<hbm>> -> memref<80xi32, #tpu.memory_space<hbm>>
      tpu.enqueue_dma source(%dma_start3A_794 : memref<80xi32, #tpu.memory_space<hbm>>) target(%arg21 : memref<80xi32, #tpu.memory_space<vmem>>) target_semaphore(%arg37 : memref<!tpu.dma_semaphore, #tpu.memory_space<semaphore_mem>>)
    }
    %scan3A_204 = arith.constant 30 : i32
    %dma_wait3A_205 = arith.constant 0 : i32
    %dma_wait3A_206 = arith.constant 0 : i32
    %dma_wait3A_207 = tpu.memref_slice %arg2[%dma_wait3A_205, %dma_wait3A_206] : memref<20000x128xf32, #tpu.memory_space<hbm>> -> memref<20000x128xf32, #tpu.memory_space<hbm>>
    tpu.wait_indirect_dma semaphore(%arg41 : memref<!tpu.dma_semaphore, #tpu.memory_space<semaphore_mem>>) src(%dma_wait3A_207 : memref<20000x128xf32, #tpu.memory_space<hbm>>) dst(%arg25 : memref<80x128xf32, #tpu.memory_space<vmem>>)
    %dma_start3A_208 = arith.constant 0 : i32
    %dma_start3A_209 = arith.constant 0 : i32
    %dma_start3A_210 = tpu.memref_slice %arg29[%dma_start3A_208, %dma_start3A_209] : memref<10000x128xf32, #tpu.memory_space<vmem_shared>> -> memref<10000x128xf32, #tpu.memory_space<vmem_shared>>
    tpu.enqueue_indirect_dma source(%arg25 : memref<80x128xf32, #tpu.memory_space<vmem>>) target(%dma_start3A_210 : memref<10000x128xf32, #tpu.memory_space<vmem_shared>>) offsets(%arg17 : memref<80xi32, #tpu.memory_space<vmem>>) semaphore(%arg45 : memref<!tpu.dma_semaphore, #tpu.memory_space<semaphore_mem>>) {add = true}
    %dma_start3A_211 = arith.constant 0 : i32
    %dma_start3A_212 = tpu.memref_slice %arg30[%dma_start3A_211] : memref<10000xf32, #tpu.memory_space<vmem_shared>> -> memref<10000xf32, #tpu.memory_space<vmem_shared>>
    tpu.enqueue_indirect_dma source(%arg27 : memref<80xf32, #tpu.memory_space<vmem>>) target(%dma_start3A_212 : memref<10000xf32, #tpu.memory_space<vmem_shared>>) offsets(%arg17 : memref<80xi32, #tpu.memory_space<vmem>>) semaphore(%arg45 : memref<!tpu.dma_semaphore, #tpu.memory_space<semaphore_mem>>) {add = true}
    %dma_wait3A_213 = arith.constant 0 : i32
    %dma_wait3A_214 = arith.constant 0 : i32
    %dma_wait3A_215 = tpu.memref_slice %arg29[%dma_wait3A_213, %dma_wait3A_214] : memref<10000x128xf32, #tpu.memory_space<vmem_shared>> -> memref<10000x128xf32, #tpu.memory_space<vmem_shared>>
    tpu.wait_indirect_dma semaphore(%arg43 : memref<!tpu.dma_semaphore, #tpu.memory_space<semaphore_mem>>) src(%arg23 : memref<80x128xf32, #tpu.memory_space<vmem>>) dst(%dma_wait3A_215 : memref<10000x128xf32, #tpu.memory_space<vmem_shared>>)
    %dma_wait3A_216 = arith.constant 0 : i32
    %dma_wait3A_217 = tpu.memref_slice %arg30[%dma_wait3A_216] : memref<10000xf32, #tpu.memory_space<vmem_shared>> -> memref<10000xf32, #tpu.memory_space<vmem_shared>>
    tpu.wait_indirect_dma semaphore(%arg43 : memref<!tpu.dma_semaphore, #tpu.memory_space<semaphore_mem>>) src(%arg27 : memref<80xf32, #tpu.memory_space<vmem>>) dst(%dma_wait3A_217 : memref<10000xf32, #tpu.memory_space<vmem_shared>>)
    %add3A_218 = arith.constant 244 : i32
    %add3A_219 = arith.addi %add3A_40, %add3A_218 : i32
    %mul3A_220 = arith.constant 80 : i32
    %mul3A_221 = arith.muli %add3A_219, %mul3A_220 : i32
    %dma_wait3A_222 = tpu.memref_slice %arg3[%mul3A_221] : memref<640000xi32, #tpu.memory_space<hbm>> -> memref<80xi32, #tpu.memory_space<hbm>>
    %dma_wait3A_223 = tpu.memref_slice %arg3[%mul3A_221] : memref<640000xi32, #tpu.memory_space<hbm>> -> memref<80xi32, #tpu.memory_space<hbm>>
    tpu.wait_dma2 semaphore(%arg35 : memref<!tpu.dma_semaphore, #tpu.memory_space<semaphore_mem>>) src(%dma_wait3A_223 : memref<80xi32, #tpu.memory_space<hbm>>) dst(%arg11 : memref<80xi32, #tpu.memory_space<vmem>>)
    %add3A_224 = arith.constant 244 : i32
    %add3A_225 = arith.addi %add3A_40, %add3A_224 : i32
    %mul3A_226 = arith.constant 80 : i32
    %mul3A_227 = arith.muli %add3A_225, %mul3A_226 : i32
    %dma_wait3A_228 = tpu.memref_slice %arg4[%mul3A_227] : memref<640000xi32, #tpu.memory_space<hbm>> -> memref<80xi32, #tpu.memory_space<hbm>>
    %dma_wait3A_229 = tpu.memref_slice %arg4[%mul3A_227] : memref<640000xi32, #tpu.memory_space<hbm>> -> memref<80xi32, #tpu.memory_space<hbm>>
    tpu.wait_dma2 semaphore(%arg35 : memref<!tpu.dma_semaphore, #tpu.memory_space<semaphore_mem>>) src(%dma_wait3A_229 : memref<80xi32, #tpu.memory_space<hbm>>) dst(%arg19 : memref<80xi32, #tpu.memory_space<vmem>>)
    %dma_start3A_230 = arith.constant 0 : i32
    %dma_start3A_231 = arith.constant 0 : i32
    %dma_start3A_232 = tpu.memref_slice %arg2[%dma_start3A_230, %dma_start3A_231] : memref<20000x128xf32, #tpu.memory_space<hbm>> -> memref<20000x128xf32, #tpu.memory_space<hbm>>
    tpu.enqueue_indirect_dma source(%dma_start3A_232 : memref<20000x128xf32, #tpu.memory_space<hbm>>) target(%arg23 : memref<80x128xf32, #tpu.memory_space<vmem>>) offsets(%arg11 : memref<80xi32, #tpu.memory_space<vmem>>) semaphore(%arg39 : memref<!tpu.dma_semaphore, #tpu.memory_space<semaphore_mem>>)
    %add3A_233 = arith.constant 247 : i32
    %add3A_234 = arith.addi %add3A_40, %add3A_233 : i32
    %mul3A_235 = arith.constant 80 : i32
    %mul3A_236 = arith.muli %add3A_234, %mul3A_235 : i32
    %dma_start3A_237 = tpu.memref_slice %arg3[%mul3A_236] : memref<640000xi32, #tpu.memory_space<hbm>> -> memref<80xi32, #tpu.memory_space<hbm>>
    %dma_start3A_238 = tpu.memref_slice %arg3[%mul3A_236] : memref<640000xi32, #tpu.memory_space<hbm>> -> memref<80xi32, #tpu.memory_space<hbm>>
    tpu.enqueue_dma source(%dma_start3A_238 : memref<80xi32, #tpu.memory_space<hbm>>) target(%arg14 : memref<80xi32, #tpu.memory_space<vmem>>) target_semaphore(%arg38 : memref<!tpu.dma_semaphore, #tpu.memory_space<semaphore_mem>>)
    %add3A_239 = arith.constant 247 : i32
    %add3A_240 = arith.addi %add3A_40, %add3A_239 : i32
    %mul3A_241 = arith.constant 80 : i32
    %mul3A_242 = arith.muli %add3A_240, %mul3A_241 : i32
    %dma_start3A_243 = tpu.memref_slice %arg4[%mul3A_242] : memref<640000xi32, #tpu.memory_space<hbm>> -> memref<80xi32, #tpu.memory_space<hbm>>
    %dma_start3A_244 = tpu.memref_slice %arg4[%mul3A_242] : memref<640000xi32, #tpu.memory_space<hbm>> -> memref<80xi32, #tpu.memory_space<hbm>>
    tpu.enqueue_dma source(%dma_start3A_244 : memref<80xi32, #tpu.memory_space<hbm>>) target(%arg22 : memref<80xi32, #tpu.memory_space<vmem>>) target_semaphore(%arg38 : memref<!tpu.dma_semaphore, #tpu.memory_space<semaphore_mem>>)
    %dma_wait3A_245 = arith.constant 0 : i32
    %dma_wait3A_246 = arith.constant 0 : i32
    %dma_wait3A_247 = tpu.memref_slice %arg2[%dma_wait3A_245, %dma_wait3A_246] : memref<20000x128xf32, #tpu.memory_space<hbm>> -> memref<20000x128xf32, #tpu.memory_space<hbm>>
    tpu.wait_indirect_dma semaphore(%arg42 : memref<!tpu.dma_semaphore, #tpu.memory_space<semaphore_mem>>) src(%dma_wait3A_247 : memref<20000x128xf32, #tpu.memory_space<hbm>>) dst(%arg26 : memref<80x128xf32, #tpu.memory_space<vmem>>)
    %dma_start3A_248 = arith.constant 0 : i32
    %dma_start3A_249 = arith.constant 0 : i32
    %dma_start3A_250 = tpu.memref_slice %arg29[%dma_start3A_248, %dma_start3A_249] : memref<10000x128xf32, #tpu.memory_space<vmem_shared>> -> memref<10000x128xf32, #tpu.memory_space<vmem_shared>>
    tpu.enqueue_indirect_dma source(%arg26 : memref<80x128xf32, #tpu.memory_space<vmem>>) target(%dma_start3A_250 : memref<10000x128xf32, #tpu.memory_space<vmem_shared>>) offsets(%arg18 : memref<80xi32, #tpu.memory_space<vmem>>) semaphore(%arg46 : memref<!tpu.dma_semaphore, #tpu.memory_space<semaphore_mem>>) {add = true}
    %dma_start3A_251 = arith.constant 0 : i32
    %dma_start3A_252 = tpu.memref_slice %arg30[%dma_start3A_251] : memref<10000xf32, #tpu.memory_space<vmem_shared>> -> memref<10000xf32, #tpu.memory_space<vmem_shared>>
    tpu.enqueue_indirect_dma source(%arg27 : memref<80xf32, #tpu.memory_space<vmem>>) target(%dma_start3A_252 : memref<10000xf32, #tpu.memory_space<vmem_shared>>) offsets(%arg18 : memref<80xi32, #tpu.memory_space<vmem>>) semaphore(%arg46 : memref<!tpu.dma_semaphore, #tpu.memory_space<semaphore_mem>>) {add = true}
    %dma_wait3A_253 = arith.constant 0 : i32
    %dma_wait3A_254 = arith.constant 0 : i32
    %dma_wait3A_255 = tpu.memref_slice %arg29[%dma_wait3A_253, %dma_wait3A_254] : memref<10000x128xf32, #tpu.memory_space<vmem_shared>> -> memref<10000x128xf32, #tpu.memory_space<vmem_shared>>
    tpu.wait_indirect_dma semaphore(%arg44 : memref<!tpu.dma_semaphore, #tpu.memory_space<semaphore_mem>>) src(%arg24 : memref<80x128xf32, #tpu.memory_space<vmem>>) dst(%dma_wait3A_255 : memref<10000x128xf32, #tpu.memory_space<vmem_shared>>)
    %dma_wait3A_256 = arith.constant 0 : i32
    %dma_wait3A_257 = tpu.memref_slice %arg30[%dma_wait3A_256] : memref<10000xf32, #tpu.memory_space<vmem_shared>> -> memref<10000xf32, #tpu.memory_space<vmem_shared>>
    tpu.wait_indirect_dma semaphore(%arg44 : memref<!tpu.dma_semaphore, #tpu.memory_space<semaphore_mem>>) src(%arg27 : memref<80xf32, #tpu.memory_space<vmem>>) dst(%dma_wait3A_257 : memref<10000xf32, #tpu.memory_space<vmem_shared>>)
    %add3A_258 = arith.constant 245 : i32
    %add3A_259 = arith.addi %add3A_40, %add3A_258 : i32
    %mul3A_260 = arith.constant 80 : i32
    %mul3A_261 = arith.muli %add3A_259, %mul3A_260 : i32
    %dma_wait3A_262 = tpu.memref_slice %arg3[%mul3A_261] : memref<640000xi32, #tpu.memory_space<hbm>> -> memref<80xi32, #tpu.memory_space<hbm>>
    %dma_wait3A_263 = tpu.memref_slice %arg3[%mul3A_261] : memref<640000xi32, #tpu.memory_space<hbm>> -> memref<80xi32, #tpu.memory_space<hbm>>
    tpu.wait_dma2 semaphore(%arg36 : memref<!tpu.dma_semaphore, #tpu.memory_space<semaphore_mem>>) src(%dma_wait3A_263 : memref<80xi32, #tpu.memory_space<hbm>>) dst(%arg12 : memref<80xi32, #tpu.memory_space<vmem>>)
    %add3A_264 = arith.constant 245 : i32
    %add3A_265 = arith.addi %add3A_40, %add3A_264 : i32
    %mul3A_266 = arith.constant 80 : i32
    %mul3A_267 = arith.muli %add3A_265, %mul3A_266 : i32
    %dma_wait3A_268 = tpu.memref_slice %arg4[%mul3A_267] : memref<640000xi32, #tpu.memory_space<hbm>> -> memref<80xi32, #tpu.memory_space<hbm>>
    %dma_wait3A_269 = tpu.memref_slice %arg4[%mul3A_267] : memref<640000xi32, #tpu.memory_space<hbm>> -> memref<80xi32, #tpu.memory_space<hbm>>
    tpu.wait_dma2 semaphore(%arg36 : memref<!tpu.dma_semaphore, #tpu.memory_space<semaphore_mem>>) src(%dma_wait3A_269 : memref<80xi32, #tpu.memory_space<hbm>>) dst(%arg20 : memref<80xi32, #tpu.memory_space<vmem>>)
    %dma_start3A_270 = arith.constant 0 : i32
    %dma_start3A_271 = arith.constant 0 : i32
    %dma_start3A_272 = tpu.memref_slice %arg2[%dma_start3A_270, %dma_start3A_271] : memref<20000x128xf32, #tpu.memory_space<hbm>> -> memref<20000x128xf32, #tpu.memory_space<hbm>>
    tpu.enqueue_indirect_dma source(%dma_start3A_272 : memref<20000x128xf32, #tpu.memory_space<hbm>>) target(%arg24 : memref<80x128xf32, #tpu.memory_space<vmem>>) offsets(%arg12 : memref<80xi32, #tpu.memory_space<vmem>>) semaphore(%arg40 : memref<!tpu.dma_semaphore, #tpu.memory_space<semaphore_mem>>)
    %add3A_273 = arith.constant 248 : i32
    %add3A_274 = arith.addi %add3A_40, %add3A_273 : i32
    %mul3A_275 = arith.constant 80 : i32
    %mul3A_276 = arith.muli %add3A_274, %mul3A_275 : i32
    %dma_start3A_277 = tpu.memref_slice %arg3[%mul3A_276] : memref<640000xi32, #tpu.memory_space<hbm>> -> memref<80xi32, #tpu.memory_space<hbm>>
    %dma_start3A_278 = tpu.memref_slice %arg3[%mul3A_276] : memref<640000xi32, #tpu.memory_space<hbm>> -> memref<80xi32, #tpu.memory_space<hbm>>
    tpu.enqueue_dma source(%dma_start3A_278 : memref<80xi32, #tpu.memory_space<hbm>>) target(%arg7 : memref<80xi32, #tpu.memory_space<vmem>>) target_semaphore(%arg31 : memref<!tpu.dma_semaphore, #tpu.memory_space<semaphore_mem>>)
    %add3A_279 = arith.constant 248 : i32
    %add3A_280 = arith.addi %add3A_40, %add3A_279 : i32
    %mul3A_281 = arith.constant 80 : i32
    %mul3A_282 = arith.muli %add3A_280, %mul3A_281 : i32
    %dma_start3A_283 = tpu.memref_slice %arg4[%mul3A_282] : memref<640000xi32, #tpu.memory_space<hbm>> -> memref<80xi32, #tpu.memory_space<hbm>>
    %dma_start3A_284 = tpu.memref_slice %arg4[%mul3A_282] : memref<640000xi32, #tpu.memory_space<hbm>> -> memref<80xi32, #tpu.memory_space<hbm>>
    tpu.enqueue_dma source(%dma_start3A_284 : memref<80xi32, #tpu.memory_space<hbm>>) target(%arg15 : memref<80xi32, #tpu.memory_space<vmem>>) target_semaphore(%arg31 : memref<!tpu.dma_semaphore, #tpu.memory_space<semaphore_mem>>)
    %dma_wait3A_285 = arith.constant 0 : i32
    %dma_wait3A_286 = arith.constant 0 : i32
    %dma_wait3A_287 = tpu.memref_slice %arg2[%dma_wait3A_285, %dma_wait3A_286] : memref<20000x128xf32, #tpu.memory_space<hbm>> -> memref<20000x128xf32, #tpu.memory_space<hbm>>
    tpu.wait_indirect_dma semaphore(%arg39 : memref<!tpu.dma_semaphore, #tpu.memory_space<semaphore_mem>>) src(%dma_wait3A_287 : memref<20000x128xf32, #tpu.memory_space<hbm>>) dst(%arg23 : memref<80x128xf32, #tpu.memory_space<vmem>>)
    %dma_start3A_288 = arith.constant 0 : i32
    %dma_start3A_289 = arith.constant 0 : i32
    %dma_start3A_290 = tpu.memref_slice %arg29[%dma_start3A_288, %dma_start3A_289] : memref<10000x128xf32, #tpu.memory_space<vmem_shared>> -> memref<10000x128xf32, #tpu.memory_space<vmem_shared>>
    tpu.enqueue_indirect_dma source(%arg23 : memref<80x128xf32, #tpu.memory_space<vmem>>) target(%dma_start3A_290 : memref<10000x128xf32, #tpu.memory_space<vmem_shared>>) offsets(%arg19 : memref<80xi32, #tpu.memory_space<vmem>>) semaphore(%arg43 : memref<!tpu.dma_semaphore, #tpu.memory_space<semaphore_mem>>) {add = true}
    %dma_start3A_291 = arith.constant 0 : i32
    %dma_start3A_292 = tpu.memref_slice %arg30[%dma_start3A_291] : memref<10000xf32, #tpu.memory_space<vmem_shared>> -> memref<10000xf32, #tpu.memory_space<vmem_shared>>
    tpu.enqueue_indirect_dma source(%arg27 : memref<80xf32, #tpu.memory_space<vmem>>) target(%dma_start3A_292 : memref<10000xf32, #tpu.memory_space<vmem_shared>>) offsets(%arg19 : memref<80xi32, #tpu.memory_space<vmem>>) semaphore(%arg43 : memref<!tpu.dma_semaphore, #tpu.memory_space<semaphore_mem>>) {add = true}
    %dma_wait3A_293 = arith.constant 0 : i32
    %dma_wait3A_294 = arith.constant 0 : i32
    %dma_wait3A_295 = tpu.memref_slice %arg29[%dma_wait3A_293, %dma_wait3A_294] : memref<10000x128xf32, #tpu.memory_space<vmem_shared>> -> memref<10000x128xf32, #tpu.memory_space<vmem_shared>>
    tpu.wait_indirect_dma semaphore(%arg45 : memref<!tpu.dma_semaphore, #tpu.memory_space<semaphore_mem>>) src(%arg25 : memref<80x128xf32, #tpu.memory_space<vmem>>) dst(%dma_wait3A_295 : memref<10000x128xf32, #tpu.memory_space<vmem_shared>>)
    %dma_wait3A_296 = arith.constant 0 : i32
    %dma_wait3A_297 = tpu.memref_slice %arg30[%dma_wait3A_296] : memref<10000xf32, #tpu.memory_space<vmem_shared>> -> memref<10000xf32, #tpu.memory_space<vmem_shared>>
    tpu.wait_indirect_dma semaphore(%arg45 : memref<!tpu.dma_semaphore, #tpu.memory_space<semaphore_mem>>) src(%arg27 : memref<80xf32, #tpu.memory_space<vmem>>) dst(%dma_wait3A_297 : memref<10000xf32, #tpu.memory_space<vmem_shared>>)
    %add3A_298 = arith.constant 246 : i32
    %add3A_299 = arith.addi %add3A_40, %add3A_298 : i32
    %mul3A_300 = arith.constant 80 : i32
    %mul3A_301 = arith.muli %add3A_299, %mul3A_300 : i32
    %dma_wait3A_302 = tpu.memref_slice %arg3[%mul3A_301] : memref<640000xi32, #tpu.memory_space<hbm>> -> memref<80xi32, #tpu.memory_space<hbm>>
    %dma_wait3A_303 = tpu.memref_slice %arg3[%mul3A_301] : memref<640000xi32, #tpu.memory_space<hbm>> -> memref<80xi32, #tpu.memory_space<hbm>>
    tpu.wait_dma2 semaphore(%arg37 : memref<!tpu.dma_semaphore, #tpu.memory_space<semaphore_mem>>) src(%dma_wait3A_303 : memref<80xi32, #tpu.memory_space<hbm>>) dst(%arg13 : memref<80xi32, #tpu.memory_space<vmem>>)
    %add3A_304 = arith.constant 246 : i32
    %add3A_305 = arith.addi %add3A_40, %add3A_304 : i32
    %mul3A_306 = arith.constant 80 : i32
    %mul3A_307 = arith.muli %add3A_305, %mul3A_306 : i32
    %dma_wait3A_308 = tpu.memref_slice %arg4[%mul3A_307] : memref<640000xi32, #tpu.memory_space<hbm>> -> memref<80xi32, #tpu.memory_space<hbm>>
    %dma_wait3A_309 = tpu.memref_slice %arg4[%mul3A_307] : memref<640000xi32, #tpu.memory_space<hbm>> -> memref<80xi32, #tpu.memory_space<hbm>>
    tpu.wait_dma2 semaphore(%arg37 : memref<!tpu.dma_semaphore, #tpu.memory_space<semaphore_mem>>) src(%dma_wait3A_309 : memref<80xi32, #tpu.memory_space<hbm>>) dst(%arg21 : memref<80xi32, #tpu.memory_space<vmem>>)
    %dma_start3A_310 = arith.constant 0 : i32
    %dma_start3A_311 = arith.constant 0 : i32
    %dma_start3A_312 = tpu.memref_slice %arg2[%dma_start3A_310, %dma_start3A_311] : memref<20000x128xf32, #tpu.memory_space<hbm>> -> memref<20000x128xf32, #tpu.memory_space<hbm>>
    tpu.enqueue_indirect_dma source(%dma_start3A_312 : memref<20000x128xf32, #tpu.memory_space<hbm>>) target(%arg25 : memref<80x128xf32, #tpu.memory_space<vmem>>) offsets(%arg13 : memref<80xi32, #tpu.memory_space<vmem>>) semaphore(%arg41 : memref<!tpu.dma_semaphore, #tpu.memory_space<semaphore_mem>>)
    %add3A_313 = arith.constant 249 : i32
    %add3A_314 = arith.addi %add3A_40, %add3A_313 : i32
    %mul3A_315 = arith.constant 80 : i32
    %mul3A_316 = arith.muli %add3A_314, %mul3A_315 : i32
    %dma_start3A_317 = tpu.memref_slice %arg3[%mul3A_316] : memref<640000xi32, #tpu.memory_space<hbm>> -> memref<80xi32, #tpu.memory_space<hbm>>
    %dma_start3A_318 = tpu.memref_slice %arg3[%mul3A_316] : memref<640000xi32, #tpu.memory_space<hbm>> -> memref<80xi32, #tpu.memory_space<hbm>>
    tpu.enqueue_dma source(%dma_start3A_318 : memref<80xi32, #tpu.memory_space<hbm>>) target(%arg8 : memref<80xi32, #tpu.memory_space<vmem>>) target_semaphore(%arg32 : memref<!tpu.dma_semaphore, #tpu.memory_space<semaphore_mem>>)
    %add3A_319 = arith.constant 249 : i32
    %add3A_320 = arith.addi %add3A_40, %add3A_319 : i32
    %mul3A_321 = arith.constant 80 : i32
    %mul3A_322 = arith.muli %add3A_320, %mul3A_321 : i32
    %dma_start3A_323 = tpu.memref_slice %arg4[%mul3A_322] : memref<640000xi32, #tpu.memory_space<hbm>> -> memref<80xi32, #tpu.memory_space<hbm>>
    %dma_start3A_324 = tpu.memref_slice %arg4[%mul3A_322] : memref<640000xi32, #tpu.memory_space<hbm>> -> memref<80xi32, #tpu.memory_space<hbm>>
    tpu.enqueue_dma source(%dma_start3A_324 : memref<80xi32, #tpu.memory_space<hbm>>) target(%arg16 : memref<80xi32, #tpu.memory_space<vmem>>) target_semaphore(%arg32 : memref<!tpu.dma_semaphore, #tpu.memory_space<semaphore_mem>>)
    %dma_wait3A_325 = arith.constant 0 : i32
    %dma_wait3A_326 = arith.constant 0 : i32
    %dma_wait3A_327 = tpu.memref_slice %arg2[%dma_wait3A_325, %dma_wait3A_326] : memref<20000x128xf32, #tpu.memory_space<hbm>> -> memref<20000x128xf32, #tpu.memory_space<hbm>>
    tpu.wait_indirect_dma semaphore(%arg40 : memref<!tpu.dma_semaphore, #tpu.memory_space<semaphore_mem>>) src(%dma_wait3A_327 : memref<20000x128xf32, #tpu.memory_space<hbm>>) dst(%arg24 : memref<80x128xf32, #tpu.memory_space<vmem>>)
    %dma_start3A_328 = arith.constant 0 : i32
    %dma_start3A_329 = arith.constant 0 : i32
    %dma_start3A_330 = tpu.memref_slice %arg29[%dma_start3A_328, %dma_start3A_329] : memref<10000x128xf32, #tpu.memory_space<vmem_shared>> -> memref<10000x128xf32, #tpu.memory_space<vmem_shared>>
    tpu.enqueue_indirect_dma source(%arg24 : memref<80x128xf32, #tpu.memory_space<vmem>>) target(%dma_start3A_330 : memref<10000x128xf32, #tpu.memory_space<vmem_shared>>) offsets(%arg20 : memref<80xi32, #tpu.memory_space<vmem>>) semaphore(%arg44 : memref<!tpu.dma_semaphore, #tpu.memory_space<semaphore_mem>>) {add = true}
    %dma_start3A_331 = arith.constant 0 : i32
    %dma_start3A_332 = tpu.memref_slice %arg30[%dma_start3A_331] : memref<10000xf32, #tpu.memory_space<vmem_shared>> -> memref<10000xf32, #tpu.memory_space<vmem_shared>>
    tpu.enqueue_indirect_dma source(%arg27 : memref<80xf32, #tpu.memory_space<vmem>>) target(%dma_start3A_332 : memref<10000xf32, #tpu.memory_space<vmem_shared>>) offsets(%arg20 : memref<80xi32, #tpu.memory_space<vmem>>) semaphore(%arg44 : memref<!tpu.dma_semaphore, #tpu.memory_space<semaphore_mem>>) {add = true}
    %dma_wait3A_333 = arith.constant 0 : i32
    %dma_wait3A_334 = arith.constant 0 : i32
    %dma_wait3A_335 = tpu.memref_slice %arg29[%dma_wait3A_333, %dma_wait3A_334] : memref<10000x128xf32, #tpu.memory_space<vmem_shared>> -> memref<10000x128xf32, #tpu.memory_space<vmem_shared>>
    tpu.wait_indirect_dma semaphore(%arg46 : memref<!tpu.dma_semaphore, #tpu.memory_space<semaphore_mem>>) src(%arg26 : memref<80x128xf32, #tpu.memory_space<vmem>>) dst(%dma_wait3A_335 : memref<10000x128xf32, #tpu.memory_space<vmem_shared>>)
    %dma_wait3A_336 = arith.constant 0 : i32
    %dma_wait3A_337 = tpu.memref_slice %arg30[%dma_wait3A_336] : memref<10000xf32, #tpu.memory_space<vmem_shared>> -> memref<10000xf32, #tpu.memory_space<vmem_shared>>
    tpu.wait_indirect_dma semaphore(%arg46 : memref<!tpu.dma_semaphore, #tpu.memory_space<semaphore_mem>>) src(%arg27 : memref<80xf32, #tpu.memory_space<vmem>>) dst(%dma_wait3A_337 : memref<10000xf32, #tpu.memory_space<vmem_shared>>)
    %add3A_338 = arith.constant 247 : i32
    %add3A_339 = arith.addi %add3A_40, %add3A_338 : i32
    %mul3A_340 = arith.constant 80 : i32
    %mul3A_341 = arith.muli %add3A_339, %mul3A_340 : i32
    %dma_wait3A_342 = tpu.memref_slice %arg3[%mul3A_341] : memref<640000xi32, #tpu.memory_space<hbm>> -> memref<80xi32, #tpu.memory_space<hbm>>
    %dma_wait3A_343 = tpu.memref_slice %arg3[%mul3A_341] : memref<640000xi32, #tpu.memory_space<hbm>> -> memref<80xi32, #tpu.memory_space<hbm>>
    tpu.wait_dma2 semaphore(%arg38 : memref<!tpu.dma_semaphore, #tpu.memory_space<semaphore_mem>>) src(%dma_wait3A_343 : memref<80xi32, #tpu.memory_space<hbm>>) dst(%arg14 : memref<80xi32, #tpu.memory_space<vmem>>)
    %add3A_344 = arith.constant 247 : i32
    %add3A_345 = arith.addi %add3A_40, %add3A_344 : i32
    %mul3A_346 = arith.constant 80 : i32
    %mul3A_347 = arith.muli %add3A_345, %mul3A_346 : i32
    %dma_wait3A_348 = tpu.memref_slice %arg4[%mul3A_347] : memref<640000xi32, #tpu.memory_space<hbm>> -> memref<80xi32, #tpu.memory_space<hbm>>
    %dma_wait3A_349 = tpu.memref_slice %arg4[%mul3A_347] : memref<640000xi32, #tpu.memory_space<hbm>> -> memref<80xi32, #tpu.memory_space<hbm>>
    tpu.wait_dma2 semaphore(%arg38 : memref<!tpu.dma_semaphore, #tpu.memory_space<semaphore_mem>>) src(%dma_wait3A_349 : memref<80xi32, #tpu.memory_space<hbm>>) dst(%arg22 : memref<80xi32, #tpu.memory_space<vmem>>)
    %dma_start3A_350 = arith.constant 0 : i32
    %dma_start3A_351 = arith.constant 0 : i32
    %dma_start3A_352 = tpu.memref_slice %arg2[%dma_start3A_350, %dma_start3A_351] : memref<20000x128xf32, #tpu.memory_space<hbm>> -> memref<20000x128xf32, #tpu.memory_space<hbm>>
    tpu.enqueue_indirect_dma source(%dma_start3A_352 : memref<20000x128xf32, #tpu.memory_space<hbm>>) target(%arg26 : memref<80x128xf32, #tpu.memory_space<vmem>>) offsets(%arg14 : memref<80xi32, #tpu.memory_space<vmem>>) semaphore(%arg42 : memref<!tpu.dma_semaphore, #tpu.memory_space<semaphore_mem>>)
    %dma_wait3A_353 = arith.constant 0 : i32
    %dma_wait3A_354 = arith.constant 0 : i32
    %dma_wait3A_355 = tpu.memref_slice %arg2[%dma_wait3A_353, %dma_wait3A_354] : memref<20000x128xf32, #tpu.memory_space<hbm>> -> memref<20000x128xf32, #tpu.memory_space<hbm>>
    tpu.wait_indirect_dma semaphore(%arg41 : memref<!tpu.dma_semaphore, #tpu.memory_space<semaphore_mem>>) src(%dma_wait3A_355 : memref<20000x128xf32, #tpu.memory_space<hbm>>) dst(%arg25 : memref<80x128xf32, #tpu.memory_space<vmem>>)
    %dma_start3A_356 = arith.constant 0 : i32
    %dma_start3A_357 = arith.constant 0 : i32
    %dma_start3A_358 = tpu.memref_slice %arg29[%dma_start3A_356, %dma_start3A_357] : memref<10000x128xf32, #tpu.memory_space<vmem_shared>> -> memref<10000x128xf32, #tpu.memory_space<vmem_shared>>
    tpu.enqueue_indirect_dma source(%arg25 : memref<80x128xf32, #tpu.memory_space<vmem>>) target(%dma_start3A_358 : memref<10000x128xf32, #tpu.memory_space<vmem_shared>>) offsets(%arg21 : memref<80xi32, #tpu.memory_space<vmem>>) semaphore(%arg45 : memref<!tpu.dma_semaphore, #tpu.memory_space<semaphore_mem>>) {add = true}
    %dma_start3A_359 = arith.constant 0 : i32
    %dma_start3A_360 = tpu.memref_slice %arg30[%dma_start3A_359] : memref<10000xf32, #tpu.memory_space<vmem_shared>> -> memref<10000xf32, #tpu.memory_space<vmem_shared>>
    tpu.enqueue_indirect_dma source(%arg27 : memref<80xf32, #tpu.memory_space<vmem>>) target(%dma_start3A_360 : memref<10000xf32, #tpu.memory_space<vmem_shared>>) offsets(%arg21 : memref<80xi32, #tpu.memory_space<vmem>>) semaphore(%arg45 : memref<!tpu.dma_semaphore, #tpu.memory_space<semaphore_mem>>) {add = true}
    %dma_wait3A_361 = arith.constant 0 : i32
    %dma_wait3A_362 = arith.constant 0 : i32
    %dma_wait3A_363 = tpu.memref_slice %arg29[%dma_wait3A_361, %dma_wait3A_362] : memref<10000x128xf32, #tpu.memory_space<vmem_shared>> -> memref<10000x128xf32, #tpu.memory_space<vmem_shared>>
    tpu.wait_indirect_dma semaphore(%arg43 : memref<!tpu.dma_semaphore, #tpu.memory_space<semaphore_mem>>) src(%arg23 : memref<80x128xf32, #tpu.memory_space<vmem>>) dst(%dma_wait3A_363 : memref<10000x128xf32, #tpu.memory_space<vmem_shared>>)
    %dma_wait3A_364 = arith.constant 0 : i32
    %dma_wait3A_365 = tpu.memref_slice %arg30[%dma_wait3A_364] : memref<10000xf32, #tpu.memory_space<vmem_shared>> -> memref<10000xf32, #tpu.memory_space<vmem_shared>>
    tpu.wait_indirect_dma semaphore(%arg43 : memref<!tpu.dma_semaphore, #tpu.memory_space<semaphore_mem>>) src(%arg27 : memref<80xf32, #tpu.memory_space<vmem>>) dst(%dma_wait3A_365 : memref<10000xf32, #tpu.memory_space<vmem_shared>>)
    %add3A_366 = arith.constant 248 : i32
    %add3A_367 = arith.addi %add3A_40, %add3A_366 : i32
    %mul3A_368 = arith.constant 80 : i32
    %mul3A_369 = arith.muli %add3A_367, %mul3A_368 : i32
    %dma_wait3A_370 = tpu.memref_slice %arg3[%mul3A_369] : memref<640000xi32, #tpu.memory_space<hbm>> -> memref<80xi32, #tpu.memory_space<hbm>>
    %dma_wait3A_371 = tpu.memref_slice %arg3[%mul3A_369] : memref<640000xi32, #tpu.memory_space<hbm>> -> memref<80xi32, #tpu.memory_space<hbm>>
    tpu.wait_dma2 semaphore(%arg31 : memref<!tpu.dma_semaphore, #tpu.memory_space<semaphore_mem>>) src(%dma_wait3A_371 : memref<80xi32, #tpu.memory_space<hbm>>) dst(%arg7 : memref<80xi32, #tpu.memory_space<vmem>>)
    %add3A_372 = arith.constant 248 : i32
    %add3A_373 = arith.addi %add3A_40, %add3A_372 : i32
    %mul3A_374 = arith.constant 80 : i32
    %mul3A_375 = arith.muli %add3A_373, %mul3A_374 : i32
    %dma_wait3A_376 = tpu.memref_slice %arg4[%mul3A_375] : memref<640000xi32, #tpu.memory_space<hbm>> -> memref<80xi32, #tpu.memory_space<hbm>>
    %dma_wait3A_377 = tpu.memref_slice %arg4[%mul3A_375] : memref<640000xi32, #tpu.memory_space<hbm>> -> memref<80xi32, #tpu.memory_space<hbm>>
    tpu.wait_dma2 semaphore(%arg31 : memref<!tpu.dma_semaphore, #tpu.memory_space<semaphore_mem>>) src(%dma_wait3A_377 : memref<80xi32, #tpu.memory_space<hbm>>) dst(%arg15 : memref<80xi32, #tpu.memory_space<vmem>>)
    %dma_start3A_378 = arith.constant 0 : i32
    %dma_start3A_379 = arith.constant 0 : i32
    %dma_start3A_380 = tpu.memref_slice %arg2[%dma_start3A_378, %dma_start3A_379] : memref<20000x128xf32, #tpu.memory_space<hbm>> -> memref<20000x128xf32, #tpu.memory_space<hbm>>
    tpu.enqueue_indirect_dma source(%dma_start3A_380 : memref<20000x128xf32, #tpu.memory_space<hbm>>) target(%arg23 : memref<80x128xf32, #tpu.memory_space<vmem>>) offsets(%arg7 : memref<80xi32, #tpu.memory_space<vmem>>) semaphore(%arg39 : memref<!tpu.dma_semaphore, #tpu.memory_space<semaphore_mem>>)
    %dma_wait3A_381 = arith.constant 0 : i32
    %dma_wait3A_382 = arith.constant 0 : i32
    %dma_wait3A_383 = tpu.memref_slice %arg2[%dma_wait3A_381, %dma_wait3A_382] : memref<20000x128xf32, #tpu.memory_space<hbm>> -> memref<20000x128xf32, #tpu.memory_space<hbm>>
    tpu.wait_indirect_dma semaphore(%arg42 : memref<!tpu.dma_semaphore, #tpu.memory_space<semaphore_mem>>) src(%dma_wait3A_383 : memref<20000x128xf32, #tpu.memory_space<hbm>>) dst(%arg26 : memref<80x128xf32, #tpu.memory_space<vmem>>)
    %dma_start3A_384 = arith.constant 0 : i32
    %dma_start3A_385 = arith.constant 0 : i32
    %dma_start3A_386 = tpu.memref_slice %arg29[%dma_start3A_384, %dma_start3A_385] : memref<10000x128xf32, #tpu.memory_space<vmem_shared>> -> memref<10000x128xf32, #tpu.memory_space<vmem_shared>>
    tpu.enqueue_indirect_dma source(%arg26 : memref<80x128xf32, #tpu.memory_space<vmem>>) target(%dma_start3A_386 : memref<10000x128xf32, #tpu.memory_space<vmem_shared>>) offsets(%arg22 : memref<80xi32, #tpu.memory_space<vmem>>) semaphore(%arg46 : memref<!tpu.dma_semaphore, #tpu.memory_space<semaphore_mem>>) {add = true}
    %dma_start3A_387 = arith.constant 0 : i32
    %dma_start3A_388 = tpu.memref_slice %arg30[%dma_start3A_387] : memref<10000xf32, #tpu.memory_space<vmem_shared>> -> memref<10000xf32, #tpu.memory_space<vmem_shared>>
    tpu.enqueue_indirect_dma source(%arg27 : memref<80xf32, #tpu.memory_space<vmem>>) target(%dma_start3A_388 : memref<10000xf32, #tpu.memory_space<vmem_shared>>) offsets(%arg22 : memref<80xi32, #tpu.memory_space<vmem>>) semaphore(%arg46 : memref<!tpu.dma_semaphore, #tpu.memory_space<semaphore_mem>>) {add = true}
    %dma_wait3A_389 = arith.constant 0 : i32
    %dma_wait3A_390 = arith.constant 0 : i32
    %dma_wait3A_391 = tpu.memref_slice %arg29[%dma_wait3A_389, %dma_wait3A_390] : memref<10000x128xf32, #tpu.memory_space<vmem_shared>> -> memref<10000x128xf32, #tpu.memory_space<vmem_shared>>
    tpu.wait_indirect_dma semaphore(%arg44 : memref<!tpu.dma_semaphore, #tpu.memory_space<semaphore_mem>>) src(%arg24 : memref<80x128xf32, #tpu.memory_space<vmem>>) dst(%dma_wait3A_391 : memref<10000x128xf32, #tpu.memory_space<vmem_shared>>)
    %dma_wait3A_392 = arith.constant 0 : i32
    %dma_wait3A_393 = tpu.memref_slice %arg30[%dma_wait3A_392] : memref<10000xf32, #tpu.memory_space<vmem_shared>> -> memref<10000xf32, #tpu.memory_space<vmem_shared>>
    tpu.wait_indirect_dma semaphore(%arg44 : memref<!tpu.dma_semaphore, #tpu.memory_space<semaphore_mem>>) src(%arg27 : memref<80xf32, #tpu.memory_space<vmem>>) dst(%dma_wait3A_393 : memref<10000xf32, #tpu.memory_space<vmem_shared>>)
    %add3A_394 = arith.constant 249 : i32
    %add3A_395 = arith.addi %add3A_40, %add3A_394 : i32
    %mul3A_396 = arith.constant 80 : i32
    %mul3A_397 = arith.muli %add3A_395, %mul3A_396 : i32
    %dma_wait3A_398 = tpu.memref_slice %arg3[%mul3A_397] : memref<640000xi32, #tpu.memory_space<hbm>> -> memref<80xi32, #tpu.memory_space<hbm>>
    %dma_wait3A_399 = tpu.memref_slice %arg3[%mul3A_397] : memref<640000xi32, #tpu.memory_space<hbm>> -> memref<80xi32, #tpu.memory_space<hbm>>
    tpu.wait_dma2 semaphore(%arg32 : memref<!tpu.dma_semaphore, #tpu.memory_space<semaphore_mem>>) src(%dma_wait3A_399 : memref<80xi32, #tpu.memory_space<hbm>>) dst(%arg8 : memref<80xi32, #tpu.memory_space<vmem>>)
    %add3A_400 = arith.constant 249 : i32
    %add3A_401 = arith.addi %add3A_40, %add3A_400 : i32
    %mul3A_402 = arith.constant 80 : i32
    %mul3A_403 = arith.muli %add3A_401, %mul3A_402 : i32
    %dma_wait3A_404 = tpu.memref_slice %arg4[%mul3A_403] : memref<640000xi32, #tpu.memory_space<hbm>> -> memref<80xi32, #tpu.memory_space<hbm>>
    %dma_wait3A_405 = tpu.memref_slice %arg4[%mul3A_403] : memref<640000xi32, #tpu.memory_space<hbm>> -> memref<80xi32, #tpu.memory_space<hbm>>
    tpu.wait_dma2 semaphore(%arg32 : memref<!tpu.dma_semaphore, #tpu.memory_space<semaphore_mem>>) src(%dma_wait3A_405 : memref<80xi32, #tpu.memory_space<hbm>>) dst(%arg16 : memref<80xi32, #tpu.memory_space<vmem>>)
    %dma_start3A_406 = arith.constant 0 : i32
    %dma_start3A_407 = arith.constant 0 : i32
    %dma_start3A_408 = tpu.memref_slice %arg2[%dma_start3A_406, %dma_start3A_407] : memref<20000x128xf32, #tpu.memory_space<hbm>> -> memref<20000x128xf32, #tpu.memory_space<hbm>>
    tpu.enqueue_indirect_dma source(%dma_start3A_408 : memref<20000x128xf32, #tpu.memory_space<hbm>>) target(%arg24 : memref<80x128xf32, #tpu.memory_space<vmem>>) offsets(%arg8 : memref<80xi32, #tpu.memory_space<vmem>>) semaphore(%arg40 : memref<!tpu.dma_semaphore, #tpu.memory_space<semaphore_mem>>)
    %dma_wait3A_409 = arith.constant 0 : i32
    %dma_wait3A_410 = arith.constant 0 : i32
    %dma_wait3A_411 = tpu.memref_slice %arg2[%dma_wait3A_409, %dma_wait3A_410] : memref<20000x128xf32, #tpu.memory_space<hbm>> -> memref<20000x128xf32, #tpu.memory_space<hbm>>
    tpu.wait_indirect_dma semaphore(%arg39 : memref<!tpu.dma_semaphore, #tpu.memory_space<semaphore_mem>>) src(%dma_wait3A_411 : memref<20000x128xf32, #tpu.memory_space<hbm>>) dst(%arg23 : memref<80x128xf32, #tpu.memory_space<vmem>>)
    %dma_start3A_412 = arith.constant 0 : i32
    %dma_start3A_413 = arith.constant 0 : i32
    %dma_start3A_414 = tpu.memref_slice %arg29[%dma_start3A_412, %dma_start3A_413] : memref<10000x128xf32, #tpu.memory_space<vmem_shared>> -> memref<10000x128xf32, #tpu.memory_space<vmem_shared>>
    tpu.enqueue_indirect_dma source(%arg23 : memref<80x128xf32, #tpu.memory_space<vmem>>) target(%dma_start3A_414 : memref<10000x128xf32, #tpu.memory_space<vmem_shared>>) offsets(%arg15 : memref<80xi32, #tpu.memory_space<vmem>>) semaphore(%arg43 : memref<!tpu.dma_semaphore, #tpu.memory_space<semaphore_mem>>) {add = true}
    %dma_start3A_415 = arith.constant 0 : i32
    %dma_start3A_416 = tpu.memref_slice %arg30[%dma_start3A_415] : memref<10000xf32, #tpu.memory_space<vmem_shared>> -> memref<10000xf32, #tpu.memory_space<vmem_shared>>
    tpu.enqueue_indirect_dma source(%arg27 : memref<80xf32, #tpu.memory_space<vmem>>) target(%dma_start3A_416 : memref<10000xf32, #tpu.memory_space<vmem_shared>>) offsets(%arg15 : memref<80xi32, #tpu.memory_space<vmem>>) semaphore(%arg43 : memref<!tpu.dma_semaphore, #tpu.memory_space<semaphore_mem>>) {add = true}
    %dma_wait3A_417 = arith.constant 0 : i32
    %dma_wait3A_418 = arith.constant 0 : i32
    %dma_wait3A_419 = tpu.memref_slice %arg29[%dma_wait3A_417, %dma_wait3A_418] : memref<10000x128xf32, #tpu.memory_space<vmem_shared>> -> memref<10000x128xf32, #tpu.memory_space<vmem_shared>>
    tpu.wait_indirect_dma semaphore(%arg45 : memref<!tpu.dma_semaphore, #tpu.memory_space<semaphore_mem>>) src(%arg25 : memref<80x128xf32, #tpu.memory_space<vmem>>) dst(%dma_wait3A_419 : memref<10000x128xf32, #tpu.memory_space<vmem_shared>>)
    %dma_wait3A_420 = arith.constant 0 : i32
    %dma_wait3A_421 = tpu.memref_slice %arg30[%dma_wait3A_420] : memref<10000xf32, #tpu.memory_space<vmem_shared>> -> memref<10000xf32, #tpu.memory_space<vmem_shared>>
    tpu.wait_indirect_dma semaphore(%arg45 : memref<!tpu.dma_semaphore, #tpu.memory_space<semaphore_mem>>) src(%arg27 : memref<80xf32, #tpu.memory_space<vmem>>) dst(%dma_wait3A_421 : memref<10000xf32, #tpu.memory_space<vmem_shared>>)
    %dma_wait3A_422 = arith.constant 0 : i32
    %dma_wait3A_423 = arith.constant 0 : i32
    %dma_wait3A_424 = tpu.memref_slice %arg2[%dma_wait3A_422, %dma_wait3A_423] : memref<20000x128xf32, #tpu.memory_space<hbm>> -> memref<20000x128xf32, #tpu.memory_space<hbm>>
    tpu.wait_indirect_dma semaphore(%arg40 : memref<!tpu.dma_semaphore, #tpu.memory_space<semaphore_mem>>) src(%dma_wait3A_424 : memref<20000x128xf32, #tpu.memory_space<hbm>>) dst(%arg24 : memref<80x128xf32, #tpu.memory_space<vmem>>)
    %dma_start3A_425 = arith.constant 0 : i32
    %dma_start3A_426 = arith.constant 0 : i32
    %dma_start3A_427 = tpu.memref_slice %arg29[%dma_start3A_425, %dma_start3A_426] : memref<10000x128xf32, #tpu.memory_space<vmem_shared>> -> memref<10000x128xf32, #tpu.memory_space<vmem_shared>>
    tpu.enqueue_indirect_dma source(%arg24 : memref<80x128xf32, #tpu.memory_space<vmem>>) target(%dma_start3A_427 : memref<10000x128xf32, #tpu.memory_space<vmem_shared>>) offsets(%arg16 : memref<80xi32, #tpu.memory_space<vmem>>) semaphore(%arg44 : memref<!tpu.dma_semaphore, #tpu.memory_space<semaphore_mem>>) {add = true}
    %dma_start3A_428 = arith.constant 0 : i32
    %dma_start3A_429 = tpu.memref_slice %arg30[%dma_start3A_428] : memref<10000xf32, #tpu.memory_space<vmem_shared>> -> memref<10000xf32, #tpu.memory_space<vmem_shared>>
    tpu.enqueue_indirect_dma source(%arg27 : memref<80xf32, #tpu.memory_space<vmem>>) target(%dma_start3A_429 : memref<10000xf32, #tpu.memory_space<vmem_shared>>) offsets(%arg16 : memref<80xi32, #tpu.memory_space<vmem>>) semaphore(%arg44 : memref<!tpu.dma_semaphore, #tpu.memory_space<semaphore_mem>>) {add = true}
    %dma_wait3A_430 = arith.constant 0 : i32
    %dma_wait3A_431 = arith.constant 0 : i32
    %dma_wait3A_432 = tpu.memref_slice %arg29[%dma_wait3A_430, %dma_wait3A_431] : memref<10000x128xf32, #tpu.memory_space<vmem_shared>> -> memref<10000x128xf32, #tpu.memory_space<vmem_shared>>
    tpu.wait_indirect_dma semaphore(%arg46 : memref<!tpu.dma_semaphore, #tpu.memory_space<semaphore_mem>>) src(%arg26 : memref<80x128xf32, #tpu.memory_space<vmem>>) dst(%dma_wait3A_432 : memref<10000x128xf32, #tpu.memory_space<vmem_shared>>)
    %dma_wait3A_433 = arith.constant 0 : i32
    %dma_wait3A_434 = tpu.memref_slice %arg30[%dma_wait3A_433] : memref<10000xf32, #tpu.memory_space<vmem_shared>> -> memref<10000xf32, #tpu.memory_space<vmem_shared>>
    tpu.wait_indirect_dma semaphore(%arg46 : memref<!tpu.dma_semaphore, #tpu.memory_space<semaphore_mem>>) src(%arg27 : memref<80xf32, #tpu.memory_space<vmem>>) dst(%dma_wait3A_434 : memref<10000xf32, #tpu.memory_space<vmem_shared>>)
    %dma_wait3A_435 = arith.constant 0 : i32
    %dma_wait3A_436 = arith.constant 0 : i32
    %dma_wait3A_437 = tpu.memref_slice %arg29[%dma_wait3A_435, %dma_wait3A_436] : memref<10000x128xf32, #tpu.memory_space<vmem_shared>> -> memref<10000x128xf32, #tpu.memory_space<vmem_shared>>
    tpu.wait_indirect_dma semaphore(%arg43 : memref<!tpu.dma_semaphore, #tpu.memory_space<semaphore_mem>>) src(%arg23 : memref<80x128xf32, #tpu.memory_space<vmem>>) dst(%dma_wait3A_437 : memref<10000x128xf32, #tpu.memory_space<vmem_shared>>)
    %dma_wait3A_438 = arith.constant 0 : i32
    %dma_wait3A_439 = tpu.memref_slice %arg30[%dma_wait3A_438] : memref<10000xf32, #tpu.memory_space<vmem_shared>> -> memref<10000xf32, #tpu.memory_space<vmem_shared>>
    tpu.wait_indirect_dma semaphore(%arg43 : memref<!tpu.dma_semaphore, #tpu.memory_space<semaphore_mem>>) src(%arg27 : memref<80xf32, #tpu.memory_space<vmem>>) dst(%dma_wait3A_439 : memref<10000xf32, #tpu.memory_space<vmem_shared>>)
    %dma_wait3A_440 = arith.constant 0 : i32
    %dma_wait3A_441 = arith.constant 0 : i32
    %dma_wait3A_442 = tpu.memref_slice %arg29[%dma_wait3A_440, %dma_wait3A_441] : memref<10000x128xf32, #tpu.memory_space<vmem_shared>> -> memref<10000x128xf32, #tpu.memory_space<vmem_shared>>
    tpu.wait_indirect_dma semaphore(%arg44 : memref<!tpu.dma_semaphore, #tpu.memory_space<semaphore_mem>>) src(%arg24 : memref<80x128xf32, #tpu.memory_space<vmem>>) dst(%dma_wait3A_442 : memref<10000x128xf32, #tpu.memory_space<vmem_shared>>)
    %dma_wait3A_443 = arith.constant 0 : i32
    %dma_wait3A_444 = tpu.memref_slice %arg30[%dma_wait3A_443] : memref<10000xf32, #tpu.memory_space<vmem_shared>> -> memref<10000xf32, #tpu.memory_space<vmem_shared>>
    tpu.wait_indirect_dma semaphore(%arg44 : memref<!tpu.dma_semaphore, #tpu.memory_space<semaphore_mem>>) src(%arg27 : memref<80xf32, #tpu.memory_space<vmem>>) dst(%dma_wait3A_444 : memref<10000xf32, #tpu.memory_space<vmem_shared>>)
    %barrier3A_445 = arith.constant 0 : index
    tpu.barrier barrier_id(%barrier3A_445)
    %mul3A_446 = arith.constant 10000 : i32
    %mul3A_447 = arith.muli %arg0, %mul3A_446 : i32
    %add3A_448 = arith.addi %mul3A_447, %mul3A_17 : i32
    "tpu.region"() ({
      %run_scoped3A = tpu.sem_alloc : memref<!tpu.dma_semaphore, #tpu.memory_space<semaphore_mem>>
      %dma_start3A_454 = arith.constant 0 : i32
      %dma_start3A_455 = tpu.memref_slice %arg5[%add3A_448, %dma_start3A_454] : memref<20000x128xf32, #tpu.memory_space<hbm>> -> memref<624x128xf32, #tpu.memory_space<hbm>>
      %dma_start3A_456 = arith.constant 0 : i32
      %dma_start3A_457 = tpu.memref_slice %arg29[%mul3A_17, %dma_start3A_456] : memref<10000x128xf32, #tpu.memory_space<vmem_shared>> -> memref<624x128xf32, #tpu.memory_space<vmem_shared>>
      tpu.enqueue_dma source(%dma_start3A_457 : memref<624x128xf32, #tpu.memory_space<vmem_shared>>) target(%dma_start3A_455 : memref<624x128xf32, #tpu.memory_space<hbm>>) target_semaphore(%run_scoped3A : memref<!tpu.dma_semaphore, #tpu.memory_space<semaphore_mem>>)
      %dma_wait3A_458 = arith.constant 0 : i32
      %dma_wait3A_459 = tpu.memref_slice %arg5[%add3A_448, %dma_wait3A_458] : memref<20000x128xf32, #tpu.memory_space<hbm>> -> memref<624x128xf32, #tpu.memory_space<hbm>>
      %dma_wait3A_460 = arith.constant 0 : i32
      %dma_wait3A_461 = tpu.memref_slice %arg29[%mul3A_17, %dma_wait3A_460] : memref<10000x128xf32, #tpu.memory_space<vmem_shared>> -> memref<624x128xf32, #tpu.memory_space<vmem_shared>>
      tpu.wait_dma2 semaphore(%run_scoped3A : memref<!tpu.dma_semaphore, #tpu.memory_space<semaphore_mem>>) src(%dma_wait3A_461 : memref<624x128xf32, #tpu.memory_space<vmem_shared>>) dst(%dma_wait3A_459 : memref<624x128xf32, #tpu.memory_space<hbm>>)
      tpu.yield
    }) : () -> ()
    "tpu.region"() ({
      %run_scoped3A = tpu.sem_alloc : memref<!tpu.dma_semaphore, #tpu.memory_space<semaphore_mem>>
      %dma_start3A_454 = tpu.memref_slice %arg30[%mul3A_17] : memref<10000xf32, #tpu.memory_space<vmem_shared>> -> memref<624xf32, #tpu.memory_space<vmem_shared>>
      %dma_start3A_455 = tpu.memref_slice %arg30[%mul3A_17] : memref<10000xf32, #tpu.memory_space<vmem_shared>> -> memref<624xf32, #tpu.memory_space<vmem_shared>>
      tpu.enqueue_dma source(%dma_start3A_455 : memref<624xf32, #tpu.memory_space<vmem_shared>>) target(%arg28 : memref<624xf32, #tpu.memory_space<vmem>>) target_semaphore(%run_scoped3A : memref<!tpu.dma_semaphore, #tpu.memory_space<semaphore_mem>>)
      %dma_wait3A_456 = tpu.memref_slice %arg30[%mul3A_17] : memref<10000xf32, #tpu.memory_space<vmem_shared>> -> memref<624xf32, #tpu.memory_space<vmem_shared>>
      %dma_wait3A_457 = tpu.memref_slice %arg30[%mul3A_17] : memref<10000xf32, #tpu.memory_space<vmem_shared>> -> memref<624xf32, #tpu.memory_space<vmem_shared>>
      tpu.wait_dma2 semaphore(%run_scoped3A : memref<!tpu.dma_semaphore, #tpu.memory_space<semaphore_mem>>) src(%dma_wait3A_457 : memref<624xf32, #tpu.memory_space<vmem_shared>>) dst(%arg28 : memref<624xf32, #tpu.memory_space<vmem>>)
      tpu.yield
    }) : () -> ()
    "tpu.region"() ({
      %run_scoped3A = tpu.sem_alloc : memref<!tpu.dma_semaphore, #tpu.memory_space<semaphore_mem>>
      %dma_start3A_454 = tpu.memref_slice %arg6[%add3A_448] : memref<20000xf32, #tpu.memory_space<hbm>> -> memref<624xf32, #tpu.memory_space<hbm>>
      %dma_start3A_455 = tpu.memref_slice %arg6[%add3A_448] : memref<20000xf32, #tpu.memory_space<hbm>> -> memref<624xf32, #tpu.memory_space<hbm>>
      tpu.enqueue_dma source(%arg28 : memref<624xf32, #tpu.memory_space<vmem>>) target(%dma_start3A_455 : memref<624xf32, #tpu.memory_space<hbm>>) target_semaphore(%run_scoped3A : memref<!tpu.dma_semaphore, #tpu.memory_space<semaphore_mem>>)
      %dma_wait3A_456 = tpu.memref_slice %arg6[%add3A_448] : memref<20000xf32, #tpu.memory_space<hbm>> -> memref<624xf32, #tpu.memory_space<hbm>>
      %dma_wait3A_457 = tpu.memref_slice %arg6[%add3A_448] : memref<20000xf32, #tpu.memory_space<hbm>> -> memref<624xf32, #tpu.memory_space<hbm>>
      tpu.wait_dma2 semaphore(%run_scoped3A : memref<!tpu.dma_semaphore, #tpu.memory_space<semaphore_mem>>) src(%arg28 : memref<624xf32, #tpu.memory_space<vmem>>) dst(%dma_wait3A_457 : memref<624xf32, #tpu.memory_space<hbm>>)
      tpu.yield
    }) : () -> ()
    %eq3A_449 = arith.constant 15 : i32
    %eq3A_450 = arith.cmpi eq, %arg1, %eq3A_449 : i32
    %convert_element_type3A_451 = arith.extui %eq3A_450 : i1 to i32
    %cond3A_452 = arith.constant 0 : i32
    %cond3A_453 = arith.cmpi ne, %convert_element_type3A_451, %cond3A_452 : i32
    scf.if %cond3A_453 {
      %mul3A_454 = arith.constant 10000 : i32
      %mul3A_455 = arith.muli %arg0, %mul3A_454 : i32
      %add3A_456 = arith.constant 10000 : i32
      %add3A_457 = arith.addi %mul3A_455, %add3A_456 : i32
      %sub3A_458 = arith.constant 16 : i32
      %sub3A_459 = arith.subi %add3A_457, %sub3A_458 : i32
      "tpu.region"() ({
        %run_scoped3A = tpu.sem_alloc : memref<!tpu.dma_semaphore, #tpu.memory_space<semaphore_mem>>
        %dma_start3A_466 = arith.constant 0 : i32
        %dma_start3A_467 = tpu.memref_slice %arg5[%sub3A_459, %dma_start3A_466] : memref<20000x128xf32, #tpu.memory_space<hbm>> -> memref<16x128xf32, #tpu.memory_space<hbm>>
        %dma_start3A_468 = arith.constant 9984 : i32
        %dma_start3A_469 = arith.constant 0 : i32
        %dma_start3A_470 = tpu.memref_slice %arg29[%dma_start3A_468, %dma_start3A_469] : memref<10000x128xf32, #tpu.memory_space<vmem_shared>> -> memref<16x128xf32, #tpu.memory_space<vmem_shared>>
        tpu.enqueue_dma source(%dma_start3A_470 : memref<16x128xf32, #tpu.memory_space<vmem_shared>>) target(%dma_start3A_467 : memref<16x128xf32, #tpu.memory_space<hbm>>) target_semaphore(%run_scoped3A : memref<!tpu.dma_semaphore, #tpu.memory_space<semaphore_mem>>)
        %dma_wait3A_471 = arith.constant 0 : i32
        %dma_wait3A_472 = tpu.memref_slice %arg5[%sub3A_459, %dma_wait3A_471] : memref<20000x128xf32, #tpu.memory_space<hbm>> -> memref<16x128xf32, #tpu.memory_space<hbm>>
        %dma_wait3A_473 = arith.constant 9984 : i32
        %dma_wait3A_474 = arith.constant 0 : i32
        %dma_wait3A_475 = tpu.memref_slice %arg29[%dma_wait3A_473, %dma_wait3A_474] : memref<10000x128xf32, #tpu.memory_space<vmem_shared>> -> memref<16x128xf32, #tpu.memory_space<vmem_shared>>
        tpu.wait_dma2 semaphore(%run_scoped3A : memref<!tpu.dma_semaphore, #tpu.memory_space<semaphore_mem>>) src(%dma_wait3A_475 : memref<16x128xf32, #tpu.memory_space<vmem_shared>>) dst(%dma_wait3A_472 : memref<16x128xf32, #tpu.memory_space<hbm>>)
        tpu.yield
      }) : () -> ()
      "tpu.region"() ({
        %run_scoped3A = tpu.sem_alloc : memref<!tpu.dma_semaphore, #tpu.memory_space<semaphore_mem>>
        %dma_start3A_466 = arith.constant 0 : i32
        %dma_start3A_467 = tpu.memref_slice %arg27[%dma_start3A_466] : memref<80xf32, #tpu.memory_space<vmem>> -> memref<16xf32, #tpu.memory_space<vmem>>
        %dma_start3A_468 = arith.constant 9984 : i32
        %dma_start3A_469 = tpu.memref_slice %arg30[%dma_start3A_468] : memref<10000xf32, #tpu.memory_space<vmem_shared>> -> memref<16xf32, #tpu.memory_space<vmem_shared>>
        %dma_start3A_470 = arith.constant 0 : i32
        %dma_start3A_471 = tpu.memref_slice %arg27[%dma_start3A_470] : memref<80xf32, #tpu.memory_space<vmem>> -> memref<16xf32, #tpu.memory_space<vmem>>
        %dma_start3A_472 = arith.constant 9984 : i32
        %dma_start3A_473 = tpu.memref_slice %arg30[%dma_start3A_472] : memref<10000xf32, #tpu.memory_space<vmem_shared>> -> memref<16xf32, #tpu.memory_space<vmem_shared>>
        tpu.enqueue_dma source(%dma_start3A_473 : memref<16xf32, #tpu.memory_space<vmem_shared>>) target(%dma_start3A_471 : memref<16xf32, #tpu.memory_space<vmem>>) target_semaphore(%run_scoped3A : memref<!tpu.dma_semaphore, #tpu.memory_space<semaphore_mem>>)
        %dma_wait3A_474 = arith.constant 0 : i32
        %dma_wait3A_475 = tpu.memref_slice %arg27[%dma_wait3A_474] : memref<80xf32, #tpu.memory_space<vmem>> -> memref<16xf32, #tpu.memory_space<vmem>>
        %dma_wait3A_476 = arith.constant 9984 : i32
        %dma_wait3A_477 = tpu.memref_slice %arg30[%dma_wait3A_476] : memref<10000xf32, #tpu.memory_space<vmem_shared>> -> memref<16xf32, #tpu.memory_space<vmem_shared>>
        %dma_wait3A_478 = arith.constant 0 : i32
        %dma_wait3A_479 = tpu.memref_slice %arg27[%dma_wait3A_478] : memref<80xf32, #tpu.memory_space<vmem>> -> memref<16xf32, #tpu.memory_space<vmem>>
        %dma_wait3A_480 = arith.constant 9984 : i32
        %dma_wait3A_481 = tpu.memref_slice %arg30[%dma_wait3A_480] : memref<10000xf32, #tpu.memory_space<vmem_shared>> -> memref<16xf32, #tpu.memory_space<vmem_shared>>
        tpu.wait_dma2 semaphore(%run_scoped3A : memref<!tpu.dma_semaphore, #tpu.memory_space<semaphore_mem>>) src(%dma_wait3A_481 : memref<16xf32, #tpu.memory_space<vmem_shared>>) dst(%dma_wait3A_479 : memref<16xf32, #tpu.memory_space<vmem>>)
        tpu.yield
      }) : () -> ()
      %mul3A_460 = arith.constant 10000 : i32
      %mul3A_461 = arith.muli %arg0, %mul3A_460 : i32
      %add3A_462 = arith.constant 10000 : i32
      %add3A_463 = arith.addi %mul3A_461, %add3A_462 : i32
      %sub3A_464 = arith.constant 16 : i32
      %sub3A_465 = arith.subi %add3A_463, %sub3A_464 : i32
      "tpu.region"() ({
        %run_scoped3A = tpu.sem_alloc : memref<!tpu.dma_semaphore, #tpu.memory_space<semaphore_mem>>
        %dma_start3A_466 = arith.constant 0 : i32
        %dma_start3A_467 = tpu.memref_slice %arg27[%dma_start3A_466] : memref<80xf32, #tpu.memory_space<vmem>> -> memref<16xf32, #tpu.memory_space<vmem>>
        %dma_start3A_468 = tpu.memref_slice %arg6[%sub3A_465] : memref<20000xf32, #tpu.memory_space<hbm>> -> memref<16xf32, #tpu.memory_space<hbm>>
        %dma_start3A_469 = tpu.memref_slice %arg6[%sub3A_465] : memref<20000xf32, #tpu.memory_space<hbm>> -> memref<16xf32, #tpu.memory_space<hbm>>
        %dma_start3A_470 = arith.constant 0 : i32
        %dma_start3A_471 = tpu.memref_slice %arg27[%dma_start3A_470] : memref<80xf32, #tpu.memory_space<vmem>> -> memref<16xf32, #tpu.memory_space<vmem>>
        tpu.enqueue_dma source(%dma_start3A_471 : memref<16xf32, #tpu.memory_space<vmem>>) target(%dma_start3A_469 : memref<16xf32, #tpu.memory_space<hbm>>) target_semaphore(%run_scoped3A : memref<!tpu.dma_semaphore, #tpu.memory_space<semaphore_mem>>)
        %dma_wait3A_472 = arith.constant 0 : i32
        %dma_wait3A_473 = tpu.memref_slice %arg27[%dma_wait3A_472] : memref<80xf32, #tpu.memory_space<vmem>> -> memref<16xf32, #tpu.memory_space<vmem>>
        %dma_wait3A_474 = tpu.memref_slice %arg6[%sub3A_465] : memref<20000xf32, #tpu.memory_space<hbm>> -> memref<16xf32, #tpu.memory_space<hbm>>
        %dma_wait3A_475 = tpu.memref_slice %arg6[%sub3A_465] : memref<20000xf32, #tpu.memory_space<hbm>> -> memref<16xf32, #tpu.memory_space<hbm>>
        %dma_wait3A_476 = arith.constant 0 : i32
        %dma_wait3A_477 = tpu.memref_slice %arg27[%dma_wait3A_476] : memref<80xf32, #tpu.memory_space<vmem>> -> memref<16xf32, #tpu.memory_space<vmem>>
        tpu.wait_dma2 semaphore(%run_scoped3A : memref<!tpu.dma_semaphore, #tpu.memory_space<semaphore_mem>>) src(%dma_wait3A_477 : memref<16xf32, #tpu.memory_space<vmem>>) dst(%dma_wait3A_475 : memref<16xf32, #tpu.memory_space<hbm>>)
        tpu.yield
      }) : () -> ()
    } else {
    }
    return
  }
}

module attributes {stable_mosaic.version = 14 : i64} {
  func.func @body(%arg0: i32, %arg1: memref<2000x128xf32, #tpu.memory_space<vmem>>, %arg2: memref<2000x128xf32, #tpu.memory_space<vmem>>, %arg3: memref<2000x1xf32, #tpu.memory_space<vmem>>, %arg4: memref<2000x1xf32, #tpu.memory_space<vmem>>, %arg5: memref<128x128xf32, #tpu.memory_space<vmem>>, %arg6: memref<128x128xf32, #tpu.memory_space<vmem>>, %arg7: memref<2000x128xf32, #tpu.memory_space<vmem>>) attributes {dimension_semantics = [#tpu.dimension_semantics<arbitrary>], iteration_bounds = array<i64: 5>, scalar_prefetch = 0 : i64, scratch_operands = 0 : i64, tpu.core_type = #tpu.core_type<tc>, window_params = [{transform_indices = @transform_0, window_bounds = array<i64: 2000, 128>}, {transform_indices = @transform_1, window_bounds = array<i64: 2000, 128>}, {transform_indices = @transform_2, window_bounds = array<i64: 2000, 1>}, {transform_indices = @transform_3, window_bounds = array<i64: 2000, 1>}, {pipeline_mode = #tpu.pipeline_mode<synchronous>, transform_indices = @transform_4, window_bounds = array<i64: 128, 128>}, {pipeline_mode = #tpu.pipeline_mode<synchronous>, transform_indices = @transform_5, window_bounds = array<i64: 128, 128>}, {transform_indices = @transform_6, window_bounds = array<i64: 2000, 128>}]} {
    %get3A = arith.constant 0 : index
    %get3A_0 = arith.constant 0 : index
    %get3A_1 = vector.load %arg3[%get3A, %get3A_0] : memref<2000x1xf32, #tpu.memory_space<vmem>>, vector<2000x1xf32>
    %max3A = arith.constant 1.000000e+00 : f32
    %max3A_2 = vector.broadcast %max3A : f32 to vector<2000x1xf32>
    %max3A_3 = arith.maximumf %get3A_1, %max3A_2 : vector<2000x1xf32>
    %get3A_4 = arith.constant 0 : index
    %get3A_5 = arith.constant 0 : index
    %get3A_6 = vector.load %arg4[%get3A_4, %get3A_5] : memref<2000x1xf32, #tpu.memory_space<vmem>>, vector<2000x1xf32>
    %max3A_7 = arith.constant 1.000000e+00 : f32
    %max3A_8 = vector.broadcast %max3A_7 : f32 to vector<2000x1xf32>
    %max3A_9 = arith.maximumf %get3A_6, %max3A_8 : vector<2000x1xf32>
    %get3A_10 = arith.constant 0 : index
    %get3A_11 = arith.constant 0 : index
    %get3A_12 = vector.load %arg1[%get3A_10, %get3A_11] : memref<2000x128xf32, #tpu.memory_space<vmem>>, vector<2000x128xf32>
    %div3A = vector.broadcast %max3A_3 : vector<2000x1xf32> to vector<2000x128xf32>
    %div3A_13 = arith.divf %get3A_12, %div3A : vector<2000x128xf32>
    %get3A_14 = arith.constant 0 : index
    %get3A_15 = arith.constant 0 : index
    %get3A_16 = vector.load %arg2[%get3A_14, %get3A_15] : memref<2000x128xf32, #tpu.memory_space<vmem>>, vector<2000x128xf32>
    %div3A_17 = vector.broadcast %max3A_9 : vector<2000x1xf32> to vector<2000x128xf32>
    %div3A_18 = arith.divf %get3A_16, %div3A_17 : vector<2000x128xf32>
    %get3A_19 = arith.constant 0 : index
    %get3A_20 = arith.constant 0 : index
    %get3A_21 = vector.load %arg5[%get3A_19, %get3A_20] : memref<128x128xf32, #tpu.memory_space<vmem>>, vector<128x128xf32>
    %dot_general3A = arith.constant dense<0.000000e+00> : vector<2000x128xf32>
    %dot_general3A_22 = tpu.matmul %div3A_13, %get3A_21, %dot_general3A {dimension_numbers = #tpu.dot_dimension_numbers<[1], [0], [0], [1], [0, 0, 1, 1], [], []>, transpose_lhs_hint = false} : vector<2000x128xf32>, vector<128x128xf32>, vector<2000x128xf32> -> vector<2000x128xf32>
    %get3A_23 = arith.constant 0 : index
    %get3A_24 = arith.constant 0 : index
    %get3A_25 = vector.load %arg6[%get3A_23, %get3A_24] : memref<128x128xf32, #tpu.memory_space<vmem>>, vector<128x128xf32>
    %dot_general3A_26 = arith.constant dense<0.000000e+00> : vector<2000x128xf32>
    %dot_general3A_27 = tpu.matmul %div3A_18, %get3A_25, %dot_general3A_26 {dimension_numbers = #tpu.dot_dimension_numbers<[1], [0], [0], [1], [0, 0, 1, 1], [], []>, transpose_lhs_hint = false} : vector<2000x128xf32>, vector<128x128xf32>, vector<2000x128xf32> -> vector<2000x128xf32>
    %add3A = arith.addf %dot_general3A_22, %dot_general3A_27 : vector<2000x128xf32>
    %swap3A = arith.constant 0 : index
    %swap3A_28 = arith.constant 0 : index
    %swap3A_29 = vector.load %arg7[%swap3A, %swap3A_28] : memref<2000x128xf32, #tpu.memory_space<vmem>>, vector<2000x128xf32>
    tpu.vector_store %arg7[%swap3A, %swap3A_28], %add3A {strides = array<i32>} : memref<2000x128xf32, #tpu.memory_space<vmem>>, vector<2000x128xf32>,
    return
  }
  func.func @transform_0(%arg0: i32) -> (i32, i32) {
    %c0_i32 = arith.constant 0 : i32
    %c0_i32_0 = arith.constant 0 : i32
    return %arg0, %c0_i32 : i32, i32
  }
  func.func @transform_1(%arg0: i32) -> (i32, i32) {
    %add3A = arith.constant 5 : i32
    %add3A_0 = arith.addi %arg0, %add3A : i32
    %c0_i32 = arith.constant 0 : i32
    %c0_i32_1 = arith.constant 0 : i32
    return %add3A_0, %c0_i32 : i32, i32
  }
  func.func @transform_2(%arg0: i32) -> (i32, i32) {
    %c0_i32 = arith.constant 0 : i32
    %c0_i32_0 = arith.constant 0 : i32
    return %arg0, %c0_i32 : i32, i32
  }
  func.func @transform_3(%arg0: i32) -> (i32, i32) {
    %add3A = arith.constant 5 : i32
    %add3A_0 = arith.addi %arg0, %add3A : i32
    %c0_i32 = arith.constant 0 : i32
    %c0_i32_1 = arith.constant 0 : i32
    return %add3A_0, %c0_i32 : i32, i32
  }
  func.func @transform_4(%arg0: i32) -> (i32, i32) {
    %c0_i32 = arith.constant 0 : i32
    %c0_i32_0 = arith.constant 0 : i32
    %c0_i32_1 = arith.constant 0 : i32
    return %c0_i32, %c0_i32_0 : i32, i32
  }
  func.func @transform_5(%arg0: i32) -> (i32, i32) {
    %c0_i32 = arith.constant 0 : i32
    %c0_i32_0 = arith.constant 0 : i32
    %c0_i32_1 = arith.constant 0 : i32
    return %c0_i32, %c0_i32_0 : i32, i32
  }
  func.func @transform_6(%arg0: i32) -> (i32, i32) {
    %c0_i32 = arith.constant 0 : i32
    %c0_i32_0 = arith.constant 0 : i32
    return %arg0, %c0_i32 : i32, i32
  }
}

</mosaic_0001>

<sc_bundles>
// kernel: kernel.4.cloned.1.call-start
scs
__scs_entry_jumppad:
0x0: {  	(pc) =	sbr.rel $0x88, $3  }
0x1: {  	(tag) =	ssettag $0x0;
	lr =	simm.s32 $0x1  }
0x2: {  	[smem:$0x3F9B] =	sst lr;
	_ =	strace $0xD0000000  }
0x3: {  	_ = 	snop  }
0x4: {  	_ = 	snop  }
0x5: {  	_ = 	snop  }
0x6: {  	_ = 	snop  }
0x7: {  	_ = 	snop  }
__scs_overlays_trampoline_lowered:
0x8: {  	[smem:$0x3FAA] =	sst s0  }
0x9: {  	[smem:$0x3FAB] =	sst s1  }
0xa: {  	[smem:$0x3FAC] =	sst s2  }
0xb: {  	[smem:$0x3FAD] =	sst s3  }
0xc: {  	[smem:$0x3FAE] =	sst s4  }
0xd: {  	[smem:$0x3FAF] =	sst s5  }
0xe: {  	[smem:$0x3FB0] =	sst s6  }
0xf: {  	[smem:$0x3FB1] =	sst s7  }
0x10: {  	[smem:$0x3FB2] =	sst s8  }
0x11: {  	[smem:$0x3FB3] =	sst s9;
	s0 =	simm.s32 @!p0 $0x0  }
0x12: {  	s1 =	sld [smem:$0x3F99];
	s0 =	simm.s32 @p0 $0x1  }
0x13: {  	[smem:$0x3FB4] =	sst s0;
	s0 =	simm.s32 @!p1 $0x0  }
0x14: {  	s2 =	sld [smem:$0x3F98];
	s0 =	simm.s32 @p1 $0x1  }
0x15: {  	[smem:$0x3FB5] =	sst s0;
	s0 =	simm.s32 @!p2 $0x0  }
0x16: {  	s3 =	sld [smem:$0x3FDB];
	s0 =	simm.s32 @p2 $0x1  }
0x17: {  	s4 =	simm.s32 $0x1BF5;
	[smem:$0x3FB7] =	sst s0  }
0x18: {  	s0 =	sld [smem:$0x3F9A];
	_ =	swait.ge [sflag:s4], $0x0  }
0x19: {  	s7 =	sld [smem:$0x3F9B]  }
0x1a: {  	s8 =	sadd.s32 $0xFFFFE003, lr  }
0x1b: {  	s9 =	sadd.s32 $0xFFFFFEF7, lr;
	s5 =	simm.s32 $0xFFFFFFFF;
	p2 =	slt.u32 s8, $0xFFFFF086  }
0x1c: {  	p1 =	slt.u32 s9, $0xF7A;
	s5 =	simm.s32 @!p2 $0x0  }
0x1d: {  	s5 =	simm.s32 @p1 $0x1;
	p0 =	seq.s32 s7, s2  }
0x1e: {  	s7 =	smul.u32 @!p0 $0xF7A, s2;
	p2 =	seq.s32 @!p0 s5, $0x0  }
0x1f: {  	s9 =	smul.u32 $0xF7A, s1;
	s8 =	simm.s32 @!p0 $0x1BF5;
	p2 =	por !p2, p0  }
0x20: {  	[sflag:s8] =	ssyncset.s32 @!p0 $0xFFFFF086;
	s6 =	sadd.s32 @!p0 s3, s7;
	s7 =	simm.s32 @!p0 $0x108  }
0x21: {  	s3 =	sadd.s32 s3, s9;
	s6 =	sadd.s32 @!p0 $0x88, s6;
	s7 =	simm.s32 @p2 $0x1082  }
0x22: {  	[simem:s7], [sflag:s8] =	dma.local @!p0 [hbm:s6], $0xF7A  }
0x23: {  	s9 =	sor.u32 $0xD0000000, s2;
	s6 =	simm.s32 $0x108;
	_ =	swait.ge @!p0 [sflag:s8], $0x0  }
0x24: {  	s3 =	sadd.s32 $0x88, s3;
	s6 =	simm.s32 @!p1 $0x1082;
	[sflag:s4] =	ssyncset.s32 $0xFFFFF086  }
0x25: {  	[simem:s6], [sflag:s4] =	dma.local [hbm:s3], $0xF7A  }
0x26: {  	[smem:$0x3F9B] =	sst s1;
	(tag) =	ssettag s2;
	_ =	strace s9  }
0x27: {  	s1 =	sld [smem:$0x3FAB]  }
0x28: {  	s2 =	sld [smem:$0x3FAC]  }
0x29: {  	s4 =	sld [smem:$0x3FAE]  }
0x2a: {  	p0 =	seq.s32 s5, $0x0;
	s5 =	sld [smem:$0x3FAF]  }
0x2b: {  	s6 =	sld [smem:$0x3FB0]  }
0x2c: {  	s7 =	sld [smem:$0x3FB1]  }
0x2d: {  	s3 =	simm.s32 $0x108;
	s8 =	sld [smem:$0x3FB2]  }
0x2e: {  	s3 =	simm.s32 @!p0 $0x1082;
	s9 =	sld [smem:$0x3FB3]  }
0x2f: {  	lr =	sadd.s32 s0, s3;
	s0 =	sld [smem:$0x3FAA]  }
0x30: {  	s3 =	sld [smem:$0x3FAD]  }
0x31: {  	[smem:$0x3FB6] =	sst s10  }
0x32: {  	s10 =	sld [smem:$0x3FB4];
	_ =	sdelay $0x3  }
0x33: {  	p0 =	seq.s32 s10, $0x1;
	s10 =	sld [smem:$0x3FB6];
	_ =	sdelay $0x3  }
0x34: {  	[smem:$0x3FB6] =	sst s10  }
0x35: {  	s10 =	sld [smem:$0x3FB5];
	_ =	sdelay $0x3  }
0x36: {  	p1 =	seq.s32 s10, $0x1;
	s10 =	sld [smem:$0x3FB6];
	_ =	sdelay $0x3  }
0x37: {  	[smem:$0x3FB6] =	sst s10  }
0x38: {  	s10 =	sld [smem:$0x3FB7]  }
0x39: {  	_ = 	snop;
	(pc) =	sbr.ind lr, $3  }
0x3a: {  	_ = 	snop  }
0x3b: {  	_ = 	snop  }
0x3c: {  	p2 =	seq.s32 s10, $0x1;
	s10 =	sld [smem:$0x3FB6]  }
0x3d: {  	_ =	shalt  }
0x3e: {  	_ =	shalt  }
0x3f: {  	_ =	shalt  }
0x40: {  	_ =	shalt  }
0x41: {  	_ =	shalt  }
0x42: {  	_ =	shalt  }
0x43: {  	_ =	shalt  }
0x44: {  	_ =	shalt  }
0x45: {  	_ =	shalt  }
0x46: {  	_ =	shalt  }
0x47: {  	_ =	shalt  }
0x48: {  	_ =	shalt  }
0x49: {  	_ =	shalt  }
0x4a: {  	_ =	shalt  }
0x4b: {  	_ =	shalt  }
0x4c: {  	_ =	shalt  }
0x4d: {  	_ =	shalt  }
0x4e: {  	_ =	shalt  }
0x4f: {  	_ =	shalt  }
0x50: {  	_ =	shalt  }
0x51: {  	_ =	shalt  }
0x52: {  	_ =	shalt  }
0x53: {  	_ =	shalt  }
0x54: {  	_ =	shalt  }
0x55: {  	_ =	shalt  }
0x56: {  	_ =	shalt  }
0x57: {  	_ =	shalt  }
0x58: {  	_ =	shalt  }
0x59: {  	_ =	shalt  }
0x5a: {  	_ =	shalt  }
0x5b: {  	_ =	shalt  }
0x5c: {  	_ =	shalt  }
0x5d: {  	_ =	shalt  }
0x5e: {  	_ =	shalt  }
0x5f: {  	_ =	shalt  }
0x60: {  	_ =	shalt  }
0x61: {  	_ =	shalt  }
0x62: {  	_ =	shalt  }
0x63: {  	_ =	shalt  }
0x64: {  	_ =	shalt  }
0x65: {  	_ =	shalt  }
0x66: {  	_ =	shalt  }
0x67: {  	_ =	shalt  }
0x68: {  	_ =	shalt  }
0x69: {  	_ =	shalt  }
0x6a: {  	_ =	shalt  }
0x6b: {  	_ =	shalt  }
0x6c: {  	_ =	shalt  }
0x6d: {  	_ =	shalt  }
0x6e: {  	_ =	shalt  }
0x6f: {  	_ =	shalt  }
0x70: {  	_ =	shalt  }
0x71: {  	_ =	shalt  }
0x72: {  	_ =	shalt  }
0x73: {  	_ =	shalt  }
0x74: {  	_ =	shalt  }
0x75: {  	_ =	shalt  }
0x76: {  	_ =	shalt  }
0x77: {  	_ =	shalt  }
0x78: {  	_ =	shalt  }
0x79: {  	_ =	shalt  }
0x7a: {  	_ =	shalt  }
0x7b: {  	_ =	shalt  }
0x7c: {  	_ =	shalt  }
0x7d: {  	_ =	shalt  }
0x7e: {  	_ =	shalt  }
0x7f: {  	_ =	shalt  }
0x80: {  	_ =	shalt  }
0x81: {  	_ =	shalt  }
0x82: {  	_ =	shalt  }
0x83: {  	_ =	shalt  }
0x84: {  	_ =	shalt  }
0x85: {  	_ =	shalt  }
0x86: {  	_ =	shalt  }
0x87: {  	_ =	shalt  }
.Lfunc_end0:
.L_simem_size_0:
called_computation_lowered:
.L_overlay_start_0:
0x88: {  	s2 =	sld [smem:$0x3FD9]  }
0x89: {  	s3 =	sld [smem:$0x3FFE];
	_ =	sdelay $0x1  }
0x8a: {  	s1 =	srdreg.scid  }
0x8b: {  	s0 =	sand.u32 $0x1, s1  }
0x8c: {  	s17 =	sshll.u32 s0, $0xA;
	s2 =	sadd.s32 s3, s2  }
0x8d: {  	s2 =	sadd.s32 s2, s17  }
0x8e: {  	[smem:$0x3FC2] =	sst s2  }
0x8f: {  	_ = 	snop  }
0x90: {  	s2 =	sld [smem:$0x3FD0];
	(tm) =	ssettm $0x1  }
0x91: {  	s18 =	sld [smem:$0x3FFB];
	_ =	sdelay $0x3  }
0x92: {  	_ =	strace s18  }
0x93: {  	s3 =	sld [smem:$0x3FFC];
	_ =	sdelay $0x3  }
0x94: {  	_ =	strace s3  }
0x95: {  	s3 =	sld [smem:$0x3FFD];
	_ =	sdelay $0x3  }
0x96: {  	_ =	strace s3  }
0x97: {  	_ =	strace $0x8FFFFFFF  }
0x98: {  	s19 =	sld [smem:$0x3FDB];
	_ =	sdelay $0x1  }
0x99: {  	s4 =	simm.s32 $_scs_section_size  }
0x9a: {  	s5 =	simm.s32 $_size__tile_overlayer_lowered;
	s6 =	simm.s32 $_tile_overlayer_lowered  }
0x9b: {  	s22 =	simm.s32 $0x1BFF;
	s21 =	sshll.u32 s6, $0x1;
	s3 =	sadd.s32 s4, s19  }
0x9c: {  	s7 =	simm.s32 $0x0;
	s20 =	sshll.u32 s5, $0x1;
	s5 =	sadd.s32 s21, s3  }
0x9d: {  	[timem:s7], [sflag:s22] =	dma.local [hbm:s5], s20  }
0x9e: {  	_ =	swait.ge [sflag:s22], s20  }
0x9f: {  	s4 =	ssub.s32 $0x0, s20;
	[sflag:s22] =	ssyncset.done $0x0  }
0xa0: {  	[sflag:s22] =	ssyncadd.s32 s4;
	_ =	sdelay $0x1  }
0xa1: {  	s23 =	simm.s32 $0x1B8B  }
0xa2: {  	_ =	swait.ge [sflag:s23], $0x1  }
0xa3: {  	[sflag:s23] =	ssyncset.done $0x0  }
0xa4: {  	s25 =	simm.s32 $0x1B8E;
	s24 =	sld [smem:$0x3FFE];
	[sflag:s23] =	ssyncadd.s32 $0xFFFFFFFF  }
0xa5: {  	s26 =	simm.s32 $execute0_lowered;
	[smem:$0x3FD2] =	sst s25  }
0xa6: {  	s5 =	sshll.u32 s26, $0x1;
	_ =	strace $0x80000046;
	[dreg:$0x1] =	wrdreg $0xFFFFFFFF  }
0xa7: {  	s28 =	simm.s32 $_size_execute0_lowered;
	s3 =	sadd.s32 s3, s5;
	[dreg:$0x0] =	wrdreg $0x0  }
0xa8: {  	s5 =	sshll.u32 s28, $0x1;
	[dreg:$0x2] =	wrdreg s3  }
0xa9: {  	[dreg:$0x3] =	wrdreg s5  }
0xaa: {  	[dreg:$0x4] =	wrdreg $0xC0  }
0xab: {  	_ =	task [dreg:s7], $0x5FFFF  }
0xac: {  	[dreg:$0x1] =	wrdreg $0xFFFFFFFF  }
0xad: {  	[dreg:$0x0] =	wrdreg $0x60  }
0xae: {  	[dreg:$0x2] =	wrdreg s24  }
0xaf: {  	[dreg:$0x3] =	wrdreg s2  }
0xb0: {  	[dreg:$0x4] =	wrdreg $0xAB000  }
0xb1: {  	[dreg:$0x5] =	wrdreg $0x1E3800  }
0xb2: {  	[dreg:$0x6] =	wrdreg $0x9  }
0xb3: {  	_ =	task.clear_ibuf [dreg:s7], $0x7FFFF;
	_ =	strace $0x90000046  }
0xb4: {  	s29 =	simm.s32 $0x9;
	_ =	strace $0x80000048  }
0xb5: {  	_ =	swait.ge [sflag:s29], $0x1  }
0xb6: {  	[sflag:s29] =	ssyncadd.s32 $0xFFFFFFFF  }
0xb7: {  	_ =	strace $0x90000048  }
0xb8: {  	_ =	sfence  }
0xb9: {  	s30 =	sld [smem:$0x0];
	_ =	sdelay $0x2  }
0xba: {  	s31 =	sshll.u32 s1, $0xD;
	s1 =	sshrl.u32 s1, $0x2  }
0xbb: {  	s3 =	sand.u32 $0x4000, s31;
	s1 =	sadd.s32 s1, s30  }
0xbc: {  	s0 =	sor.u32 s3, s0;
	s1 =	sshll.u32 s1, $0x11  }
0xbd: {  	s0 =	sor.u32 s1, s0  }
0xbe: {  	s0 =	sadd.s32 $0x8F2B, s0  }
0xbf: {  	[sflag:s0] =	ssyncadd.remote.s32 $0x1  }
0xc0: {  	_ =	sfence.sel $0xFFFF  }
0xc1: {  	[dreg:$0x0] =	wrdreg $0xFFFFFFFF;
	(pc) =	sbr.abs _section_cstart, $3  }
0xc2: {  	[dreg:$0x1] =	wrdreg $0xFFFFFFFF  }
0xc3: {  	_ =	task.clear_ibuf [dreg:s7], $0x2FFFF;
	_ =	strace $0x9FFFFFFF  }
0xc4: {  	(tm) =	ssettm $0x7FFFFFFF  }
0xc5: {  	_ =	shalt  }
tec
execute0_lowered:
.L_overlay_start_1:
0x0: {  	(tag) =	ssettag $0x1  }
0x1: {  	s0 =	rddreg [dreg:$0x0]  }
0x2: {  	s4 =	srdreg.scid;
	s17 =	stileid.u32  }
0x3: {  	s1 =	rddreg [dreg:$0x1];
	s5 =	sand.u32 $0x1, s4;
	s7 =	smul.u32 $0xFA, s17  }
0x4: {  	s3 =	rddreg [dreg:$0x2];
	s6 =	smul.u32 $0xFA0, s5  }
0x5: {  	s31 =	rddreg [dreg:$0x3];
	s13 =	smul.u32 $0x2710, s5  }
0x6: {  	s8 =	ssub.s32 $0x2, s5;
	s5 =	smul.u32 $0x9C40, s5;
	s6 =	sadd.s32 s7, s6  }
0x7: {  	s4 =	simm.s32 $0x0;
	s10 =	sadd.s32 $0x62800, s0;
	s9 =	smul.u32 $0x50, s6  }
0x8: {  	[smem:$0x7FF] =	sst s4;
	s11 =	sshrl.u32 s8, $0x1;
	s6 =	smul.u32 $0xA, s6  }
0x9: {  	_ =	strace $0x80000047;
	s7 =	sadd.s32 $0x4E400, s0;
	s8 =	ssub.s32 s8, s11  }
0xa: {  	s11 =	smul.u32 $0x270, s17;
	s9 =	sshrl.u32 s9, $0x3;
	s12 =	sadd.s32 s1, s6  }
0xb: {  	s6 =	sadd.s32 s7, s6;
	[dreg:$0x7] =	wrdreg s12;
	s20 =	sadd.s32 $0xA, s9  }
0xc: {  	[dreg:$0x8] =	wrdreg s6;
	s22 =	sadd.s32 $0x14, s9;
	s21 =	sadd.s32 s1, s20  }
0xd: {  	s25 =	sadd.s32 $0x1E, s9;
	s6 =	sadd.s32 s7, s20;
	[dreg:$0x9] =	wrdreg s21  }
0xe: {  	s12 =	sadd.s32 s11, s13;
	s23 =	sadd.s32 s1, s22;
	[dreg:$0xa] =	wrdreg s6  }
0xf: {  	s13 =	sadd.s32 $0x2700, s13;
	s24 =	sadd.s32 s7, s22;
	[dreg:$0xb] =	wrdreg s23  }
0x10: {  	s19 =	sadd.s32 $0x32, s9;
	s2 =	sadd.s32 s1, s25;
	[dreg:$0xc] =	wrdreg s24  }
0x11: {  	s14 =	sshll.u32 s12, $0x4;
	s20 =	sadd.s32 s1, s19;
	[dreg:$0xf] =	wrdreg s2  }
0x12: {  	s26 =	sshll.u32 s13, $0x4;
	s14 =	sadd.s32 s10, s14;
	[dreg:$0x13] =	wrdreg s20  }
0x13: {  	s15 =	smul.u32 $0x9C4, s17;
	s10 =	sadd.s32 s10, s26;
	[dreg:$0xd] =	wrdreg s14  }
0x14: {  	s16 =	sadd.s32 s5, s1;
	s6 =	sadd.s32 s7, s25;
	[dreg:$0xe] =	wrdreg s10  }
0x15: {  	s21 =	sadd.s32 $0x3C, s9;
	s14 =	sadd.s32 s15, s16;
	[dreg:$0x10] =	wrdreg s6  }
0x16: {  	s23 =	sadd.s32 $0x9A6, s9;
	s22 =	sadd.s32 s1, s21;
	[dreg:$0x5] =	wrdreg s14  }
0x17: {  	s25 =	sadd.s32 $0x9B0, s9;
	s24 =	sadd.s32 s1, s23;
	[dreg:$0x15] =	wrdreg s22  }
0x18: {  	s16 =	sadd.s32 $0x28, s9;
	s26 =	sadd.s32 s1, s25;
	[dreg:$0x17] =	wrdreg s24  }
0x19: {  	s18 =	sadd.s32 s1, s16;
	[dreg:$0x19] =	wrdreg s26  }
0x1a: {  	s2 =	sadd.s32 $0x9BA, s9;
	s6 =	sadd.s32 s7, s16;
	[dreg:$0x11] =	wrdreg s18  }
0x1b: {  	s1 =	sadd.s32 s1, s2;
	[dreg:$0x12] =	wrdreg s6  }
0x1c: {  	s16 =	sadd.s32 s11, s31;
	[dreg:$0x1b] =	wrdreg s1  }
0x1d: {  	s26 =	sadd.s32 $0x2700, s31;
	[smem:$0x7F3] =	sst s16  }
0x1e: {  	s6 =	sadd.s32 s7, s19;
	[smem:$0x7FD] =	sst s26  }
0x1f: {  	s28 =	simm.s32 $0x50;
	s18 =	smax.u32 s8, $0x1;
	[dreg:$0x14] =	wrdreg s6  }
0x20: {  	s29 =	simm.s32 $0x4;
	s6 =	sadd.s32 s7, s21;
	[smem:$0x7F4] =	sst s18  }
0x21: {  	s13 =	sshrl.u32 s13, $0x3;
	[dreg:$0x16] =	wrdreg s6;
	s6 =	sadd.s32 s7, s23  }
0x22: {  	s9 =	sshrl.u32 s12, $0x3;
	[dreg:$0x18] =	wrdreg s6;
	s6 =	sadd.s32 s7, s25  }
0x23: {  	s10 =	sadd.s32 $0x61E00, s0;
	s25 =	sadd.s32 $0x138000, s3;
	[dreg:$0x1a] =	wrdreg s6  }
0x24: {  	s12 =	smul.u32 $0x4E000, s17;
	s6 =	sadd.s32 s7, s2;
	[smem:$0x7FC] =	sst s25  }
0x25: {  	s7 =	sadd.s32 s5, s7;
	s5 =	sadd.s32 s10, s9;
	[dreg:$0x1c] =	wrdreg s6  }
0x26: {  	s30 =	sadd.s32 $0x200, s0;
	[dreg:$0x1d] =	wrdreg s5;
	s5 =	sadd.s32 s10, s13  }
0x27: {  	s14 =	sshrl.u32 s12, $0x2;
	s1 =	sadd.s32 s15, s7;
	[dreg:$0x1e] =	wrdreg s5  }
0x28: {  	p0 =	sne.s32 s17, $0xF;
	s15 =	sadd.s32 s14, s3;
	[dreg:$0x6] =	wrdreg s1  }
0x29: {  	s17 =	simm.s32 $0x6;
	s19 =	sadd.s32 $0x2800, s15;
	[dreg:$0x1f] =	wrdreg s15  }
0x2a: {  	s11 =	simm.s32 $0x3;
	s20 =	sadd.s32 $0x5000, s15;
	[smem:$0x7F5] =	sst s19  }
0x2b: {  	s26 =	simm.s32 $0x1;
	s21 =	sadd.s32 $0x7800, s15;
	[smem:$0x7F6] =	sst s20  }
0x2c: {  	s16 =	simm.s32 $0xA;
	s22 =	sadd.s32 $0xA000, s15;
	[smem:$0x7F7] =	sst s21  }
0x2d: {  	s12 =	simm.s32 $0xC;
	s23 =	sadd.s32 $0xC800, s15;
	[smem:$0x7F8] =	sst s22  }
0x2e: {  	s18 =	simm.s32 $0xB;
	s24 =	sadd.s32 $0xF000, s15;
	[smem:$0x7F9] =	sst s23  }
0x2f: {  	s2 =	simm.s32 $0x8;
	s0 =	sadd.s32 $0x11800, s15;
	[smem:$0x7FA] =	sst s24  }
0x30: {  	s7 =	simm.s32 $0x9;
	s5 =	simm.s32 $0x2;
	[smem:$0x7FB] =	sst s0  }
0x31: {  	v0 =	vimm.f32 $1.000000000e+00;
	v1 =	vimm.f32 $0.0e+00;
	s24 =	simm.s32 $0x5;
	s21 =	simm.s32 $0x7;
	s0 =	simm.s32 $0x0  }
.LBB2_1:
0x32: {  	[tilespmem:$0xA800] =	vst v0  }
0x33: {  	[tilespmem:$0xA810] =	vst v0  }
0x34: {  	[tilespmem:$0xA820] =	vst v0  }
0x35: {  	[tilespmem:$0xA830] =	vst v0  }
0x36: {  	[tilespmem:$0xA840] =	vst v0  }
0x37: {  	[tilespmem:$0xA880] =	vst v1  }
0x38: {  	[tilespmem:$0xA890] =	vst v1  }
0x39: {  	[tilespmem:$0xA8A0] =	vst v1  }
0x3a: {  	[tilespmem:$0xA8B0] =	vst v1  }
0x3b: {  	[tilespmem:$0xA8C0] =	vst v1  }
0x3c: {  	[tilespmem:$0xA8D0] =	vst v1  }
0x3d: {  	[tilespmem:$0xA8E0] =	vst v1  }
0x3e: {  	[tilespmem:$0xA8F0] =	vst v1  }
0x3f: {  	[tilespmem:$0xA900] =	vst v1  }
0x40: {  	[tilespmem:$0xA910] =	vst v1  }
0x41: {  	[tilespmem:$0xA920] =	vst v1  }
0x42: {  	[tilespmem:$0xA930] =	vst v1  }
0x43: {  	[tilespmem:$0xA940] =	vst v1  }
0x44: {  	[tilespmem:$0xA950] =	vst v1  }
0x45: {  	[tilespmem:$0xA960] =	vst v1  }
0x46: {  	[tilespmem:$0xA970] =	vst v1  }
0x47: {  	[tilespmem:$0xA980] =	vst v1  }
0x48: {  	[tilespmem:$0xA990] =	vst v1  }
0x49: {  	[tilespmem:$0xA9A0] =	vst v1  }
0x4a: {  	[tilespmem:$0xA9B0] =	vst v1  }
0x4b: {  	[tilespmem:$0xA9C0] =	vst v1  }
0x4c: {  	[tilespmem:$0xA9D0] =	vst v1  }
0x4d: {  	[tilespmem:$0xA9E0] =	vst v1  }
0x4e: {  	[tilespmem:$0xA9F0] =	vst v1  }
0x4f: {  	[tilespmem:$0xAA00] =	vst v1  }
0x50: {  	[tilespmem:$0xAA10] =	vst v1  }
0x51: {  	[tilespmem:$0xAA20] =	vst v1  }
0x52: {  	[tilespmem:$0xAA30] =	vst v1  }
0x53: {  	[tilespmem:$0xAA40] =	vst v1  }
0x54: {  	[tilespmem:$0xAA50] =	vst v1  }
0x55: {  	[tilespmem:$0xAA60] =	vst v1  }
0x56: {  	[tilespmem:$0xAA70] =	vst v1  }
0x57: {  	[tilespmem:$0xAA80] =	vst v1  }
0x58: {  	[tilespmem:$0xAA90] =	vst v1  }
0x59: {  	[tilespmem:$0xAAA0] =	vst v1  }
0x5a: {  	[tilespmem:$0xAAB0] =	vst v1  }
0x5b: {  	[tilespmem:$0xAAC0] =	vst v1;
	s10 =	sand.u32 $0xFE00, s4  }
0x5c: {  	[smem:$0x7F2] =	sst s0;
	[tilespmem:$0xAAD0] =	vst v1;
	s23 =	sand.u32 $0x70, s4;
	s25 =	sshrl.u32 s10, $0x2  }
0x5d: {  	[tilespmem:$0xAAE0] =	vst v1;
	s10 =	simm.s32 $0x40;
	s25 =	sor.u32 s23, s25;
	s23 =	simm.s32 $0x0  }
.LBB2_2:
0x5e: {  	p1 =	sne.s32 s10, $0x9FC0  }
0x5f: {  	[tilespmem:s25+$0x800] =	vst v1;
	s23 =	sadd.s32 $0x10, s23;
	s25 =	smov.u32 s10;
	s10 =	sadd.s32 $0x40, s10  }
.Ltmp0:
0x60: {  	(pc) =	sbr.rel @p1 .LBB2_2-.Ltmp0, $4  }
0x61: {  	_ = 	snop  }
0x62: {  	s25 =	sand.u32 $0xFE00, s25  }
0x63: {  	s13 =	sand.u32 $0x70, s23;
	s25 =	sshrl.u32 s25, $0x2  }
0x64: {  	s25 =	sor.u32 s13, s25  }
0x65: {  	[tilespmem:s25+$0x800] =	vst v1;
	s10 =	rddreg [dreg:$0x1f];
	s14 =	simm.s32 $0x800;
	s13 =	simm.s32 $0x11  }
0x66: {  	[spmem:s10] =	stream.linear.scatter [tilespmem:s14], [sflag:$0x11], $0x2800, $0x38;
	[tilespmem:$0x1E5F8] =	vst v63  }
0x67: {  	_ =	swait.ge [sflag:s13], $0x2800  }
0x68: {  	s15 =	sld [smem:$0x7F5]  }
0x69: {  	[sflag:s13] =	ssyncset.done $0x0  }
0x6a: {  	[sflag:s13] =	ssyncadd.s32 $0xFFFFD800  }
0x6b: {  	[spmem:s15] =	stream.linear.scatter [tilespmem:s14], [sflag:$0x11], $0x2800, $0x38;
	[tilespmem:$0x1E5F8] =	vst v63  }
0x6c: {  	_ =	swait.ge [sflag:s13], $0x2800  }
0x6d: {  	s19 =	sld [smem:$0x7F6]  }
0x6e: {  	[sflag:s13] =	ssyncset.done $0x0  }
0x6f: {  	[sflag:s13] =	ssyncadd.s32 $0xFFFFD800  }
0x70: {  	[spmem:s19] =	stream.linear.scatter [tilespmem:s14], [sflag:$0x11], $0x2800, $0x38;
	[tilespmem:$0x1E5F8] =	vst v63  }
0x71: {  	_ =	swait.ge [sflag:s13], $0x2800  }
0x72: {  	s20 =	sld [smem:$0x7F7]  }
0x73: {  	[sflag:s13] =	ssyncset.done $0x0  }
0x74: {  	[sflag:s13] =	ssyncadd.s32 $0xFFFFD800  }
0x75: {  	[spmem:s20] =	stream.linear.scatter [tilespmem:s14], [sflag:$0x11], $0x2800, $0x38;
	[tilespmem:$0x1E5F8] =	vst v63  }
0x76: {  	_ =	swait.ge [sflag:s13], $0x2800  }
0x77: {  	s22 =	sld [smem:$0x7F8]  }
0x78: {  	[sflag:s13] =	ssyncset.done $0x0  }
0x79: {  	[sflag:s13] =	ssyncadd.s32 $0xFFFFD800  }
0x7a: {  	[spmem:s22] =	stream.linear.scatter [tilespmem:s14], [sflag:$0x11], $0x2800, $0x38;
	[tilespmem:$0x1E5F8] =	vst v63  }
0x7b: {  	_ =	swait.ge [sflag:s13], $0x2800  }
0x7c: {  	s23 =	sld [smem:$0x7F9]  }
0x7d: {  	[sflag:s13] =	ssyncset.done $0x0  }
0x7e: {  	[sflag:s13] =	ssyncadd.s32 $0xFFFFD800  }
0x7f: {  	[spmem:s23] =	stream.linear.scatter [tilespmem:s14], [sflag:$0x11], $0x2800, $0x38;
	[tilespmem:$0x1E5F8] =	vst v63  }
0x80: {  	_ =	swait.ge [sflag:s13], $0x2800  }
0x81: {  	s25 =	sld [smem:$0x7FA]  }
0x82: {  	[sflag:s13] =	ssyncset.done $0x0  }
0x83: {  	[sflag:s13] =	ssyncadd.s32 $0xFFFFD800  }
0x84: {  	[spmem:s25] =	stream.linear.scatter [tilespmem:s14], [sflag:$0x11], $0x2800, $0x38;
	[tilespmem:$0x1E5F8] =	vst v63  }
0x85: {  	_ =	swait.ge [sflag:s13], $0x2800  }
0x86: {  	s0 =	sld [smem:$0x7FB]  }
0x87: {  	[sflag:s13] =	ssyncset.done $0x0  }
0x88: {  	[sflag:s13] =	ssyncadd.s32 $0xFFFFD800  }
0x89: {  	[spmem:s0] =	stream.linear.scatter [tilespmem:s14], [sflag:$0x11], $0x2000, $0x38;
	[tilespmem:$0x1E5F8] =	vst v63  }
0x8a: {  	_ =	swait.ge [sflag:s13], $0x2000  }
0x8b: {  	s1 =	sld [smem:$0x7F3]  }
0x8c: {  	[sflag:s13] =	ssyncset.done $0x0  }
0x8d: {  	s22 =	simm.s32 $0xA880;
	[sflag:s13] =	ssyncadd.s32 $0xFFFFE000  }
0x8e: {  	[spmem:s1] =	stream.linear.scatter [tilespmem:s22], [sflag:$0x11], $0x270, $0x38;
	[tilespmem:$0x1E5F8] =	vst v63  }
0x8f: {  	_ =	swait.ge [sflag:s13], $0x270  }
0x90: {  	[sflag:s13] =	ssyncset.done $0x0  }
0x91: {  	[sflag:s13] =	ssyncadd.s32 $0xFFFFFD90;
	s13 =	sld [smem:$0x7FC];
	_ =	sdelay $0x1  }
0x92: {  	s10 =	simm.s32 @!p0 $0x800  }
0x93: {  	[spmem:s13] =	stream.linear.scatter @!p0 [tilespmem:s10], [sflag:$0x11], $0x800, $0x38;
	[tilespmem:$0x1E5F8] =	vst v63  }
0x94: {  	s10 =	simm.s32 @!p0 $0x11  }
0x95: {  	_ =	swait.ge @!p0 [sflag:s10], $0x800  }
0x96: {  	s22 =	sld [smem:$0x7FD]  }
0x97: {  	[sflag:s10] =	ssyncset.done @!p0 $0x0  }
0x98: {  	s13 =	simm.s32 @!p0 $0xA880;
	[sflag:s10] =	ssyncadd.s32 @!p0 $0xFFFFF800  }
0x99: {  	[spmem:s22] =	stream.linear.scatter @!p0 [tilespmem:s13], [sflag:$0x11], $0x10, $0x38;
	[tilespmem:$0x1E5F8] =	vst v63  }
0x9a: {  	_ =	swait.ge @!p0 [sflag:s10], $0x10  }
0x9b: {  	[sflag:s10] =	ssyncset.done @!p0 $0x0  }
0x9c: {  	[sflag:s10] =	ssyncadd.s32 @!p0 $0xFFFFFFF0  }
0x9d: {  	[bflag:$0x0] =	sbarrier.arrive $0xFFFF  }
0x9e: {  	s10 =	simm.s32 $0x0;
	s6 =	rddreg [dreg:$0x7]  }
0x9f: {  	[tilespmem:s10], [sflag:$0x1] =	stream.linear.gather [hbm4b:s6+s10], $0x50, $0x38;
	[tilespmem:$0x1E5F8] =	vst v63  }
0xa0: {  	s0 =	simm.s32 $0x400;
	s8 =	rddreg [dreg:$0x8]  }
0xa1: {  	[tilespmem:s0], [sflag:$0x1] =	stream.linear.gather [hbm4b:s8+s10], $0x50, $0x38;
	[tilespmem:$0x1E5F8] =	vst v63  }
0xa2: {  	s15 =	simm.s32 $0x80;
	s9 =	rddreg [dreg:$0x9]  }
0xa3: {  	[tilespmem:s15], [sflag:$0x2] =	stream.linear.gather [hbm4b:s9+s10], $0x50, $0x38;
	[tilespmem:$0x1E5F8] =	vst v63  }
0xa4: {  	s20 =	simm.s32 $0x480;
	s19 =	rddreg [dreg:$0xa]  }
0xa5: {  	[tilespmem:s20], [sflag:$0x2] =	stream.linear.gather [hbm4b:s19+s10], $0x50, $0x38;
	[tilespmem:$0x1E5F8] =	vst v63  }
0xa6: {  	s23 =	simm.s32 $0x100;
	s22 =	rddreg [dreg:$0xb]  }
0xa7: {  	[tilespmem:s23], [sflag:$0x3] =	stream.linear.gather [hbm4b:s22+s10], $0x50, $0x38;
	[tilespmem:$0x1E5F8] =	vst v63  }
0xa8: {  	s25 =	rddreg [dreg:$0xc];
	s22 =	simm.s32 $0x500  }
0xa9: {  	[tilespmem:s22], [sflag:$0x3] =	stream.linear.gather [hbm4b:s25+s10], $0x50, $0x38;
	[tilespmem:$0x1E5F8] =	vst v63  }
0xaa: {  	s1 =	simm.s32 $0x180;
	s0 =	rddreg [dreg:$0xf]  }
0xab: {  	[tilespmem:s1], [sflag:$0x4] =	stream.linear.gather [hbm4b:s0+s10], $0x50, $0x38;
	[tilespmem:$0x1E5F8] =	vst v63  }
0xac: {  	s8 =	rddreg [dreg:$0x10];
	s1 =	simm.s32 $0x580  }
0xad: {  	[tilespmem:s1], [sflag:$0x4] =	stream.linear.gather [hbm4b:s8+s10], $0x50, $0x38;
	[tilespmem:$0x1E5F8] =	vst v63  }
0xae: {  	s15 =	rddreg [dreg:$0x11];
	s8 =	simm.s32 $0x200  }
0xaf: {  	[tilespmem:s8], [sflag:$0x5] =	stream.linear.gather [hbm4b:s15+s10], $0x50, $0x38;
	[tilespmem:$0x1E5F8] =	vst v63  }
0xb0: {  	s19 =	rddreg [dreg:$0x12];
	s20 =	simm.s32 $0x600  }
0xb1: {  	[tilespmem:s20], [sflag:$0x5] =	stream.linear.gather [hbm4b:s19+s10], $0x50, $0x38;
	[tilespmem:$0x1E5F8] =	vst v63  }
0xb2: {  	_ =	swait.ge [sflag:s26], $0x50  }
0xb3: {  	[sflag:s26] =	ssyncset.done $0x0  }
0xb4: {  	[sflag:s26] =	ssyncadd.s32 $0xFFFFFFB0  }
0xb5: {  	_ =	swait.ge [sflag:s26], $0x50  }
0xb6: {  	[sflag:s26] =	ssyncset.done $0x0  }
0xb7: {  	[sflag:s26] =	ssyncadd.s32 $0xFFFFFFB0  }
0xb8: {  	[tilespmem:s14], [sflag:$0x9] =	stream.indirect.gather [hbm4b:s30+s28], $0x80, s10, s28, $0xb8;
	[tilespmem:$0x1E5F8] =	vst v63  }
0xb9: {  	_ =	swait.ge [sflag:s5], $0x50  }
0xba: {  	[sflag:s5] =	ssyncset.done $0x0  }
0xbb: {  	[sflag:s5] =	ssyncadd.s32 $0xFFFFFFB0  }
0xbc: {  	_ =	swait.ge [sflag:s5], $0x50  }
0xbd: {  	[sflag:s5] =	ssyncset.done $0x0  }
0xbe: {  	s6 =	simm.s32 $0x80;
	s23 =	simm.s32 $0x3000;
	[sflag:s5] =	ssyncadd.s32 $0xFFFFFFB0  }
0xbf: {  	[tilespmem:s23], [sflag:$0xA] =	stream.indirect.gather [hbm4b:s30+s28], $0x80, s6, s28, $0xb8;
	[tilespmem:$0x1E5F8] =	vst v63  }
0xc0: {  	_ =	swait.ge [sflag:s7], $0x2800  }
0xc1: {  	[sflag:s7] =	ssyncset.done $0x0  }
0xc2: {  	s25 =	simm.s32 $0x400;
	[sflag:s7] =	ssyncadd.s32 $0xFFFFD800  }
0xc3: {  	[spmem:s3] =	stream.indirect.scatter.add.f32 [tilespmem:s14], [sflag:$0xD], $0x80, s25, s28, $0xb8;
	[tilespmem:$0x1E5F8] =	vst v63  }
0xc4: {  	s6 =	simm.s32 $0xA800  }
0xc5: {  	[spmem:s31] =	stream.indirect.scatter.add.f32 [tilespmem:s6], [sflag:$0xD], $0x1, s25, s28, $0xb8;
	[tilespmem:$0x1E5F8] =	vst v63  }
0xc6: {  	_ =	swait.ge [sflag:s11], $0x50  }
0xc7: {  	[sflag:s11] =	ssyncset.done $0x0  }
0xc8: {  	[sflag:s11] =	ssyncadd.s32 $0xFFFFFFB0  }
0xc9: {  	_ =	swait.ge [sflag:s11], $0x50  }
0xca: {  	[sflag:s11] =	ssyncset.done $0x0  }
0xcb: {  	s9 =	simm.s32 $0x100;
	s8 =	simm.s32 $0x5800;
	[sflag:s11] =	ssyncadd.s32 $0xFFFFFFB0  }
0xcc: {  	[tilespmem:s8], [sflag:$0xB] =	stream.indirect.gather [hbm4b:s30+s28], $0x80, s9, s28, $0xb8;
	[tilespmem:$0x1E5F8] =	vst v63  }
0xcd: {  	s23 =	simm.s32 $0x280;
	s19 =	rddreg [dreg:$0x13]  }
0xce: {  	[tilespmem:s23], [sflag:$0x6] =	stream.linear.gather [hbm4b:s19+s10], $0x50, $0x38;
	[tilespmem:$0x1E5F8] =	vst v63  }
0xcf: {  	s25 =	rddreg [dreg:$0x14];
	s8 =	simm.s32 $0x680  }
0xd0: {  	[tilespmem:s8], [sflag:$0x6] =	stream.linear.gather [hbm4b:s25+s10], $0x50, $0x38;
	[tilespmem:$0x1E5F8] =	vst v63  }
0xd1: {  	_ =	swait.ge [sflag:s16], $0x2800  }
0xd2: {  	[sflag:s16] =	ssyncset.done $0x0  }
0xd3: {  	s13 =	simm.s32 $0x480;
	s1 =	simm.s32 $0x3000;
	[sflag:s16] =	ssyncadd.s32 $0xFFFFD800  }
0xd4: {  	[spmem:s3] =	stream.indirect.scatter.add.f32 [tilespmem:s1], [sflag:$0xE], $0x80, s13, s28, $0xb8;
	[tilespmem:$0x1E5F8] =	vst v63  }
0xd5: {  	_ = 	snop  }
0xd6: {  	[spmem:s31] =	stream.indirect.scatter.add.f32 [tilespmem:s6], [sflag:$0xE], $0x1, s13, s28, $0xb8;
	[tilespmem:$0x1E5F8] =	vst v63  }
0xd7: {  	_ =	swait.ge [sflag:s29], $0x50  }
0xd8: {  	[sflag:s29] =	ssyncset.done $0x0  }
0xd9: {  	[sflag:s29] =	ssyncadd.s32 $0xFFFFFFB0  }
0xda: {  	_ =	swait.ge [sflag:s29], $0x50  }
0xdb: {  	[sflag:s29] =	ssyncset.done $0x0  }
0xdc: {  	s0 =	simm.s32 $0x180;
	s19 =	simm.s32 $0x8000;
	[sflag:s29] =	ssyncadd.s32 $0xFFFFFFB0  }
0xdd: {  	[tilespmem:s19], [sflag:$0xC] =	stream.indirect.gather [hbm4b:s30+s28], $0x80, s0, s28, $0xb8;
	[tilespmem:$0x1E5F8] =	vst v63  }
0xde: {  	s25 =	simm.s32 $0x300;
	s23 =	rddreg [dreg:$0x15]  }
0xdf: {  	[tilespmem:s25], [sflag:$0x7] =	stream.linear.gather [hbm4b:s23+s10], $0x50, $0x38;
	[tilespmem:$0x1E5F8] =	vst v63  }
0xe0: {  	s8 =	simm.s32 $0x700;
	s1 =	rddreg [dreg:$0x16]  }
0xe1: {  	[tilespmem:s8], [sflag:$0x7] =	stream.linear.gather [hbm4b:s1+s10], $0x50, $0x38;
	[tilespmem:$0x1E5F8] =	vst v63  }
0xe2: {  	_ =	swait.ge [sflag:s18], $0x2800  }
0xe3: {  	[sflag:s18] =	ssyncset.done $0x0  }
0xe4: {  	s20 =	simm.s32 $0x5800;
	[sflag:s18] =	ssyncadd.s32 $0xFFFFD800  }
0xe5: {  	[spmem:s3] =	stream.indirect.scatter.add.f32 [tilespmem:s20], [sflag:$0xF], $0x80, s22, s28, $0xb8;
	[tilespmem:$0x1E5F8] =	vst v63  }
0xe6: {  	s9 =	simm.s32 $0xD  }
0xe7: {  	[spmem:s31] =	stream.indirect.scatter.add.f32 [tilespmem:s6], [sflag:$0xF], $0x1, s22, s28, $0xb8;
	[tilespmem:$0x1E5F8] =	vst v63  }
0xe8: {  	_ =	swait.ge [sflag:s9], $0x2800  }
0xe9: {  	[sflag:s9] =	ssyncset.done $0x0  }
0xea: {  	[sflag:s9] =	ssyncadd.s32 $0xFFFFD800  }
0xeb: {  	_ =	swait.ge [sflag:s9], $0x50  }
0xec: {  	[sflag:s9] =	ssyncset.done $0x0  }
0xed: {  	[sflag:s9] =	ssyncadd.s32 $0xFFFFFFB0  }
0xee: {  	_ =	swait.ge [sflag:s24], $0x50  }
0xef: {  	[sflag:s24] =	ssyncset.done $0x0  }
0xf0: {  	[sflag:s24] =	ssyncadd.s32 $0xFFFFFFB0  }
0xf1: {  	_ =	swait.ge [sflag:s24], $0x50  }
0xf2: {  	s15 =	simm.s32 $0x200;
	[sflag:s24] =	ssyncset.done $0x0;
	s13 =	rddreg [dreg:$0x5]  }
0xf3: {  	s20 =	rddreg [dreg:$0x6];
	[sflag:s24] =	ssyncadd.s32 $0xFFFFFFB0;
	s23 =	sadd.s32 $0x0, s13  }
0xf4: {  	[tilespmem:s14], [sflag:$0x9] =	stream.indirect.gather [hbm4b:s30+s28], $0x80, s15, s28, $0xb8;
	[tilespmem:$0x1E5F8] =	vst v63  }
0xf5: {  	s9 =	simm.s32 $0x380;
	s10 =	sadd.s32 $0x0, s20;
	s24 =	sadd.s32 $0x46, s23  }
0xf6: {  	[tilespmem:s9], [sflag:$0x8] =	stream.linear.gather [hbm4b:s24+s4], $0x50, $0x38;
	[tilespmem:$0x1E5F8] =	vst v63  }
0xf7: {  	s13 =	sadd.s32 $0x46, s10;
	s15 =	simm.s32 $0x780  }
0xf8: {  	[tilespmem:s15], [sflag:$0x8] =	stream.linear.gather [hbm4b:s13+s4], $0x50, $0x38;
	[tilespmem:$0x1E5F8] =	vst v63  }
0xf9: {  	_ =	swait.ge [sflag:s12], $0x2800  }
0xfa: {  	[sflag:s12] =	ssyncset.done $0x0  }
0xfb: {  	s19 =	simm.s32 $0x8000;
	s0 =	simm.s32 $0x580;
	[sflag:s12] =	ssyncadd.s32 $0xFFFFD800  }
0xfc: {  	[spmem:s3] =	stream.indirect.scatter.add.f32 [tilespmem:s19], [sflag:$0x10], $0x80, s0, s28, $0xb8;
	[tilespmem:$0x1E5F8] =	vst v63  }
0xfd: {  	s20 =	simm.s32 $0xE  }
0xfe: {  	[spmem:s31] =	stream.indirect.scatter.add.f32 [tilespmem:s6], [sflag:$0x10], $0x1, s0, s28, $0xb8;
	[tilespmem:$0x1E5F8] =	vst v63  }
0xff: {  	_ =	swait.ge [sflag:s20], $0x2800  }
0x100: {  	[sflag:s20] =	ssyncset.done $0x0  }
0x101: {  	[sflag:s20] =	ssyncadd.s32 $0xFFFFD800  }
0x102: {  	_ =	swait.ge [sflag:s20], $0x50  }
0x103: {  	[sflag:s20] =	ssyncset.done $0x0  }
0x104: {  	[sflag:s20] =	ssyncadd.s32 $0xFFFFFFB0  }
0x105: {  	_ =	swait.ge [sflag:s17], $0x50  }
0x106: {  	[sflag:s17] =	ssyncset.done $0x0  }
0x107: {  	[sflag:s17] =	ssyncadd.s32 $0xFFFFFFB0  }
0x108: {  	_ =	swait.ge [sflag:s17], $0x50  }
0x109: {  	[sflag:s17] =	ssyncset.done $0x0  }
0x10a: {  	s1 =	simm.s32 $0x280;
	[sflag:s17] =	ssyncadd.s32 $0xFFFFFFB0;
	s17 =	simm.s32 $0x3000  }
0x10b: {  	[tilespmem:s17], [sflag:$0xA] =	stream.indirect.gather [hbm4b:s30+s28], $0x80, s1, s28, $0xb8;
	[tilespmem:$0x1E5F8] =	vst v63  }
0x10c: {  	s19 =	sadd.s32 $0x50, s23  }
0x10d: {  	[tilespmem:s4], [sflag:$0x1] =	stream.linear.gather [hbm4b:s19+s4], $0x50, $0x38;
	[tilespmem:$0x1E5F8] =	vst v63  }
0x10e: {  	s0 =	sadd.s32 $0x50, s10;
	s1 =	simm.s32 $0x400  }
0x10f: {  	[tilespmem:s1], [sflag:$0x1] =	stream.linear.gather [hbm4b:s0+s4], $0x50, $0x38;
	[tilespmem:$0x1E5F8] =	vst v63  }
0x110: {  	_ =	swait.ge [sflag:s7], $0x2800  }
0x111: {  	[sflag:s7] =	ssyncset.done $0x0  }
0x112: {  	s19 =	simm.s32 $0x600;
	[sflag:s7] =	ssyncadd.s32 $0xFFFFD800  }
0x113: {  	[spmem:s3] =	stream.indirect.scatter.add.f32 [tilespmem:s14], [sflag:$0xD], $0x80, s19, s28, $0xb8;
	[tilespmem:$0x1E5F8] =	vst v63  }
0x114: {  	_ = 	snop  }
0x115: {  	[spmem:s31] =	stream.indirect.scatter.add.f32 [tilespmem:s6], [sflag:$0xD], $0x1, s19, s28, $0xb8;
	[tilespmem:$0x1E5F8] =	vst v63  }
0x116: {  	s19 =	simm.s32 $0xF  }
0x117: {  	_ =	swait.ge [sflag:s19], $0x2800  }
0x118: {  	[sflag:s19] =	ssyncset.done $0x0  }
0x119: {  	[sflag:s19] =	ssyncadd.s32 $0xFFFFD800  }
0x11a: {  	_ =	swait.ge [sflag:s19], $0x50  }
0x11b: {  	[sflag:s19] =	ssyncset.done $0x0  }
0x11c: {  	[sflag:s19] =	ssyncadd.s32 $0xFFFFFFB0  }
0x11d: {  	_ =	swait.ge [sflag:s21], $0x50  }
0x11e: {  	[sflag:s21] =	ssyncset.done $0x0  }
0x11f: {  	[sflag:s21] =	ssyncadd.s32 $0xFFFFFFB0  }
0x120: {  	_ =	swait.ge [sflag:s21], $0x50  }
0x121: {  	[sflag:s21] =	ssyncset.done $0x0  }
0x122: {  	s25 =	simm.s32 $0x300;
	s0 =	simm.s32 $0x5800;
	[sflag:s21] =	ssyncadd.s32 $0xFFFFFFB0  }
0x123: {  	[tilespmem:s0], [sflag:$0xB] =	stream.indirect.gather [hbm4b:s30+s28], $0x80, s25, s28, $0xb8;
	[tilespmem:$0x1E5F8] =	vst v63  }
0x124: {  	s1 =	simm.s32 $0x80;
	s25 =	sadd.s32 $0x5A, s23  }
0x125: {  	[tilespmem:s1], [sflag:$0x2] =	stream.linear.gather [hbm4b:s25+s4], $0x50, $0x38;
	[tilespmem:$0x1E5F8] =	vst v63  }
0x126: {  	s21 =	sadd.s32 $0x5A, s10;
	s25 =	simm.s32 $0x480  }
0x127: {  	[tilespmem:s25], [sflag:$0x2] =	stream.linear.gather [hbm4b:s21+s4], $0x50, $0x38;
	[tilespmem:$0x1E5F8] =	vst v63  }
0x128: {  	_ =	swait.ge [sflag:s16], $0x2800  }
0x129: {  	[sflag:s16] =	ssyncset.done $0x0  }
0x12a: {  	s25 =	simm.s32 $0x680;
	[sflag:s16] =	ssyncadd.s32 $0xFFFFD800  }
0x12b: {  	[spmem:s3] =	stream.indirect.scatter.add.f32 [tilespmem:s17], [sflag:$0xE], $0x80, s25, s28, $0xb8;
	[tilespmem:$0x1E5F8] =	vst v63  }
0x12c: {  	s21 =	simm.s32 $0x10  }
0x12d: {  	[spmem:s31] =	stream.indirect.scatter.add.f32 [tilespmem:s6], [sflag:$0xE], $0x1, s25, s28, $0xb8;
	[tilespmem:$0x1E5F8] =	vst v63  }
0x12e: {  	_ =	swait.ge [sflag:s21], $0x2800  }
0x12f: {  	[sflag:s21] =	ssyncset.done $0x0  }
0x130: {  	[sflag:s21] =	ssyncadd.s32 $0xFFFFD800  }
0x131: {  	_ =	swait.ge [sflag:s21], $0x50  }
0x132: {  	[sflag:s21] =	ssyncset.done $0x0  }
0x133: {  	[sflag:s21] =	ssyncadd.s32 $0xFFFFFFB0  }
0x134: {  	_ =	swait.ge [sflag:s2], $0x50  }
0x135: {  	[sflag:s2] =	ssyncset.done $0x0  }
0x136: {  	[sflag:s2] =	ssyncadd.s32 $0xFFFFFFB0  }
0x137: {  	_ =	swait.ge [sflag:s2], $0x50  }
0x138: {  	[sflag:s2] =	ssyncset.done $0x0  }
0x139: {  	s24 =	simm.s32 $0x8000;
	[sflag:s2] =	ssyncadd.s32 $0xFFFFFFB0  }
0x13a: {  	[tilespmem:s24], [sflag:$0xC] =	stream.indirect.gather [hbm4b:s30+s28], $0x80, s9, s28, $0xb8;
	[tilespmem:$0x1E5F8] =	vst v63  }
0x13b: {  	s2 =	sadd.s32 $0x64, s23;
	s9 =	simm.s32 $0x100  }
0x13c: {  	[tilespmem:s9], [sflag:$0x3] =	stream.linear.gather [hbm4b:s2+s4], $0x50, $0x38;
	[tilespmem:$0x1E5F8] =	vst v63  }
0x13d: {  	s2 =	sadd.s32 $0x64, s10  }
0x13e: {  	[tilespmem:s22], [sflag:$0x3] =	stream.linear.gather [hbm4b:s2+s4], $0x50, $0x38;
	[tilespmem:$0x1E5F8] =	vst v63  }
0x13f: {  	_ =	swait.ge [sflag:s18], $0x2800  }
0x140: {  	[sflag:s18] =	ssyncset.done $0x0  }
0x141: {  	[sflag:s18] =	ssyncadd.s32 $0xFFFFD800  }
0x142: {  	[spmem:s3] =	stream.indirect.scatter.add.f32 [tilespmem:s0], [sflag:$0xF], $0x80, s8, s28, $0xb8;
	[tilespmem:$0x1E5F8] =	vst v63  }
0x143: {  	s13 =	simm.s32 $0xD  }
0x144: {  	[spmem:s31] =	stream.indirect.scatter.add.f32 [tilespmem:s6], [sflag:$0xF], $0x1, s8, s28, $0xb8;
	[tilespmem:$0x1E5F8] =	vst v63  }
0x145: {  	_ =	swait.ge [sflag:s13], $0x2800  }
0x146: {  	[sflag:s13] =	ssyncset.done $0x0  }
0x147: {  	[sflag:s13] =	ssyncadd.s32 $0xFFFFD800  }
0x148: {  	_ =	swait.ge [sflag:s13], $0x50  }
0x149: {  	[sflag:s13] =	ssyncset.done $0x0  }
0x14a: {  	[sflag:s13] =	ssyncadd.s32 $0xFFFFFFB0  }
0x14b: {  	_ =	swait.ge [sflag:s26], $0x50  }
0x14c: {  	[sflag:s26] =	ssyncset.done $0x0  }
0x14d: {  	[sflag:s26] =	ssyncadd.s32 $0xFFFFFFB0  }
0x14e: {  	_ =	swait.ge [sflag:s26], $0x50  }
0x14f: {  	[sflag:s26] =	ssyncset.done $0x0  }
0x150: {  	[sflag:s26] =	ssyncadd.s32 $0xFFFFFFB0  }
0x151: {  	[tilespmem:s14], [sflag:$0x9] =	stream.indirect.gather [hbm4b:s30+s28], $0x80, s4, s28, $0xb8;
	[tilespmem:$0x1E5F8] =	vst v63  }
0x152: {  	s2 =	sadd.s32 $0x6E, s23;
	s0 =	simm.s32 $0x180  }
0x153: {  	[tilespmem:s0], [sflag:$0x4] =	stream.linear.gather [hbm4b:s2+s4], $0x50, $0x38;
	[tilespmem:$0x1E5F8] =	vst v63  }
0x154: {  	s6 =	sadd.s32 $0x6E, s10;
	s8 =	simm.s32 $0x580  }
0x155: {  	[tilespmem:s8], [sflag:$0x4] =	stream.linear.gather [hbm4b:s6+s4], $0x50, $0x38;
	[tilespmem:$0x1E5F8] =	vst v63  }
0x156: {  	_ =	swait.ge [sflag:s12], $0x2800  }
0x157: {  	[sflag:s12] =	ssyncset.done $0x0  }
0x158: {  	[sflag:s12] =	ssyncadd.s32 $0xFFFFD800  }
0x159: {  	[spmem:s3] =	stream.indirect.scatter.add.f32 [tilespmem:s24], [sflag:$0x10], $0x80, s15, s28, $0xb8;
	[tilespmem:$0x1E5F8] =	vst v63  }
0x15a: {  	s26 =	simm.s32 $0xA800  }
0x15b: {  	[spmem:s31] =	stream.indirect.scatter.add.f32 [tilespmem:s26], [sflag:$0x10], $0x1, s15, s28, $0xb8;
	[tilespmem:$0x1E5F8] =	vst v63  }
0x15c: {  	_ =	swait.ge [sflag:s20], $0x2800  }
0x15d: {  	[sflag:s20] =	ssyncset.done $0x0  }
0x15e: {  	[sflag:s20] =	ssyncadd.s32 $0xFFFFD800  }
0x15f: {  	_ =	swait.ge [sflag:s20], $0x50  }
0x160: {  	[sflag:s20] =	ssyncset.done $0x0  }
0x161: {  	[sflag:s20] =	ssyncadd.s32 $0xFFFFFFB0  }
0x162: {  	_ =	swait.ge [sflag:s5], $0x50  }
0x163: {  	[sflag:s5] =	ssyncset.done $0x0  }
0x164: {  	[sflag:s5] =	ssyncadd.s32 $0xFFFFFFB0  }
0x165: {  	_ =	swait.ge [sflag:s5], $0x50  }
0x166: {  	[sflag:s5] =	ssyncset.done $0x0  }
0x167: {  	s17 =	simm.s32 $0x3000;
	[sflag:s5] =	ssyncadd.s32 $0xFFFFFFB0  }
0x168: {  	[tilespmem:s17], [sflag:$0xA] =	stream.indirect.gather [hbm4b:s30+s28], $0x80, s1, s28, $0xb8;
	[tilespmem:$0x1E5F8] =	vst v63  }
0x169: {  	s2 =	simm.s32 $0x200;
	s1 =	sadd.s32 $0x78, s23  }
0x16a: {  	[tilespmem:s2], [sflag:$0x5] =	stream.linear.gather [hbm4b:s1+s4], $0x50, $0x38;
	[tilespmem:$0x1E5F8] =	vst v63  }
0x16b: {  	s6 =	simm.s32 $0x600;
	s5 =	sadd.s32 $0x78, s10  }
0x16c: {  	[tilespmem:s6], [sflag:$0x5] =	stream.linear.gather [hbm4b:s5+s4], $0x50, $0x38;
	[tilespmem:$0x1E5F8] =	vst v63  }
0x16d: {  	_ =	swait.ge [sflag:s7], $0x2800  }
0x16e: {  	[sflag:s7] =	ssyncset.done $0x0  }
0x16f: {  	s8 =	simm.s32 $0x400;
	[sflag:s7] =	ssyncadd.s32 $0xFFFFD800  }
0x170: {  	[spmem:s3] =	stream.indirect.scatter.add.f32 [tilespmem:s14], [sflag:$0xD], $0x80, s8, s28, $0xb8;
	[tilespmem:$0x1E5F8] =	vst v63  }
0x171: {  	_ = 	snop  }
0x172: {  	[spmem:s31] =	stream.indirect.scatter.add.f32 [tilespmem:s26], [sflag:$0xD], $0x1, s8, s28, $0xb8;
	[tilespmem:$0x1E5F8] =	vst v63  }
0x173: {  	_ =	swait.ge [sflag:s19], $0x2800  }
0x174: {  	[sflag:s19] =	ssyncset.done $0x0  }
0x175: {  	[sflag:s19] =	ssyncadd.s32 $0xFFFFD800  }
0x176: {  	_ =	swait.ge [sflag:s19], $0x50  }
0x177: {  	[sflag:s19] =	ssyncset.done $0x0  }
0x178: {  	[sflag:s19] =	ssyncadd.s32 $0xFFFFFFB0  }
0x179: {  	_ =	swait.ge [sflag:s11], $0x50  }
0x17a: {  	[sflag:s11] =	ssyncset.done $0x0  }
0x17b: {  	[sflag:s11] =	ssyncadd.s32 $0xFFFFFFB0  }
0x17c: {  	_ =	swait.ge [sflag:s11], $0x50  }
0x17d: {  	[sflag:s11] =	ssyncset.done $0x0  }
0x17e: {  	s18 =	simm.s32 $0x5800;
	[sflag:s11] =	ssyncadd.s32 $0xFFFFFFB0  }
0x17f: {  	[tilespmem:s18], [sflag:$0xB] =	stream.indirect.gather [hbm4b:s30+s28], $0x80, s9, s28, $0xb8;
	[tilespmem:$0x1E5F8] =	vst v63  }
0x180: {  	s12 =	simm.s32 $0x280;
	s11 =	sadd.s32 $0x82, s23  }
0x181: {  	[tilespmem:s12], [sflag:$0x6] =	stream.linear.gather [hbm4b:s11+s4], $0x50, $0x38;
	[tilespmem:$0x1E5F8] =	vst v63  }
0x182: {  	s25 =	simm.s32 $0x680;
	s14 =	sadd.s32 $0x82, s10  }
0x183: {  	[tilespmem:s25], [sflag:$0x6] =	stream.linear.gather [hbm4b:s14+s4], $0x50, $0x38;
	[tilespmem:$0x1E5F8] =	vst v63  }
0x184: {  	_ =	swait.ge [sflag:s16], $0x2800  }
0x185: {  	[sflag:s16] =	ssyncset.done $0x0  }
0x186: {  	s18 =	simm.s32 $0x480;
	[sflag:s16] =	ssyncadd.s32 $0xFFFFD800  }
0x187: {  	[spmem:s3] =	stream.indirect.scatter.add.f32 [tilespmem:s17], [sflag:$0xE], $0x80, s18, s28, $0xb8;
	[tilespmem:$0x1E5F8] =	vst v63  }
0x188: {  	_ = 	snop  }
0x189: {  	[spmem:s31] =	stream.indirect.scatter.add.f32 [tilespmem:s26], [sflag:$0xE], $0x1, s18, s28, $0xb8;
	[tilespmem:$0x1E5F8] =	vst v63  }
0x18a: {  	_ =	swait.ge [sflag:s21], $0x2800  }
0x18b: {  	[sflag:s21] =	ssyncset.done $0x0  }
0x18c: {  	[sflag:s21] =	ssyncadd.s32 $0xFFFFD800  }
0x18d: {  	_ =	swait.ge [sflag:s21], $0x50  }
0x18e: {  	[sflag:s21] =	ssyncset.done $0x0  }
0x18f: {  	[sflag:s21] =	ssyncadd.s32 $0xFFFFFFB0  }
0x190: {  	_ =	swait.ge [sflag:s29], $0x50  }
0x191: {  	[sflag:s29] =	ssyncset.done $0x0  }
0x192: {  	[sflag:s29] =	ssyncadd.s32 $0xFFFFFFB0  }
0x193: {  	_ =	swait.ge [sflag:s29], $0x50  }
0x194: {  	s15 =	simm.s32 $0x800;
	[sflag:s29] =	ssyncset.done $0x0  }
0x195: {  	s6 =	smov.u32 s31;
	s10 =	sadd.s32 $0x8C, s10;
	[sflag:s29] =	ssyncadd.s32 $0xFFFFFFB0  }
0x196: {  	[tilespmem:s24], [sflag:$0xC] =	stream.indirect.gather [hbm4b:s30+s28], $0x80, s0, s28, $0xb8;
	[tilespmem:$0x1E5F8] =	vst v63  }
0x197: {  	s25 =	sadd.s32 $0x8C, s23;
	s23 =	simm.s32 $0x50;
	s29 =	simm.s32 $0x300  }
0x198: {  	[tilespmem:s29], [sflag:$0x7] =	stream.linear.gather [hbm4b:s25+s4], $0x50, $0x38;
	[tilespmem:$0x1E5F8] =	vst v63  }
.LBB2_4:
0x199: {  	s18 =	simm.s32 $0x700;
	s12 =	simm.s32 $0xB  }
0x19a: {  	[tilespmem:s18], [sflag:$0x7] =	stream.linear.gather [hbm4b:s10+s4], $0x50, $0x38;
	[tilespmem:$0x1E5F8] =	vst v63  }
0x19b: {  	_ =	swait.ge [sflag:s12], $0x2800  }
0x19c: {  	[sflag:s12] =	ssyncset.done $0x0  }
0x19d: {  	s1 =	simm.s32 $0x5800;
	[sflag:s12] =	ssyncadd.s32 $0xFFFFD800  }
0x19e: {  	[spmem:s3] =	stream.indirect.scatter.add.f32 [tilespmem:s1], [sflag:$0xF], $0x80, s22, s28, $0xb8;
	[tilespmem:$0x1E5F8] =	vst v63  }
0x19f: {  	s0 =	simm.s32 $0xD  }
0x1a0: {  	[spmem:s6] =	stream.indirect.scatter.add.f32 [tilespmem:s26], [sflag:$0xF], $0x1, s22, s28, $0xb8;
	[tilespmem:$0x1E5F8] =	vst v63  }
0x1a1: {  	_ =	swait.ge [sflag:s0], $0x2800  }
0x1a2: {  	[sflag:s0] =	ssyncset.done $0x0  }
0x1a3: {  	[sflag:s0] =	ssyncadd.s32 $0xFFFFD800  }
0x1a4: {  	_ =	swait.ge [sflag:s0], $0x50  }
0x1a5: {  	[sflag:s0] =	ssyncset.done $0x0  }
0x1a6: {  	s11 =	simm.s32 $0x5;
	[sflag:s0] =	ssyncadd.s32 $0xFFFFFFB0  }
0x1a7: {  	_ =	swait.ge [sflag:s11], $0x50  }
0x1a8: {  	[sflag:s11] =	ssyncset.done $0x0  }
0x1a9: {  	[sflag:s11] =	ssyncadd.s32 $0xFFFFFFB0  }
0x1aa: {  	s13 =	smov.u32 s23;
	_ =	swait.ge [sflag:s11], $0x50  }
0x1ab: {  	s16 =	simm.s32 $0x200;
	[sflag:s11] =	ssyncset.done $0x0;
	s14 =	rddreg [dreg:$0x5]  }
0x1ac: {  	s25 =	rddreg [dreg:$0x6];
	[sflag:s11] =	ssyncadd.s32 $0xFFFFFFB0;
	s10 =	sadd.s32 s13, s14  }
0x1ad: {  	[tilespmem:s15], [sflag:$0x9] =	stream.indirect.gather [hbm4b:s30+s28], $0x80, s16, s28, $0xb8;
	[tilespmem:$0x1E5F8] =	vst v63  }
0x1ae: {  	s9 =	simm.s32 $0x380;
	s25 =	sadd.s32 s13, s25;
	s24 =	sadd.s32 $0x46, s10  }
0x1af: {  	[tilespmem:s9], [sflag:$0x8] =	stream.linear.gather [hbm4b:s24+s4], $0x50, $0x38;
	[tilespmem:$0x1E5F8] =	vst v63  }
0x1b0: {  	s11 =	simm.s32 $0xC;
	s13 =	sadd.s32 $0x46, s25;
	s15 =	simm.s32 $0x780  }
0x1b1: {  	[tilespmem:s15], [sflag:$0x8] =	stream.linear.gather [hbm4b:s13+s4], $0x50, $0x38;
	[tilespmem:$0x1E5F8] =	vst v63  }
0x1b2: {  	_ =	swait.ge [sflag:s11], $0x2800  }
0x1b3: {  	[sflag:s11] =	ssyncset.done $0x0  }
0x1b4: {  	s5 =	simm.s32 $0x8000;
	s2 =	simm.s32 $0x580;
	[sflag:s11] =	ssyncadd.s32 $0xFFFFD800  }
0x1b5: {  	[spmem:s3] =	stream.indirect.scatter.add.f32 [tilespmem:s5], [sflag:$0x10], $0x80, s2, s28, $0xb8;
	[tilespmem:$0x1E5F8] =	vst v63  }
0x1b6: {  	_ = 	snop  }
0x1b7: {  	[spmem:s6] =	stream.indirect.scatter.add.f32 [tilespmem:s26], [sflag:$0x10], $0x1, s2, s28, $0xb8;
	[tilespmem:$0x1E5F8] =	vst v63  }
0x1b8: {  	_ =	swait.ge [sflag:s20], $0x2800  }
0x1b9: {  	[sflag:s20] =	ssyncset.done $0x0  }
0x1ba: {  	[sflag:s20] =	ssyncadd.s32 $0xFFFFD800  }
0x1bb: {  	_ =	swait.ge [sflag:s20], $0x50  }
0x1bc: {  	[sflag:s20] =	ssyncset.done $0x0  }
0x1bd: {  	s7 =	simm.s32 $0x6;
	[sflag:s20] =	ssyncadd.s32 $0xFFFFFFB0  }
0x1be: {  	_ =	swait.ge [sflag:s7], $0x50  }
0x1bf: {  	[sflag:s7] =	ssyncset.done $0x0  }
0x1c0: {  	[sflag:s7] =	ssyncadd.s32 $0xFFFFFFB0  }
0x1c1: {  	_ =	swait.ge [sflag:s7], $0x50  }
0x1c2: {  	[sflag:s7] =	ssyncset.done $0x0  }
0x1c3: {  	s8 =	simm.s32 $0x280;
	[sflag:s7] =	ssyncadd.s32 $0xFFFFFFB0;
	s7 =	simm.s32 $0x3000  }
0x1c4: {  	[tilespmem:s7], [sflag:$0xA] =	stream.indirect.gather [hbm4b:s30+s28], $0x80, s8, s28, $0xb8;
	[tilespmem:$0x1E5F8] =	vst v63  }
0x1c5: {  	s29 =	sadd.s32 $0x50, s10  }
0x1c6: {  	[tilespmem:s4], [sflag:$0x1] =	stream.linear.gather [hbm4b:s29+s4], $0x50, $0x38;
	[tilespmem:$0x1E5F8] =	vst v63  }
0x1c7: {  	s31 =	sadd.s32 $0x50, s25;
	s24 =	simm.s32 $0x9;
	s8 =	simm.s32 $0x400  }
0x1c8: {  	[tilespmem:s8], [sflag:$0x1] =	stream.linear.gather [hbm4b:s31+s4], $0x50, $0x38;
	[tilespmem:$0x1E5F8] =	vst v63  }
0x1c9: {  	_ =	swait.ge [sflag:s24], $0x2800  }
0x1ca: {  	[sflag:s24] =	ssyncset.done $0x0  }
0x1cb: {  	s17 =	simm.s32 $0x800;
	s29 =	simm.s32 $0x600;
	[sflag:s24] =	ssyncadd.s32 $0xFFFFD800  }
0x1cc: {  	[spmem:s3] =	stream.indirect.scatter.add.f32 [tilespmem:s17], [sflag:$0xD], $0x80, s29, s28, $0xb8;
	[tilespmem:$0x1E5F8] =	vst v63  }
0x1cd: {  	_ = 	snop  }
0x1ce: {  	[spmem:s6] =	stream.indirect.scatter.add.f32 [tilespmem:s26], [sflag:$0xD], $0x1, s29, s28, $0xb8;
	[tilespmem:$0x1E5F8] =	vst v63  }
0x1cf: {  	_ =	swait.ge [sflag:s19], $0x2800  }
0x1d0: {  	[sflag:s19] =	ssyncset.done $0x0  }
0x1d1: {  	[sflag:s19] =	ssyncadd.s32 $0xFFFFD800  }
0x1d2: {  	_ =	swait.ge [sflag:s19], $0x50  }
0x1d3: {  	[sflag:s19] =	ssyncset.done $0x0  }
0x1d4: {  	s13 =	simm.s32 $0x7;
	[sflag:s19] =	ssyncadd.s32 $0xFFFFFFB0  }
0x1d5: {  	_ =	swait.ge [sflag:s13], $0x50  }
0x1d6: {  	[sflag:s13] =	ssyncset.done $0x0  }
0x1d7: {  	[sflag:s13] =	ssyncadd.s32 $0xFFFFFFB0  }
0x1d8: {  	_ =	swait.ge [sflag:s13], $0x50  }
0x1d9: {  	[sflag:s13] =	ssyncset.done $0x0  }
0x1da: {  	s0 =	simm.s32 $0x300;
	s31 =	simm.s32 $0x5800;
	[sflag:s13] =	ssyncadd.s32 $0xFFFFFFB0  }
0x1db: {  	[tilespmem:s31], [sflag:$0xB] =	stream.indirect.gather [hbm4b:s30+s28], $0x80, s0, s28, $0xb8;
	[tilespmem:$0x1E5F8] =	vst v63  }
0x1dc: {  	s14 =	sadd.s32 $0x5A, s10;
	s26 =	simm.s32 $0x80  }
0x1dd: {  	[tilespmem:s26], [sflag:$0x2] =	stream.linear.gather [hbm4b:s14+s4], $0x50, $0x38;
	[tilespmem:$0x1E5F8] =	vst v63  }
0x1de: {  	s17 =	sadd.s32 $0x5A, s25;
	s0 =	simm.s32 $0x480  }
0x1df: {  	[tilespmem:s0], [sflag:$0x2] =	stream.linear.gather [hbm4b:s17+s4], $0x50, $0x38;
	[tilespmem:$0x1E5F8] =	vst v63  }
0x1e0: {  	s17 =	simm.s32 $0xA  }
0x1e1: {  	_ =	swait.ge [sflag:s17], $0x2800  }
0x1e2: {  	[sflag:s17] =	ssyncset.done $0x0  }
0x1e3: {  	s1 =	simm.s32 $0x680;
	[sflag:s17] =	ssyncadd.s32 $0xFFFFD800  }
0x1e4: {  	[spmem:s3] =	stream.indirect.scatter.add.f32 [tilespmem:s7], [sflag:$0xE], $0x80, s1, s28, $0xb8;
	[tilespmem:$0x1E5F8] =	vst v63  }
0x1e5: {  	s16 =	simm.s32 $0xA800  }
0x1e6: {  	[spmem:s6] =	stream.indirect.scatter.add.f32 [tilespmem:s16], [sflag:$0xE], $0x1, s1, s28, $0xb8;
	[tilespmem:$0x1E5F8] =	vst v63  }
0x1e7: {  	_ =	swait.ge [sflag:s21], $0x2800  }
0x1e8: {  	[sflag:s21] =	ssyncset.done $0x0  }
0x1e9: {  	[sflag:s21] =	ssyncadd.s32 $0xFFFFD800  }
0x1ea: {  	_ =	swait.ge [sflag:s21], $0x50  }
0x1eb: {  	[sflag:s21] =	ssyncset.done $0x0  }
0x1ec: {  	s22 =	simm.s32 $0x8;
	[sflag:s21] =	ssyncadd.s32 $0xFFFFFFB0  }
0x1ed: {  	_ =	swait.ge [sflag:s22], $0x50  }
0x1ee: {  	[sflag:s22] =	ssyncset.done $0x0  }
0x1ef: {  	[sflag:s22] =	ssyncadd.s32 $0xFFFFFFB0  }
0x1f0: {  	_ =	swait.ge [sflag:s22], $0x50  }
0x1f1: {  	[sflag:s22] =	ssyncset.done $0x0  }
0x1f2: {  	[sflag:s22] =	ssyncadd.s32 $0xFFFFFFB0  }
0x1f3: {  	[tilespmem:s5], [sflag:$0xC] =	stream.indirect.gather [hbm4b:s30+s28], $0x80, s9, s28, $0xb8;
	[tilespmem:$0x1E5F8] =	vst v63  }
0x1f4: {  	s14 =	sadd.s32 $0x64, s10;
	s9 =	simm.s32 $0x100  }
0x1f5: {  	[tilespmem:s9], [sflag:$0x3] =	stream.linear.gather [hbm4b:s14+s4], $0x50, $0x38;
	[tilespmem:$0x1E5F8] =	vst v63  }
0x1f6: {  	s22 =	sadd.s32 $0x64, s25;
	s14 =	simm.s32 $0x500  }
0x1f7: {  	[tilespmem:s14], [sflag:$0x3] =	stream.linear.gather [hbm4b:s22+s4], $0x50, $0x38;
	[tilespmem:$0x1E5F8] =	vst v63  }
0x1f8: {  	_ =	swait.ge [sflag:s12], $0x2800  }
0x1f9: {  	[sflag:s12] =	ssyncset.done $0x0  }
0x1fa: {  	[sflag:s12] =	ssyncadd.s32 $0xFFFFD800  }
0x1fb: {  	[spmem:s3] =	stream.indirect.scatter.add.f32 [tilespmem:s31], [sflag:$0xF], $0x80, s18, s28, $0xb8;
	[tilespmem:$0x1E5F8] =	vst v63  }
0x1fc: {  	_ = 	snop  }
0x1fd: {  	[spmem:s6] =	stream.indirect.scatter.add.f32 [tilespmem:s16], [sflag:$0xF], $0x1, s18, s28, $0xb8;
	[tilespmem:$0x1E5F8] =	vst v63  }
0x1fe: {  	s18 =	simm.s32 $0xD  }
0x1ff: {  	_ =	swait.ge [sflag:s18], $0x2800  }
0x200: {  	[sflag:s18] =	ssyncset.done $0x0  }
0x201: {  	[sflag:s18] =	ssyncadd.s32 $0xFFFFD800  }
0x202: {  	_ =	swait.ge [sflag:s18], $0x50  }
0x203: {  	[sflag:s18] =	ssyncset.done $0x0  }
0x204: {  	s31 =	simm.s32 $0x1;
	[sflag:s18] =	ssyncadd.s32 $0xFFFFFFB0  }
0x205: {  	_ =	swait.ge [sflag:s31], $0x50  }
0x206: {  	[sflag:s31] =	ssyncset.done $0x0  }
0x207: {  	[sflag:s31] =	ssyncadd.s32 $0xFFFFFFB0  }
0x208: {  	_ =	swait.ge [sflag:s31], $0x50  }
0x209: {  	[sflag:s31] =	ssyncset.done $0x0  }
0x20a: {  	s14 =	simm.s32 $0x800;
	[sflag:s31] =	ssyncadd.s32 $0xFFFFFFB0  }
0x20b: {  	[tilespmem:s14], [sflag:$0x9] =	stream.indirect.gather [hbm4b:s30+s28], $0x80, s4, s28, $0xb8;
	[tilespmem:$0x1E5F8] =	vst v63  }
0x20c: {  	s13 =	sadd.s32 $0x6E, s10;
	s31 =	simm.s32 $0x180  }
0x20d: {  	[tilespmem:s31], [sflag:$0x4] =	stream.linear.gather [hbm4b:s13+s4], $0x50, $0x38;
	[tilespmem:$0x1E5F8] =	vst v63  }
0x20e: {  	s22 =	sadd.s32 $0x6E, s25  }
0x20f: {  	[tilespmem:s2], [sflag:$0x4] =	stream.linear.gather [hbm4b:s22+s4], $0x50, $0x38;
	[tilespmem:$0x1E5F8] =	vst v63  }
0x210: {  	_ =	swait.ge [sflag:s11], $0x2800  }
0x211: {  	[sflag:s11] =	ssyncset.done $0x0  }
0x212: {  	[sflag:s11] =	ssyncadd.s32 $0xFFFFD800  }
0x213: {  	[spmem:s3] =	stream.indirect.scatter.add.f32 [tilespmem:s5], [sflag:$0x10], $0x80, s15, s28, $0xb8;
	[tilespmem:$0x1E5F8] =	vst v63  }
0x214: {  	_ = 	snop  }
0x215: {  	[spmem:s6] =	stream.indirect.scatter.add.f32 [tilespmem:s16], [sflag:$0x10], $0x1, s15, s28, $0xb8;
	[tilespmem:$0x1E5F8] =	vst v63  }
0x216: {  	_ =	swait.ge [sflag:s20], $0x2800  }
0x217: {  	[sflag:s20] =	ssyncset.done $0x0  }
0x218: {  	[sflag:s20] =	ssyncadd.s32 $0xFFFFD800  }
0x219: {  	_ =	swait.ge [sflag:s20], $0x50  }
0x21a: {  	[sflag:s20] =	ssyncset.done $0x0  }
0x21b: {  	s22 =	simm.s32 $0x2;
	[sflag:s20] =	ssyncadd.s32 $0xFFFFFFB0  }
0x21c: {  	_ =	swait.ge [sflag:s22], $0x50  }
0x21d: {  	[sflag:s22] =	ssyncset.done $0x0  }
0x21e: {  	[sflag:s22] =	ssyncadd.s32 $0xFFFFFFB0  }
0x21f: {  	_ =	swait.ge [sflag:s22], $0x50  }
0x220: {  	[sflag:s22] =	ssyncset.done $0x0  }
0x221: {  	[sflag:s22] =	ssyncadd.s32 $0xFFFFFFB0  }
0x222: {  	[tilespmem:s7], [sflag:$0xA] =	stream.indirect.gather [hbm4b:s30+s28], $0x80, s26, s28, $0xb8;
	[tilespmem:$0x1E5F8] =	vst v63  }
0x223: {  	s11 =	sadd.s32 $0x78, s10;
	s16 =	simm.s32 $0x200  }
0x224: {  	[tilespmem:s16], [sflag:$0x5] =	stream.linear.gather [hbm4b:s11+s4], $0x50, $0x38;
	[tilespmem:$0x1E5F8] =	vst v63  }
0x225: {  	s15 =	sadd.s32 $0x78, s25  }
0x226: {  	[tilespmem:s29], [sflag:$0x5] =	stream.linear.gather [hbm4b:s15+s4], $0x50, $0x38;
	[tilespmem:$0x1E5F8] =	vst v63  }
0x227: {  	_ =	swait.ge [sflag:s24], $0x2800  }
0x228: {  	[sflag:s24] =	ssyncset.done $0x0  }
0x229: {  	[sflag:s24] =	ssyncadd.s32 $0xFFFFD800  }
0x22a: {  	[spmem:s3] =	stream.indirect.scatter.add.f32 [tilespmem:s14], [sflag:$0xD], $0x80, s8, s28, $0xb8;
	[tilespmem:$0x1E5F8] =	vst v63  }
0x22b: {  	s26 =	simm.s32 $0xA800  }
0x22c: {  	[spmem:s6] =	stream.indirect.scatter.add.f32 [tilespmem:s26], [sflag:$0xD], $0x1, s8, s28, $0xb8;
	[tilespmem:$0x1E5F8] =	vst v63  }
0x22d: {  	_ =	swait.ge [sflag:s19], $0x2800  }
0x22e: {  	[sflag:s19] =	ssyncset.done $0x0  }
0x22f: {  	[sflag:s19] =	ssyncadd.s32 $0xFFFFD800  }
0x230: {  	_ =	swait.ge [sflag:s19], $0x50  }
0x231: {  	[sflag:s19] =	ssyncset.done $0x0  }
0x232: {  	s29 =	simm.s32 $0x3;
	[sflag:s19] =	ssyncadd.s32 $0xFFFFFFB0  }
0x233: {  	_ =	swait.ge [sflag:s29], $0x50  }
0x234: {  	[sflag:s29] =	ssyncset.done $0x0  }
0x235: {  	[sflag:s29] =	ssyncadd.s32 $0xFFFFFFB0  }
0x236: {  	_ =	swait.ge [sflag:s29], $0x50  }
0x237: {  	[sflag:s29] =	ssyncset.done $0x0  }
0x238: {  	s12 =	simm.s32 $0x5800;
	[sflag:s29] =	ssyncadd.s32 $0xFFFFFFB0  }
0x239: {  	[tilespmem:s12], [sflag:$0xB] =	stream.indirect.gather [hbm4b:s30+s28], $0x80, s9, s28, $0xb8;
	[tilespmem:$0x1E5F8] =	vst v63  }
0x23a: {  	s11 =	sadd.s32 $0x82, s10;
	s16 =	simm.s32 $0x280  }
0x23b: {  	[tilespmem:s16], [sflag:$0x6] =	stream.linear.gather [hbm4b:s11+s4], $0x50, $0x38;
	[tilespmem:$0x1E5F8] =	vst v63  }
0x23c: {  	s14 =	sadd.s32 $0x82, s25  }
0x23d: {  	[tilespmem:s1], [sflag:$0x6] =	stream.linear.gather [hbm4b:s14+s4], $0x50, $0x38;
	[tilespmem:$0x1E5F8] =	vst v63  }
0x23e: {  	_ =	swait.ge [sflag:s17], $0x2800  }
0x23f: {  	[sflag:s17] =	ssyncset.done $0x0  }
0x240: {  	[sflag:s17] =	ssyncadd.s32 $0xFFFFD800  }
0x241: {  	[spmem:s3] =	stream.indirect.scatter.add.f32 [tilespmem:s7], [sflag:$0xE], $0x80, s0, s28, $0xb8;
	[tilespmem:$0x1E5F8] =	vst v63  }
0x242: {  	_ = 	snop  }
0x243: {  	[spmem:s6] =	stream.indirect.scatter.add.f32 [tilespmem:s26], [sflag:$0xE], $0x1, s0, s28, $0xb8;
	[tilespmem:$0x1E5F8] =	vst v63  }
0x244: {  	_ =	swait.ge [sflag:s21], $0x2800  }
0x245: {  	[sflag:s21] =	ssyncset.done $0x0  }
0x246: {  	[sflag:s21] =	ssyncadd.s32 $0xFFFFD800  }
0x247: {  	_ =	swait.ge [sflag:s21], $0x50  }
0x248: {  	[sflag:s21] =	ssyncset.done $0x0  }
0x249: {  	s24 =	simm.s32 $0x4;
	[sflag:s21] =	ssyncadd.s32 $0xFFFFFFB0  }
0x24a: {  	_ =	swait.ge [sflag:s24], $0x50  }
0x24b: {  	[sflag:s24] =	ssyncset.done $0x0  }
0x24c: {  	p1 =	sne.s32 s23, $0x910;
	s23 =	sadd.s32 $0x50, s23;
	[sflag:s24] =	ssyncadd.s32 $0xFFFFFFB0  }
0x24d: {  	s31 =	simm.s32 $0x180;
	s2 =	simm.s32 $0x200;
	_ =	swait.ge [sflag:s24], $0x50  }
.Ltmp1:
0x24e: {  	s22 =	simm.s32 $0x500;
	[sflag:s24] =	ssyncset.done $0x0;
	(pc) =	sbr.rel @p1 .LBB2_4-.Ltmp1, $4  }
0x24f: {  	s15 =	simm.s32 $0x800;
	s8 =	simm.s32 $0x280;
	[sflag:s24] =	ssyncadd.s32 $0xFFFFFFB0  }
0x250: {  	[tilespmem:s5], [sflag:$0xC] =	stream.indirect.gather [hbm4b:s30+s28], $0x80, s31, s28, $0xb8;
	[tilespmem:$0x1E5F8] =	vst v63  }
0x251: {  	s29 =	sadd.s32 $0x8C, s10;
	s10 =	sadd.s32 $0x8C, s25;
	s0 =	simm.s32 $0x300  }
0x252: {  	[tilespmem:s0], [sflag:$0x7] =	stream.linear.gather [hbm4b:s29+s4], $0x50, $0x38;
	[tilespmem:$0x1E5F8] =	vst v63  }
0x253: {  	s12 =	simm.s32 $0x700;
	s23 =	simm.s32 $0xB  }
0x254: {  	[tilespmem:s12], [sflag:$0x7] =	stream.linear.gather [hbm4b:s10+s4], $0x50, $0x38;
	[tilespmem:$0x1E5F8] =	vst v63  }
0x255: {  	_ =	swait.ge [sflag:s23], $0x2800  }
0x256: {  	[sflag:s23] =	ssyncset.done $0x0  }
0x257: {  	s11 =	simm.s32 $0x5800;
	[sflag:s23] =	ssyncadd.s32 $0xFFFFD800  }
0x258: {  	[spmem:s3] =	stream.indirect.scatter.add.f32 [tilespmem:s11], [sflag:$0xF], $0x80, s22, s28, $0xb8;
	[tilespmem:$0x1E5F8] =	vst v63  }
0x259: {  	_ = 	snop  }
0x25a: {  	[spmem:s6] =	stream.indirect.scatter.add.f32 [tilespmem:s26], [sflag:$0xF], $0x1, s22, s28, $0xb8;
	[tilespmem:$0x1E5F8] =	vst v63  }
0x25b: {  	_ =	swait.ge [sflag:s18], $0x2800  }
0x25c: {  	[sflag:s18] =	ssyncset.done $0x0  }
0x25d: {  	[sflag:s18] =	ssyncadd.s32 $0xFFFFD800  }
0x25e: {  	_ =	swait.ge [sflag:s18], $0x50  }
0x25f: {  	[sflag:s18] =	ssyncset.done $0x0  }
0x260: {  	s1 =	simm.s32 $0x5;
	[sflag:s18] =	ssyncadd.s32 $0xFFFFFFB0  }
0x261: {  	_ =	swait.ge [sflag:s1], $0x50  }
0x262: {  	[sflag:s1] =	ssyncset.done $0x0  }
0x263: {  	[sflag:s1] =	ssyncadd.s32 $0xFFFFFFB0  }
0x264: {  	_ =	swait.ge [sflag:s1], $0x50  }
0x265: {  	[sflag:s1] =	ssyncset.done $0x0  }
0x266: {  	s14 =	simm.s32 $0x800;
	[sflag:s1] =	ssyncadd.s32 $0xFFFFFFB0  }
0x267: {  	[tilespmem:s14], [sflag:$0x9] =	stream.indirect.gather [hbm4b:s30+s28], $0x80, s2, s28, $0xb8;
	[tilespmem:$0x1E5F8] =	vst v63  }
0x268: {  	s7 =	rddreg [dreg:$0x17];
	s2 =	simm.s32 $0x380  }
0x269: {  	[tilespmem:s2], [sflag:$0x8] =	stream.linear.gather [hbm4b:s7+s4], $0x50, $0x38;
	[tilespmem:$0x1E5F8] =	vst v63  }
0x26a: {  	s15 =	simm.s32 $0x780;
	s17 =	simm.s32 $0xC;
	s9 =	rddreg [dreg:$0x18]  }
0x26b: {  	[tilespmem:s15], [sflag:$0x8] =	stream.linear.gather [hbm4b:s9+s4], $0x50, $0x38;
	[tilespmem:$0x1E5F8] =	vst v63  }
0x26c: {  	_ =	swait.ge [sflag:s17], $0x2800  }
0x26d: {  	[sflag:s17] =	ssyncset.done $0x0  }
0x26e: {  	s5 =	simm.s32 $0x8000;
	s10 =	simm.s32 $0x580;
	[sflag:s17] =	ssyncadd.s32 $0xFFFFD800  }
0x26f: {  	[spmem:s3] =	stream.indirect.scatter.add.f32 [tilespmem:s5], [sflag:$0x10], $0x80, s10, s28, $0xb8;
	[tilespmem:$0x1E5F8] =	vst v63  }
0x270: {  	_ = 	snop  }
0x271: {  	[spmem:s6] =	stream.indirect.scatter.add.f32 [tilespmem:s26], [sflag:$0x10], $0x1, s10, s28, $0xb8;
	[tilespmem:$0x1E5F8] =	vst v63  }
0x272: {  	_ =	swait.ge [sflag:s20], $0x2800  }
0x273: {  	[sflag:s20] =	ssyncset.done $0x0  }
0x274: {  	[sflag:s20] =	ssyncadd.s32 $0xFFFFD800  }
0x275: {  	_ =	swait.ge [sflag:s20], $0x50  }
0x276: {  	[sflag:s20] =	ssyncset.done $0x0  }
0x277: {  	s13 =	simm.s32 $0x6;
	[sflag:s20] =	ssyncadd.s32 $0xFFFFFFB0  }
0x278: {  	_ =	swait.ge [sflag:s13], $0x50  }
0x279: {  	[sflag:s13] =	ssyncset.done $0x0  }
0x27a: {  	[sflag:s13] =	ssyncadd.s32 $0xFFFFFFB0  }
0x27b: {  	_ =	swait.ge [sflag:s13], $0x50  }
0x27c: {  	[sflag:s13] =	ssyncset.done $0x0  }
0x27d: {  	s7 =	simm.s32 $0x3000;
	[sflag:s13] =	ssyncadd.s32 $0xFFFFFFB0  }
0x27e: {  	[tilespmem:s7], [sflag:$0xA] =	stream.indirect.gather [hbm4b:s30+s28], $0x80, s8, s28, $0xb8;
	[tilespmem:$0x1E5F8] =	vst v63  }
0x27f: {  	s16 =	rddreg [dreg:$0x19]  }
0x280: {  	[tilespmem:s4], [sflag:$0x1] =	stream.linear.gather [hbm4b:s16+s4], $0x50, $0x38;
	[tilespmem:$0x1E5F8] =	vst v63  }
0x281: {  	s22 =	rddreg [dreg:$0x1a];
	s8 =	simm.s32 $0x400;
	s16 =	simm.s32 $0x9  }
0x282: {  	[tilespmem:s8], [sflag:$0x1] =	stream.linear.gather [hbm4b:s22+s4], $0x50, $0x38;
	[tilespmem:$0x1E5F8] =	vst v63  }
0x283: {  	_ =	swait.ge [sflag:s16], $0x2800  }
0x284: {  	[sflag:s16] =	ssyncset.done $0x0  }
0x285: {  	s24 =	simm.s32 $0x600;
	[sflag:s16] =	ssyncadd.s32 $0xFFFFD800  }
0x286: {  	[spmem:s3] =	stream.indirect.scatter.add.f32 [tilespmem:s14], [sflag:$0xD], $0x80, s24, s28, $0xb8;
	[tilespmem:$0x1E5F8] =	vst v63  }
0x287: {  	_ = 	snop  }
0x288: {  	[spmem:s6] =	stream.indirect.scatter.add.f32 [tilespmem:s26], [sflag:$0xD], $0x1, s24, s28, $0xb8;
	[tilespmem:$0x1E5F8] =	vst v63  }
0x289: {  	_ =	swait.ge [sflag:s19], $0x2800  }
0x28a: {  	[sflag:s19] =	ssyncset.done $0x0  }
0x28b: {  	[sflag:s19] =	ssyncadd.s32 $0xFFFFD800  }
0x28c: {  	_ =	swait.ge [sflag:s19], $0x50  }
0x28d: {  	[sflag:s19] =	ssyncset.done $0x0  }
0x28e: {  	s25 =	simm.s32 $0x7;
	[sflag:s19] =	ssyncadd.s32 $0xFFFFFFB0  }
0x28f: {  	_ =	swait.ge [sflag:s25], $0x50  }
0x290: {  	[sflag:s25] =	ssyncset.done $0x0  }
0x291: {  	[sflag:s25] =	ssyncadd.s32 $0xFFFFFFB0  }
0x292: {  	_ =	swait.ge [sflag:s25], $0x50  }
0x293: {  	[sflag:s25] =	ssyncset.done $0x0  }
0x294: {  	[sflag:s25] =	ssyncadd.s32 $0xFFFFFFB0  }
0x295: {  	[tilespmem:s11], [sflag:$0xB] =	stream.indirect.gather [hbm4b:s30+s28], $0x80, s0, s28, $0xb8;
	[tilespmem:$0x1E5F8] =	vst v63  }
0x296: {  	s13 =	simm.s32 $0x80;
	s9 =	rddreg [dreg:$0x1b]  }
0x297: {  	[tilespmem:s13], [sflag:$0x2] =	stream.linear.gather [hbm4b:s9+s4], $0x50, $0x38;
	[tilespmem:$0x1E5F8] =	vst v63  }
0x298: {  	s24 =	simm.s32 $0x480;
	s22 =	rddreg [dreg:$0x1c];
	s9 =	simm.s32 $0xA  }
0x299: {  	[tilespmem:s24], [sflag:$0x2] =	stream.linear.gather [hbm4b:s22+s4], $0x50, $0x38;
	[tilespmem:$0x1E5F8] =	vst v63  }
0x29a: {  	_ =	swait.ge [sflag:s9], $0x2800  }
0x29b: {  	[sflag:s9] =	ssyncset.done $0x0  }
0x29c: {  	s25 =	simm.s32 $0x680;
	[sflag:s9] =	ssyncadd.s32 $0xFFFFD800  }
0x29d: {  	[spmem:s3] =	stream.indirect.scatter.add.f32 [tilespmem:s7], [sflag:$0xE], $0x80, s25, s28, $0xb8;
	[tilespmem:$0x1E5F8] =	vst v63  }
0x29e: {  	_ = 	snop  }
0x29f: {  	[spmem:s6] =	stream.indirect.scatter.add.f32 [tilespmem:s26], [sflag:$0xE], $0x1, s25, s28, $0xb8;
	[tilespmem:$0x1E5F8] =	vst v63  }
0x2a0: {  	_ =	swait.ge [sflag:s21], $0x2800  }
0x2a1: {  	[sflag:s21] =	ssyncset.done $0x0  }
0x2a2: {  	[sflag:s21] =	ssyncadd.s32 $0xFFFFD800  }
0x2a3: {  	_ =	swait.ge [sflag:s21], $0x50  }
0x2a4: {  	[sflag:s21] =	ssyncset.done $0x0  }
0x2a5: {  	s10 =	simm.s32 $0x8;
	[sflag:s21] =	ssyncadd.s32 $0xFFFFFFB0  }
0x2a6: {  	_ =	swait.ge [sflag:s10], $0x50  }
0x2a7: {  	[sflag:s10] =	ssyncset.done $0x0  }
0x2a8: {  	[sflag:s10] =	ssyncadd.s32 $0xFFFFFFB0  }
0x2a9: {  	_ =	swait.ge [sflag:s10], $0x50  }
0x2aa: {  	[sflag:s10] =	ssyncset.done $0x0  }
0x2ab: {  	[sflag:s10] =	ssyncadd.s32 $0xFFFFFFB0  }
0x2ac: {  	[tilespmem:s5], [sflag:$0xC] =	stream.indirect.gather [hbm4b:s30+s28], $0x80, s2, s28, $0xb8;
	[tilespmem:$0x1E5F8] =	vst v63  }
0x2ad: {  	_ =	swait.ge [sflag:s23], $0x2800  }
0x2ae: {  	[sflag:s23] =	ssyncset.done $0x0  }
0x2af: {  	[sflag:s23] =	ssyncadd.s32 $0xFFFFD800  }
0x2b0: {  	[spmem:s3] =	stream.indirect.scatter.add.f32 [tilespmem:s11], [sflag:$0xF], $0x80, s12, s28, $0xb8;
	[tilespmem:$0x1E5F8] =	vst v63  }
0x2b1: {  	_ = 	snop  }
0x2b2: {  	[spmem:s6] =	stream.indirect.scatter.add.f32 [tilespmem:s26], [sflag:$0xF], $0x1, s12, s28, $0xb8;
	[tilespmem:$0x1E5F8] =	vst v63  }
0x2b3: {  	_ =	swait.ge [sflag:s18], $0x2800  }
0x2b4: {  	[sflag:s18] =	ssyncset.done $0x0  }
0x2b5: {  	[sflag:s18] =	ssyncadd.s32 $0xFFFFD800  }
0x2b6: {  	_ =	swait.ge [sflag:s18], $0x50  }
0x2b7: {  	[sflag:s18] =	ssyncset.done $0x0  }
0x2b8: {  	s12 =	simm.s32 $0x1;
	[sflag:s18] =	ssyncadd.s32 $0xFFFFFFB0  }
0x2b9: {  	_ =	swait.ge [sflag:s12], $0x50  }
0x2ba: {  	[sflag:s12] =	ssyncset.done $0x0  }
0x2bb: {  	[sflag:s12] =	ssyncadd.s32 $0xFFFFFFB0  }
0x2bc: {  	_ =	swait.ge [sflag:s12], $0x50  }
0x2bd: {  	[sflag:s12] =	ssyncset.done $0x0  }
0x2be: {  	[sflag:s12] =	ssyncadd.s32 $0xFFFFFFB0  }
0x2bf: {  	[tilespmem:s14], [sflag:$0x9] =	stream.indirect.gather [hbm4b:s30+s28], $0x80, s4, s28, $0xb8;
	[tilespmem:$0x1E5F8] =	vst v63  }
0x2c0: {  	_ =	swait.ge [sflag:s17], $0x2800  }
0x2c1: {  	[sflag:s17] =	ssyncset.done $0x0  }
0x2c2: {  	[sflag:s17] =	ssyncadd.s32 $0xFFFFD800  }
0x2c3: {  	[spmem:s3] =	stream.indirect.scatter.add.f32 [tilespmem:s5], [sflag:$0x10], $0x80, s15, s28, $0xb8;
	[tilespmem:$0x1E5F8] =	vst v63  }
0x2c4: {  	_ = 	snop  }
0x2c5: {  	[spmem:s6] =	stream.indirect.scatter.add.f32 [tilespmem:s26], [sflag:$0x10], $0x1, s15, s28, $0xb8;
	[tilespmem:$0x1E5F8] =	vst v63  }
0x2c6: {  	_ =	swait.ge [sflag:s20], $0x2800  }
0x2c7: {  	[sflag:s20] =	ssyncset.done $0x0  }
0x2c8: {  	[sflag:s20] =	ssyncadd.s32 $0xFFFFD800  }
0x2c9: {  	_ =	swait.ge [sflag:s20], $0x50  }
0x2ca: {  	[sflag:s20] =	ssyncset.done $0x0  }
0x2cb: {  	s15 =	simm.s32 $0x2;
	[sflag:s20] =	ssyncadd.s32 $0xFFFFFFB0  }
0x2cc: {  	_ =	swait.ge [sflag:s15], $0x50  }
0x2cd: {  	[sflag:s15] =	ssyncset.done $0x0  }
0x2ce: {  	[sflag:s15] =	ssyncadd.s32 $0xFFFFFFB0  }
0x2cf: {  	_ =	swait.ge [sflag:s15], $0x50  }
0x2d0: {  	[sflag:s15] =	ssyncset.done $0x0  }
0x2d1: {  	[sflag:s15] =	ssyncadd.s32 $0xFFFFFFB0  }
0x2d2: {  	[tilespmem:s7], [sflag:$0xA] =	stream.indirect.gather [hbm4b:s30+s28], $0x80, s13, s28, $0xb8;
	[tilespmem:$0x1E5F8] =	vst v63  }
0x2d3: {  	_ =	swait.ge [sflag:s16], $0x2800  }
0x2d4: {  	[sflag:s16] =	ssyncset.done $0x0  }
0x2d5: {  	[sflag:s16] =	ssyncadd.s32 $0xFFFFD800  }
0x2d6: {  	[spmem:s3] =	stream.indirect.scatter.add.f32 [tilespmem:s14], [sflag:$0xD], $0x80, s8, s28, $0xb8;
	[tilespmem:$0x1E5F8] =	vst v63  }
0x2d7: {  	_ = 	snop  }
0x2d8: {  	[spmem:s6] =	stream.indirect.scatter.add.f32 [tilespmem:s26], [sflag:$0xD], $0x1, s8, s28, $0xb8;
	[tilespmem:$0x1E5F8] =	vst v63  }
0x2d9: {  	_ =	swait.ge [sflag:s19], $0x2800  }
0x2da: {  	[sflag:s19] =	ssyncset.done $0x0  }
0x2db: {  	[sflag:s19] =	ssyncadd.s32 $0xFFFFD800  }
0x2dc: {  	_ =	swait.ge [sflag:s19], $0x50  }
0x2dd: {  	[sflag:s19] =	ssyncset.done $0x0  }
0x2de: {  	[sflag:s19] =	ssyncadd.s32 $0xFFFFFFB0  }
0x2df: {  	_ =	swait.ge [sflag:s9], $0x2800  }
0x2e0: {  	[sflag:s9] =	ssyncset.done $0x0  }
0x2e1: {  	[sflag:s9] =	ssyncadd.s32 $0xFFFFD800  }
0x2e2: {  	[spmem:s3] =	stream.indirect.scatter.add.f32 [tilespmem:s7], [sflag:$0xE], $0x80, s24, s28, $0xb8;
	[tilespmem:$0x1E5F8] =	vst v63  }
0x2e3: {  	_ = 	snop  }
0x2e4: {  	[spmem:s6] =	stream.indirect.scatter.add.f32 [tilespmem:s26], [sflag:$0xE], $0x1, s24, s28, $0xb8;
	[tilespmem:$0x1E5F8] =	vst v63  }
0x2e5: {  	_ =	swait.ge [sflag:s21], $0x2800  }
0x2e6: {  	[sflag:s21] =	ssyncset.done $0x0  }
0x2e7: {  	[sflag:s21] =	ssyncadd.s32 $0xFFFFD800  }
0x2e8: {  	_ =	swait.ge [sflag:s21], $0x50  }
0x2e9: {  	[sflag:s21] =	ssyncset.done $0x0  }
0x2ea: {  	[sflag:s21] =	ssyncadd.s32 $0xFFFFFFB0  }
0x2eb: {  	_ =	swait.ge [sflag:s18], $0x2800  }
0x2ec: {  	[sflag:s18] =	ssyncset.done $0x0  }
0x2ed: {  	[sflag:s18] =	ssyncadd.s32 $0xFFFFD800  }
0x2ee: {  	_ =	swait.ge [sflag:s18], $0x50  }
0x2ef: {  	[sflag:s18] =	ssyncset.done $0x0  }
0x2f0: {  	[sflag:s18] =	ssyncadd.s32 $0xFFFFFFB0  }
0x2f1: {  	_ =	swait.ge [sflag:s20], $0x2800  }
0x2f2: {  	[sflag:s20] =	ssyncset.done $0x0  }
0x2f3: {  	[sflag:s20] =	ssyncadd.s32 $0xFFFFD800  }
0x2f4: {  	_ =	swait.ge [sflag:s20], $0x50  }
0x2f5: {  	[sflag:s20] =	ssyncset.done $0x0  }
0x2f6: {  	s16 =	stileid.u32;
	[sflag:s20] =	ssyncadd.s32 $0xFFFFFFB0  }
0x2f7: {  	s10 =	sshll.u32 s16, $0x6;
	[bflag:$0x0] =	sbarrier.arrive $0xFFFF  }
0x2f8: {  	s10 =	sor.u32 $0x1C11, s10;
	s17 =	rddreg [dreg:$0x1f]  }
0x2f9: {  	s19 =	simm.s32 $0x11;
	s18 =	rddreg [dreg:$0xd];
	s13 =	sshrl.u32 s17, $0x3  }
0x2fa: {  	[hbm:s18], [sflag:s10] =	dma.local [spmem:s13], $0x2700  }
0x2fb: {  	_ =	swait.ge [sflag:s19], $0x2700  }
0x2fc: {  	s20 =	sld [smem:$0x7F3]  }
0x2fd: {  	[sflag:s19] =	ssyncset.done $0x0  }
0x2fe: {  	s21 =	simm.s32 $0xA880;
	[sflag:s19] =	ssyncadd.s32 $0xFFFFD900  }
0x2ff: {  	[tilespmem:s21], [sflag:$0x11] =	stream.linear.gather [spmem:s20], $0x270, $0x38;
	[tilespmem:$0x1E5F8] =	vst v63  }
0x300: {  	_ =	swait.ge [sflag:s19], $0x270  }
0x301: {  	[sflag:s19] =	ssyncset.done $0x0  }
0x302: {  	s24 =	rddreg [dreg:$0x1d];
	[sflag:s19] =	ssyncadd.s32 $0xFFFFFD90  }
0x303: {  	[hbm4b:s24+s4] =	stream.linear.scatter [tilespmem:s21], [sflag:$0x11], $0x270, $0x38;
	[tilespmem:$0x1E5F8] =	vst v63  }
0x304: {  	_ =	swait.ge [sflag:s19], $0x270  }
0x305: {  	s13 =	sld [smem:$0x7FC];
	_ =	sdelay $0x1  }
0x306: {  	[sflag:s19] =	ssyncset.done $0x0  }
0x307: {  	s22 =	rddreg [dreg:$0xe];
	[sflag:s19] =	ssyncadd.s32 $0xFFFFFD90;
	s13 =	sshrl.u32 @!p0 s13, $0x3  }
0x308: {  	[hbm:s22], [sflag:s10] =	dma.local @!p0 [spmem:s13], $0x100  }
0x309: {  	s10 =	simm.s32 @!p0 $0x11  }
0x30a: {  	_ =	swait.ge @!p0 [sflag:s10], $0x100  }
0x30b: {  	s22 =	sld [smem:$0x7FD]  }
0x30c: {  	[sflag:s10] =	ssyncset.done @!p0 $0x0  }
0x30d: {  	s13 =	simm.s32 @!p0 $0xA800;
	[sflag:s10] =	ssyncadd.s32 @!p0 $0xFFFFFF00  }
0x30e: {  	[tilespmem:s13], [sflag:$0x11] =	stream.linear.gather @!p0 [spmem:s22], $0x10, $0x38;
	[tilespmem:$0x1E5F8] =	vst v63  }
0x30f: {  	_ =	swait.ge @!p0 [sflag:s10], $0x10  }
0x310: {  	[sflag:s10] =	ssyncset.done @!p0 $0x0  }
0x311: {  	s22 =	simm.s32 @!p0 $0x0;
	s23 =	rddreg [dreg:$0x1e];
	[sflag:s10] =	ssyncadd.s32 @!p0 $0xFFFFFFF0  }
0x312: {  	[hbm4b:s23+s22] =	stream.linear.scatter @!p0 [tilespmem:s13], [sflag:$0x11], $0x10, $0x38;
	[tilespmem:$0x1E5F8] =	vst v63  }
0x313: {  	_ =	swait.ge @!p0 [sflag:s10], $0x10  }
0x314: {  	s25 =	sld [smem:$0x7F2]  }
0x315: {  	s26 =	sld [smem:$0x7F4];
	_ =	sdelay $0x1  }
0x316: {  	s0 =	sadd.s32 $0x1, s25  }
0x317: {  	s29 =	simm.s32 $0x4;
	p1 =	sne.s32 s0, s26  }
.Ltmp2:
0x318: {  	s31 =	smov.u32 s6;
	s2 =	simm.s32 $0x8;
	(pc) =	sbr.rel @p1 .LBB2_1-.Ltmp2, $4  }
0x319: {  	s11 =	simm.s32 $0x3;
	s12 =	simm.s32 $0xC;
	s5 =	simm.s32 $0x2  }
0x31a: {  	s16 =	simm.s32 $0xA;
	s7 =	simm.s32 $0x9;
	s17 =	simm.s32 $0x6  }
0x31b: {  	s18 =	simm.s32 $0xB;
	s24 =	simm.s32 $0x5;
	[sflag:s10] =	ssyncset.done @!p0 $0x0  }
0x31c: {  	s21 =	simm.s32 $0x7;
	[sflag:s10] =	ssyncadd.s32 @!p0 $0xFFFFFFF0;
	s26 =	simm.s32 $0x1  }
0x31d: {  	_ =	sfence.sel $0x180000  }
0x31e: {  	[bflag:$0x0] =	sbarrier.arrive $0xFFFF  }
0x31f: {  	_ =	strace $0x90000047  }
0x320: {  	s0 =	stileid.u32;
	[bflag:$0x2] =	sbarrier.arrive $0xFFFF  }
0x321: {  	p0 =	sne.s32 s0, $0x0;
	s0 =	rddreg [dreg:$0x4]  }
0x322: {  	s0 =	sadd.s32 @!p0 $0x100000, s0  }
0x323: {  	[sflag:s0] =	ssyncadd.tile.s32 @!p0 $0x1;
	_ =	shalt  }
.Lfunc_end2:
_tile_overlayer_lowered:
.L_overlay_start_2:
0x324: {  	(tag) =	ssettag $0x2  }
0x325: {  	s0 =	rddreg [dreg:$0x0];
	s2 =	stileid.u32  }
0x326: {  	s1 =	rddreg [dreg:$0x1];
	p0 =	sne.s32 s2, $0x0  }
0x327: {  	s3 =	rddreg [dreg:$0x2];
	[bflag:$0x3] =	sbarrier.arrive $0xFFFF;
	s2 =	simm.s32 @!p0 $0x1C11  }
0x328: {  	[timem:s3], [sflag:s2] =	dma.local @!p0 [hbm:s0], s1  }
0x329: {  	s0 =	simm.s32 @!p0 $0x11  }
0x32a: {  	_ =	swait.ge @!p0 [sflag:s0], s1  }
0x32b: {  	s1 =	ssub.s32 @!p0 $0x0, s1;
	[sflag:s0] =	ssyncset.done @!p0 $0x0  }
0x32c: {  	[sflag:s0] =	ssyncadd.s32 @!p0 s1  }
0x32d: {  	[bflag:$0x3] =	sbarrier.arrive $0xFFFF  }
0x32e: {  	_ =	shalt  }

</sc_bundles>
